<compile_context>
chip_gen: v7x
topology: tpu7x:2x2x1
jax: 0.10.2.dev20260603
libtpu: 0.0.44.dev20260713+nightly
codegen_flags: <defaults>
</compile_context>

<pallas_src>
import functools

import jax
import jax.numpy as jnp
from jax.experimental import pallas as pl
from jax.experimental.pallas import tpu as pltpu
from jax.experimental.pallas import tpu_sc as plsc

T = 2048
D = 2048
H = 16
KVH = 4
HD = 128
E = 8
TOPK = 2
NG = 4
TKG = 2
DFF = 1024
SDFF = 1024
RSF = 1.0
EPS = 1e-6
THETA = 10000.0

BT = 256
BLK = 256
NBLK = T * TOPK // BLK + E
NPAD = NBLK * BLK
NEG = -1e30

f32 = jnp.float32
bf16 = jnp.bfloat16


def _rms(x, w):
    v = jnp.mean(jnp.square(x), axis=-1, keepdims=True)
    return x * jax.lax.rsqrt(v + EPS) * w


def _dot_t(a, b):
    return jax.lax.dot_general(
        a.astype(bf16), b.astype(bf16),
        (((1,), (1,)), ((), ())), preferred_element_type=f32)


def _dot_v(a, b):
    return jax.lax.dot_general(
        a.astype(bf16), b.astype(bf16),
        (((1,), (0,)), ((), ())), preferred_element_type=f32)



def _qkv_body(x_ref, inw_ref, w_ref, o_ref):
    h = _rms(x_ref[...], inw_ref[...])
    o_ref[...] = _dot_t(h, w_ref[...])


def _qkv_call(x, in_ln_w, qkv_w):
    NT = 768
    return pl.pallas_call(
        _qkv_body,
        grid=(4, T // BT),
        in_specs=[
            pl.BlockSpec((BT, D), lambda j, i: (i, 0)),
            pl.BlockSpec((1, D), lambda j, i: (0, 0)),
            pl.BlockSpec((NT, D), lambda j, i: (j, 0)),
        ],
        out_specs=pl.BlockSpec((BT, NT), lambda j, i: (i, j)),
        out_shape=jax.ShapeDtypeStruct((T, (H + 2 * KVH) * HD), f32),
    )(x, in_ln_w.reshape(1, D), qkv_w)



def _rope_body(qkv_ref, qln_ref, kln_ref, cs_ref, q_ref, k_ref, v_ref):
    half = HD // 2
    cos = cs_ref[:, :half]
    sin = cs_ref[:, half:]
    for head in range(H + 2 * KVH):
        s = qkv_ref[:, head * HD:(head + 1) * HD]
        if head < H:
            s = _rms(s, qln_ref[...])
        elif head < H + KVH:
            s = _rms(s, kln_ref[...])
        if head < H + KVH:
            x1 = s[:, :half]
            x2 = s[:, half:]
            s = jnp.concatenate([x1 * cos - x2 * sin, x2 * cos + x1 * sin],
                                axis=1)
        sb = s
        if head < H:
            q_ref[:, head * HD:(head + 1) * HD] = sb
        elif head < H + KVH:
            k_ref[:, (head - H) * HD:(head - H + 1) * HD] = sb
        else:
            v_ref[:, (head - H - KVH) * HD:(head - H - KVH + 1) * HD] = sb


def _rope_call(qkv, q_ln_w, k_ln_w, cs):
    return pl.pallas_call(
        _rope_body,
        grid=(T // BT,),
        in_specs=[
            pl.BlockSpec((BT, (H + 2 * KVH) * HD), lambda i: (i, 0)),
            pl.BlockSpec((1, HD), lambda i: (0, 0)),
            pl.BlockSpec((1, HD), lambda i: (0, 0)),
            pl.BlockSpec((BT, HD), lambda i: (i, 0)),
        ],
        out_specs=[
            pl.BlockSpec((BT, H * HD), lambda i: (i, 0)),
            pl.BlockSpec((BT, KVH * HD), lambda i: (i, 0)),
            pl.BlockSpec((BT, KVH * HD), lambda i: (i, 0)),
        ],
        out_shape=[
            jax.ShapeDtypeStruct((T, H * HD), f32),
            jax.ShapeDtypeStruct((T, KVH * HD), f32),
            jax.ShapeDtypeStruct((T, KVH * HD), f32),
        ],
    )(qkv, q_ln_w.reshape(1, HD), k_ln_w.reshape(1, HD), cs)



def _attn_body(q_ref, k_ref, v_ref, o_ref, s_ref):
    i = pl.program_id(1)
    q = q_ref[...]
    scale = HD ** -0.5
    rows = jax.lax.broadcasted_iota(jnp.int32, (BT, BT), 0)
    cols = jax.lax.broadcasted_iota(jnp.int32, (BT, BT), 1)
    diag_ok = cols <= rows

    def pass1(j, m):
        c = _dot_t(q, k_ref[pl.ds(j * BT, BT), :]) * scale
        c = jnp.where((j == i) & ~diag_ok, NEG, c)
        s_ref[:, pl.ds(j * BT, BT)] = c
        return jnp.maximum(m, jnp.max(c, axis=1, keepdims=True))

    m = jax.lax.fori_loop(0, i + 1, pass1,
                          jnp.full((BT, 1), NEG, f32))

    def pass2(j, carry):
        l, acc = carry
        p = jnp.exp(s_ref[:, pl.ds(j * BT, BT)] - m)
        pv = _dot_v(p, v_ref[pl.ds(j * BT, BT), :])
        return l + jnp.sum(p, axis=1, keepdims=True), acc + pv

    l, acc = jax.lax.fori_loop(
        0, i + 1, pass2,
        (jnp.zeros((BT, 1), f32), jnp.zeros((BT, HD), f32)))
    o_ref[...] = acc / l


def _attn_call(q, k, v):
    rep = H // KVH
    return pl.pallas_call(
        _attn_body,
        grid=(H, T // BT),
        in_specs=[
            pl.BlockSpec((BT, HD), lambda h, i: (i, h)),
            pl.BlockSpec((T, HD), lambda h, i: (0, h // rep)),
            pl.BlockSpec((T, HD), lambda h, i: (0, h // rep)),
        ],
        out_specs=pl.BlockSpec((BT, HD), lambda h, i: (i, h)),
        out_shape=jax.ShapeDtypeStruct((T, H * HD), f32),
        scratch_shapes=[pltpu.VMEM((BT, T), f32)],
    )(q, k, v)



def _oproj_body(a_ref, w_ref, r_ref, x_ref):
    x_ref[...] = _dot_t(a_ref[...], w_ref[...]) + r_ref[...]


def _oproj_call(attn, o_w, resid):
    NT = 1024
    return pl.pallas_call(
        _oproj_body,
        grid=(D // NT, T // BT),
        in_specs=[
            pl.BlockSpec((BT, H * HD), lambda j, i: (i, 0)),
            pl.BlockSpec((NT, H * HD), lambda j, i: (j, 0)),
            pl.BlockSpec((BT, NT), lambda j, i: (i, j)),
        ],
        out_specs=pl.BlockSpec((BT, NT), lambda j, i: (i, j)),
        out_shape=jax.ShapeDtypeStruct((T, D), f32),
    )(attn, o_w, resid)



def _route_body(x_ref, pw_ref, gw_ref, eb_ref, h2_ref, rt_ref):
    h2 = _rms(x_ref[...], pw_ref[...])
    h2_ref[...] = h2
    h2r = h2.astype(bf16).astype(f32)
    sig = []
    sfc = []
    for e in range(E):
        gwr = gw_ref[e:e + 1, :].astype(bf16).astype(f32)
        gl = jnp.sum(h2r * gwr, axis=1, keepdims=True)
        s = jax.nn.sigmoid(gl)
        sig.append(s)
        sfc.append(s + eb_ref[0:1, e:e + 1])
    gs = [sfc[2 * g] + sfc[2 * g + 1] for g in range(NG)]
    gok = []
    for g in range(NG):
        cnt = jnp.zeros_like(gs[0], dtype=jnp.int32)
        for g2 in range(NG):
            if g2 == g:
                continue
            beats = (gs[g2] > gs[g]) if g2 > g else (gs[g2] >= gs[g])
            cnt = cnt + beats.astype(jnp.int32)
        gok.append(cnt < TKG)
    mf = [jnp.where(gok[e // 2], sfc[e], NEG) for e in range(E)]
    rank = []
    for e in range(E):
        cnt = jnp.zeros_like(mf[0], dtype=jnp.int32)
        for e2 in range(E):
            if e2 == e:
                continue
            beats = (mf[e2] > mf[e]) if e2 > e else (mf[e2] >= mf[e])
            cnt = cnt + beats.astype(jnp.int32)
        rank.append(cnt)
    zero = jnp.zeros_like(sig[0])
    id0 = zero
    id1 = zero
    w0 = zero
    w1 = zero
    for e in range(E):
        is0 = (rank[e] == 0).astype(f32)
        is1 = (rank[e] == 1).astype(f32)
        id0 = id0 + is0 * e
        id1 = id1 + is1 * e
        w0 = w0 + is0 * sig[e]
        w1 = w1 + is1 * sig[e]
    tot = w0 + w1 + 1e-20
    rt_ref[...] = jnp.concatenate(
        [id0, id1, (w0 / tot) * RSF, (w1 / tot) * RSF], axis=1)


def _route_call(x, post_ln_w, gate_w, e_bias):
    return pl.pallas_call(
        _route_body,
        grid=(T // BT,),
        in_specs=[
            pl.BlockSpec((BT, D), lambda i: (i, 0)),
            pl.BlockSpec((1, D), lambda i: (0, 0)),
            pl.BlockSpec((E, D), lambda i: (0, 0)),
            pl.BlockSpec((1, E), lambda i: (0, 0)),
        ],
        out_specs=[
            pl.BlockSpec((BT, D), lambda i: (i, 0)),
            pl.BlockSpec((BT, 4), lambda i: (i, 0)),
        ],
        out_shape=[
            jax.ShapeDtypeStruct((T, D), f32),
            jax.ShapeDtypeStruct((T, 4), f32),
        ],
    )(x, post_ln_w.reshape(1, D), gate_w, e_bias.reshape(1, E))



def _shact_body(h2_ref, wg_ref, wu_ref, a_ref):
    h2 = h2_ref[...]
    g = _dot_t(h2, wg_ref[...])
    u = _dot_t(h2, wu_ref[...])
    a_ref[...] = jax.nn.silu(g) * u


def _shact_call(h2, sw_gate_up):
    NT = 512
    return pl.pallas_call(
        _shact_body,
        grid=(SDFF // NT, T // BT),
        in_specs=[
            pl.BlockSpec((BT, D), lambda j, i: (i, 0)),
            pl.BlockSpec((NT, D), lambda j, i: (j, 0)),
            pl.BlockSpec((NT, D), lambda j, i: (j + SDFF // NT, 0)),
        ],
        out_specs=pl.BlockSpec((BT, NT), lambda j, i: (i, j)),
        out_shape=jax.ShapeDtypeStruct((T, SDFF), f32),
    )(h2, sw_gate_up, sw_gate_up)



def _eact_body(be_ref, xg_ref, wg_ref, wu_ref, a_ref):
    x = xg_ref[...]
    g = _dot_t(x, wg_ref[0, 0])
    u = _dot_t(x, wu_ref[0, 0])
    a_ref[...] = jax.nn.silu(g) * u


def _eact_call(block_expert, xg, w_gate_up):
    FT = 512
    NF = DFF // FT
    wgu = w_gate_up.reshape(E, 2 * DFF // FT, FT, D)
    grid_spec = pltpu.PrefetchScalarGridSpec(
        num_scalar_prefetch=1,
        grid=(NF, NBLK),
        in_specs=[
            pl.BlockSpec((BLK, D), lambda f, b, be: (b, 0)),
            pl.BlockSpec((1, 1, FT, D), lambda f, b, be: (be[b], f, 0, 0)),
            pl.BlockSpec((1, 1, FT, D), lambda f, b, be: (be[b], f + NF, 0, 0)),
        ],
        out_specs=pl.BlockSpec((BLK, FT), lambda f, b, be: (b, f)),
    )
    return pl.pallas_call(
        _eact_body,
        grid_spec=grid_spec,
        out_shape=jax.ShapeDtypeStruct((NPAD, DFF), f32),
    )(block_expert, xg, wgu, wgu)



def _edown_body(be_ref, a_ref, wd_ref, y_ref):
    y_ref[...] = _dot_t(a_ref[...], wd_ref[0])


def _edown_call(block_expert, act, w_down):
    grid_spec = pltpu.PrefetchScalarGridSpec(
        num_scalar_prefetch=1,
        grid=(NBLK,),
        in_specs=[
            pl.BlockSpec((BLK, DFF), lambda b, be: (b, 0)),
            pl.BlockSpec((1, D, DFF), lambda b, be: (be[b], 0, 0)),
        ],
        out_specs=pl.BlockSpec((BLK, D), lambda b, be: (b, 0)),
    )
    return pl.pallas_call(
        _edown_body,
        grid_spec=grid_spec,
        out_shape=jax.ShapeDtypeStruct((NPAD, D), f32),
    )(block_expert, act, w_down)



def _sc_gather_impl(data, idx):
    M = idx.shape[1]
    W = 128
    CW = data.shape[1]
    mesh = plsc.VectorSubcoreMesh(core_axis_name="core",
                                  subcore_axis_name="subcore")

    @functools.partial(
        pl.kernel,
        out_type=jax.ShapeDtypeStruct((M, CW), data.dtype),
        mesh=mesh)
    def gk(x_hbm, i_hbm, o_hbm):
        def body(i_vmem, o_vmem):
            pltpu.sync_copy(x_hbm.at[i_vmem.at[0]], o_vmem)

        pltpu.emit_pipeline(
            body,
            grid=(M // W,),
            in_specs=[pl.BlockSpec((1, W), lambda i: (0, i))],
            out_specs=[pl.BlockSpec((W, CW), lambda i: (i, 0))],
            core_axis_name=("core", "subcore"),
            dimension_semantics=(pltpu.PARALLEL,),
        )(i_hbm, o_hbm)

    return gk(data, idx)


def _sc_gather(data, idx, split=8):
    n, c = data.shape
    m = idx.shape[1]
    cw = c // split
    d2 = data.reshape(n * split, cw)
    idx2 = (idx[0][:, None] * split
            + jnp.arange(split, dtype=jnp.int32)[None, :]).reshape(1, -1)
    out2 = _sc_gather_impl(d2, idx2)
    return out2.reshape(m, c)



def _comb_body(x_ref, a_ref, wd_ref, rt_ref, y0_ref, y1_ref, o_ref):
    sy = _dot_t(a_ref[...], wd_ref[...])
    w0 = rt_ref[:, 2:3]
    w1 = rt_ref[:, 3:4]
    o_ref[...] = x_ref[...] + sy + w0 * y0_ref[...] + w1 * y1_ref[...]


def _comb_call(x, a_sh, sw_down, route, yg):
    return pl.pallas_call(
        _comb_body,
        grid=(T // BT,),
        in_specs=[
            pl.BlockSpec((BT, D), lambda i: (i, 0)),
            pl.BlockSpec((BT, SDFF), lambda i: (i, 0)),
            pl.BlockSpec((D, SDFF), lambda i: (0, 0)),
            pl.BlockSpec((BT, 4), lambda i: (i, 0)),
            pl.BlockSpec((BT, D), lambda i: (i, 0)),
            pl.BlockSpec((BT, D), lambda i: (i + T // BT, 0)),
        ],
        out_specs=pl.BlockSpec((BT, D), lambda i: (i, 0)),
        out_shape=jax.ShapeDtypeStruct((T, D), f32),
    )(x, a_sh, sw_down, route, yg, yg)



def _dispatch(route):
    ids = route[:, :TOPK].astype(jnp.int32)
    flat_e = ids.reshape(-1)
    n = T * TOPK
    order = jnp.argsort(flat_e, stable=True)
    sorted_e = flat_e[order]
    counts = jnp.sum((flat_e[None, :] == jnp.arange(E)[:, None]), axis=1)
    padded = ((counts + BLK - 1) // BLK) * BLK
    pad_end = jnp.cumsum(padded)
    pad_start = pad_end - padded
    start = jnp.cumsum(counts) - counts
    rank = jnp.arange(n, dtype=jnp.int32) - start[sorted_e].astype(jnp.int32)
    dest = (pad_start[sorted_e].astype(jnp.int32) + rank)
    sorted_t = (order // TOPK).astype(jnp.int32)
    row_token = jnp.zeros((NPAD,), jnp.int32).at[dest].set(sorted_t)
    inv = jnp.zeros((n,), jnp.int32).at[order].set(dest)
    g01 = inv.reshape(T, TOPK)
    gidx = jnp.concatenate([g01[:, 0], g01[:, 1]]).reshape(1, 2 * T)
    block_expert = jnp.clip(
        jnp.searchsorted(pad_end, jnp.arange(NBLK) * BLK, side="right"),
        0, E - 1).astype(jnp.int32)
    return row_token.reshape(1, NPAD), gidx, block_expert


def kernel(positions, hidden_states, in_ln_w, qkv_w, q_ln_w, k_ln_w, o_w,
           post_ln_w, gate_w, e_bias, w_gate_up, w_down, sw_gate_up, sw_down):
    half = HD // 2
    inv_f = 1.0 / (THETA ** (jnp.arange(half, dtype=f32) / half))
    f = positions.astype(f32)[:, None] * inv_f[None, :]
    cs = jnp.concatenate([jnp.cos(f), jnp.sin(f)], axis=1)

    qkv = _qkv_call(hidden_states, in_ln_w, qkv_w)
    q, k, v = _rope_call(qkv, q_ln_w, k_ln_w, cs)
    attn = _attn_call(q, k, v)
    x = _oproj_call(attn, o_w, hidden_states)
    h2, route = _route_call(x, post_ln_w, gate_w, e_bias)

    row_token, gidx, block_expert = _dispatch(route)
    a_sh = _shact_call(h2, sw_gate_up)
    xg = _sc_gather(h2, row_token)
    act = _eact_call(block_expert, xg, w_gate_up)
    yf = _edown_call(block_expert, act, w_down)
    yg = _sc_gather(yf, gidx)
    return _comb_call(x, a_sh, sw_down, route, yg)

# --- scband reference (transcript-rebuilt; emitter-appended) ---
"""Pipeline reference for scband-param2-mo-edecoder-layer-29076928594670 (READ-ONLY COPY).

The authoritative reference and input builder live on the scoring server;
editing this copy changes nothing except your own understanding.
"""

import jax, jax.numpy as jnp
import numpy as np

T = 2048
D = 2048
H = 16
KVH = 4
HD = 128
E = 8
TOPK = 2
NG = 4
TKG = 2
DFF = 1024
SDFF = 1024
RSF = 1.0
EPS = 1e-6
THETA = 10000.0


def setup_inputs(seed: int = 0) -> dict:
    key = jax.random.key(seed)
    ks = jax.random.split(key, 12)
    sc = 0.02
    inp = {}
    inp["positions"] = jnp.arange(T, dtype=jnp.int32)
    inp["hidden_states"] = jax.random.normal(ks[0], (T, D), dtype=jnp.float32)
    inp["in_ln_w"] = jnp.ones((D,), jnp.float32)
    inp["qkv_w"] = jax.random.normal(ks[1], ((H + 2 * KVH) * HD, D), jnp.float32) * sc
    inp["q_ln_w"] = jnp.ones((HD,), jnp.float32)
    inp["k_ln_w"] = jnp.ones((HD,), jnp.float32)
    inp["o_w"] = jax.random.normal(ks[2], (D, H * HD), jnp.float32) * sc
    inp["post_ln_w"] = jnp.ones((D,), jnp.float32)
    inp["gate_w"] = jax.random.normal(ks[3], (E, D), jnp.float32) * sc
    inp["e_bias"] = jax.random.normal(ks[4], (E,), jnp.float32) * 0.01
    inp["w_gate_up"] = jax.random.normal(ks[5], (E, 2 * DFF, D), jnp.float32) * sc
    inp["w_down"] = jax.random.normal(ks[6], (E, D, DFF), jnp.float32) * sc
    inp["sw_gate_up"] = jax.random.normal(ks[7], (2 * SDFF, D), jnp.float32) * sc
    inp["sw_down"] = jax.random.normal(ks[8], (D, SDFF), jnp.float32) * sc
    return inp


def _rmsnorm(x, w):
    v = jnp.mean(jnp.square(x), axis=-1, keepdims=True)
    return x * jax.lax.rsqrt(v + EPS) * w


def _rope(positions, x):
    # neox-style rotary on full head_dim
    half = HD // 2
    inv = 1.0 / (THETA ** (jnp.arange(half, dtype=jnp.float32) / half))
    f = positions.astype(jnp.float32)[:, None] * inv[None, :]
    cos = jnp.cos(f)[:, None, :]
    sin = jnp.sin(f)[:, None, :]
    x1, x2 = x[..., :half], x[..., half:]
    return jnp.concatenate([x1 * cos - x2 * sin, x2 * cos + x1 * sin], axis=-1)


def _forward(positions, hidden_states, in_ln_w, qkv_w, q_ln_w, k_ln_w, o_w, post_ln_w, gate_w, e_bias, w_gate_up, w_down, sw_gate_up, sw_down):
    residual = hidden_states
    h = _rmsnorm(hidden_states, in_ln_w)
    # --- attention (GQA, fused qkv, per-head qk RMSNorm, rope) ---
    qkv = h @ qkv_w.T
    q = qkv[:, : H * HD].reshape(T, H, HD)
    k = qkv[:, H * HD : (H + KVH) * HD].reshape(T, KVH, HD)
    v = qkv[:, (H + KVH) * HD :].reshape(T, KVH, HD)
    q = _rmsnorm(q, q_ln_w)
    k = _rmsnorm(k, k_ln_w)
    q = _rope(positions, q)
    k = _rope(positions, k)
    rep = H // KVH
    kf = jnp.repeat(k, rep, axis=1)
    vf = jnp.repeat(v, rep, axis=1)
    scale = HD ** -0.5
    scores = jnp.einsum('thd,shd->hts', q, kf) * scale
    causal = jnp.tril(jnp.ones((T, T), dtype=bool))
    scores = jnp.where(causal[None, :, :], scores, -1e30)
    probs = jax.nn.softmax(scores, axis=-1)
    attn = jnp.einsum('hts,shd->thd', probs, vf).reshape(T, H * HD)
    attn_out = attn @ o_w.T
    x = residual + attn_out
    # --- MoE block ---
    h2 = _rmsnorm(x, post_ln_w)
    logits = h2 @ gate_w.T
    scores_r = jax.nn.sigmoid(logits)
    sfc = scores_r + e_bias[None, :]
    grp = sfc.reshape(T, NG, E // NG)
    gtop = jax.lax.top_k(grp, min(2, E // NG))[0]
    gscore = jnp.sum(gtop, axis=-1)
    _, gidx = jax.lax.top_k(gscore, TKG)
    gmask = jnp.sum(jax.nn.one_hot(gidx, NG, dtype=sfc.dtype), axis=1)
    smask = jnp.repeat(gmask, E // NG, axis=1)
    masked = jnp.where(smask > 0, sfc, -jnp.inf)
    _, topk_ids = jax.lax.top_k(masked, TOPK)
    tw = jnp.take_along_axis(scores_r, topk_ids, axis=1)
    tw = tw / (jnp.sum(tw, axis=-1, keepdims=True) + 1e-20)
    tw = tw * RSF
    dense_w = jnp.sum(jax.nn.one_hot(topk_ids, E, dtype=tw.dtype) * tw[..., None], axis=1)
    routed = jnp.zeros((T, D), jnp.float32)
    for e in range(E):
        gu = h2 @ w_gate_up[e].T
        g, u = gu[:, :DFF], gu[:, DFF:]
        y = (jax.nn.silu(g) * u) @ w_down[e].T
        routed = routed + dense_w[:, e : e + 1] * y
    sgu = h2 @ sw_gate_up.T
    sy = (jax.nn.silu(sgu[:, :SDFF]) * sgu[:, SDFF:]) @ sw_down.T
    moe_out = routed + sy
    return x + moe_out


def reference(positions, hidden_states, in_ln_w, qkv_w, q_ln_w, k_ln_w, o_w, post_ln_w, gate_w, e_bias, w_gate_up, w_down, sw_gate_up, sw_down):
    return _forward(positions, hidden_states, in_ln_w, qkv_w, q_ln_w, k_ln_w, o_w, post_ln_w, gate_w, e_bias, w_gate_up, w_down, sw_gate_up, sw_down)

if __name__ == "__main__":
    import jax
    _d = setup_inputs()
    print(jax.jit(kernel)(*tuple(_d.values())))

</pallas_src>

<mosaic_0001>
#map = affine_map<(d0, d1) -> (0, 0)>
module attributes {stable_mosaic.version = 14 : i64} {
  func.func @gk(%arg0: i32, %arg1: i32, %arg2: memref<16384x256xf32, #tpu.memory_space<hbm>>, %arg3: memref<1x49152xi32, #tpu.memory_space<hbm>>, %arg4: memref<49152x256xf32, #tpu.memory_space<hbm>>) attributes {dimension_semantics = [#tpu.dimension_semantics<core_parallel>, #tpu.dimension_semantics<subcore_parallel>], iteration_bounds = array<i64: 2, 16>, scalar_prefetch = 0 : i64, scratch_operands = 0 : i64, tpu.core_type = #tpu.core_type<sc_vector_subcore>, window_params = [{transform_indices = #map}, {transform_indices = #map}, {transform_indices = #map}]} {
    %mul3A = arith.constant 1 : i32
    %mul3A_0 = arith.muli %arg1, %mul3A : i32
    %add3A = arith.constant 0 : i32
    %add3A_1 = arith.addi %add3A, %mul3A_0 : i32
    %mul3A_2 = arith.constant 16 : i32
    %mul3A_3 = arith.muli %arg0, %mul3A_2 : i32
    %add3A_4 = arith.addi %add3A_1, %mul3A_3 : i32
    %mul3A_5 = arith.constant 12 : i32
    %mul3A_6 = arith.muli %add3A_4, %mul3A_5 : i32
    "tpu.region"() ({
      %run_scoped3A = memref.alloca() : memref<2x1x128xi32, #tpu.memory_space<vmem>>
      %run_scoped3A_7 = tpu.sem_alloc : memref<2x!tpu.dma_semaphore, #tpu.memory_space<semaphore_mem>>
      %run_scoped3A_8 = memref.alloca() : memref<2x128x256xf32, #tpu.memory_space<vmem>>
      %run_scoped3A_9 = tpu.sem_alloc : memref<2x!tpu.dma_semaphore, #tpu.memory_space<semaphore_mem>>
      %add3A_10 = arith.constant 0 : i32
      %add3A_11 = arith.addi %add3A_10, %mul3A_6 : i32
      %select_n3A = arith.constant true
      %select_n3A_12 = arith.constant 0 : i32
      %select_n3A_13 = arith.constant -1 : i32
      %select_n3A_14 = arith.select %select_n3A, %select_n3A_13, %select_n3A_12 : i32
      %eq3A = arith.constant -1 : i32
      %eq3A_15 = arith.cmpi eq, %select_n3A_14, %eq3A : i32
      %select_n3A_16 = arith.constant 11 : i32
      %select_n3A_17 = arith.select %eq3A_15, %select_n3A_16, %select_n3A_14 : i32
      %add3A_18 = arith.addi %select_n3A_17, %mul3A_6 : i32
      %select_n3A_19 = arith.constant true
      %select_n3A_20 = arith.constant 0 : i32
      %select_n3A_21 = arith.constant 1 : i32
      %select_n3A_22 = arith.select %select_n3A_19, %select_n3A_21, %select_n3A_20 : i32
      %eq3A_23 = arith.constant 12 : i32
      %eq3A_24 = arith.cmpi eq, %select_n3A_22, %eq3A_23 : i32
      %select_n3A_25 = arith.constant 0 : i32
      %select_n3A_26 = arith.select %eq3A_24, %select_n3A_25, %select_n3A_22 : i32
      %add3A_27 = arith.addi %select_n3A_26, %mul3A_6 : i32
      %add3A_28 = arith.constant 1 : i32
      %add3A_29 = arith.addi %select_n3A_26, %add3A_28 : i32
      %select_n3A_30 = arith.constant true
      %select_n3A_31 = arith.select %select_n3A_30, %add3A_29, %select_n3A_26 : i32
      %eq3A_32 = arith.constant 12 : i32
      %eq3A_33 = arith.cmpi eq, %select_n3A_31, %eq3A_32 : i32
      %select_n3A_34 = arith.constant 0 : i32
      %select_n3A_35 = arith.select %eq3A_33, %select_n3A_34, %select_n3A_31 : i32
      %add3A_36 = arith.addi %select_n3A_35, %mul3A_6 : i32
      "tpu.trace_start"() <{level = 10 : i32, message = "ep_initialize_0"}> : () -> ()
      %rem3A = arith.constant 0 : i32
      %rem3A_37 = arith.constant 2 : i32
      %rem3A_38 = arith.remui %rem3A, %rem3A_37 : i32
      %mul3A_39 = arith.constant 128 : i32
      %mul3A_40 = arith.muli %mul3A_39, %add3A_11 : i32
      %dma_start3A = arith.constant 0 : i32
      %dma_start3A_41 = arith.constant 0 : i32
      %dma_start3A_42 = tpu.memref_slice %run_scoped3A[%rem3A_38, %dma_start3A, %dma_start3A_41] : memref<2x1x128xi32, #tpu.memory_space<vmem>> -> memref<1x1x128xi32, #tpu.memory_space<vmem>>
      %dma_start3A_43 = tpu.memref_squeeze %dma_start3A_42 : memref<1x1x128xi32, #tpu.memory_space<vmem>> -> memref<1x128xi32, #tpu.memory_space<vmem>>
      %dma_start3A_44 = arith.constant 0 : i32
      %dma_start3A_45 = tpu.memref_slice %arg3[%dma_start3A_44, %mul3A_40] : memref<1x49152xi32, #tpu.memory_space<hbm>> -> memref<1x128xi32, #tpu.memory_space<hbm>>
      %dma_start3A_46 = tpu.memref_slice %run_scoped3A_7[%rem3A_38] : memref<2x!tpu.dma_semaphore, #tpu.memory_space<semaphore_mem>> -> memref<1x!tpu.dma_semaphore, #tpu.memory_space<semaphore_mem>>
      %dma_start3A_47 = tpu.memref_squeeze %dma_start3A_46 : memref<1x!tpu.dma_semaphore, #tpu.memory_space<semaphore_mem>> -> memref<!tpu.dma_semaphore, #tpu.memory_space<semaphore_mem>>
      %dma_start3A_48 = arith.constant 0 : i32
      %dma_start3A_49 = arith.constant 0 : i32
      %dma_start3A_50 = tpu.memref_slice %run_scoped3A[%rem3A_38, %dma_start3A_48, %dma_start3A_49] : memref<2x1x128xi32, #tpu.memory_space<vmem>> -> memref<1x1x128xi32, #tpu.memory_space<vmem>>
      %dma_start3A_51 = tpu.memref_squeeze %dma_start3A_50 : memref<1x1x128xi32, #tpu.memory_space<vmem>> -> memref<1x128xi32, #tpu.memory_space<vmem>>
      %dma_start3A_52 = arith.constant 0 : i32
      %dma_start3A_53 = tpu.memref_slice %arg3[%dma_start3A_52, %mul3A_40] : memref<1x49152xi32, #tpu.memory_space<hbm>> -> memref<1x128xi32, #tpu.memory_space<hbm>>
      tpu.enqueue_dma source(%dma_start3A_53 : memref<1x128xi32, #tpu.memory_space<hbm>>) target(%dma_start3A_51 : memref<1x128xi32, #tpu.memory_space<vmem>>) target_semaphore(%dma_start3A_47 : memref<!tpu.dma_semaphore, #tpu.memory_space<semaphore_mem>>)
      %add3A_54 = arith.constant 0 : i32
      %add3A_55 = arith.constant 1 : i32
      %add3A_56 = arith.addi %add3A_54, %add3A_55 : i32
      %select_n3A_57 = arith.constant true
      %select_n3A_58 = arith.constant 0 : i32
      %select_n3A_59 = arith.select %select_n3A_57, %add3A_56, %select_n3A_58 : i32
      "tpu.trace_stop"() : () -> ()
      %scan3A = arith.constant 0 : i32
      %scan3A_60 = arith.constant 0 : i32
      %scan3A_61 = arith.constant 0 : i32
      %scan3A_62 = arith.constant 0 : i32
      %scan3A_63 = arith.constant 0 : i32
      %scan3A_64 = arith.constant 12 : i32
      %scan3A_65 = arith.addi %scan3A_63, %scan3A_64 : i32
      %scan3A_66 = arith.constant 1 : i32
      %scan3A_67:5 = scf.for %scan3A_121 = %scan3A_63 to %scan3A_65 step %scan3A_66 iter_args(%scan3A_122 = %select_n3A_59, %scan3A_123 = %scan3A, %scan3A_124 = %scan3A_60, %scan3A_125 = %scan3A_61, %scan3A_126 = %scan3A_62) -> (i32, i32, i32, i32, i32)  : i32 {
        %eq3A_127 = arith.constant 0 : i32
        %eq3A_128 = arith.cmpi eq, %scan3A_121, %eq3A_127 : i32
        %eq3A_129 = arith.constant 11 : i32
        %eq3A_130 = arith.cmpi eq, %scan3A_121, %eq3A_129 : i32
        %add3A_131 = arith.addi %scan3A_126, %mul3A_6 : i32
        %sub3A_132 = arith.constant 1 : i32
        %sub3A_133 = arith.subi %scan3A_126, %sub3A_132 : i32
        %select_n3A_134 = arith.constant true
        %select_n3A_135 = arith.select %select_n3A_134, %sub3A_133, %scan3A_126 : i32
        %eq3A_136 = arith.constant -1 : i32
        %eq3A_137 = arith.cmpi eq, %select_n3A_135, %eq3A_136 : i32
        %select_n3A_138 = arith.constant 11 : i32
        %select_n3A_139 = arith.select %eq3A_137, %select_n3A_138, %select_n3A_135 : i32
        %add3A_140 = arith.addi %select_n3A_139, %mul3A_6 : i32
        %add3A_141 = arith.constant 1 : i32
        %add3A_142 = arith.addi %scan3A_126, %add3A_141 : i32
        %select_n3A_143 = arith.constant true
        %select_n3A_144 = arith.select %select_n3A_143, %add3A_142, %scan3A_126 : i32
        %eq3A_145 = arith.constant 12 : i32
        %eq3A_146 = arith.cmpi eq, %select_n3A_144, %eq3A_145 : i32
        %select_n3A_147 = arith.constant 0 : i32
        %select_n3A_148 = arith.select %eq3A_146, %select_n3A_147, %select_n3A_144 : i32
        %add3A_149 = arith.addi %select_n3A_148, %mul3A_6 : i32
        %add3A_150 = arith.constant 1 : i32
        %add3A_151 = arith.addi %select_n3A_148, %add3A_150 : i32
        %select_n3A_152 = arith.constant true
        %select_n3A_153 = arith.select %select_n3A_152, %add3A_151, %select_n3A_148 : i32
        %eq3A_154 = arith.constant 12 : i32
        %eq3A_155 = arith.cmpi eq, %select_n3A_153, %eq3A_154 : i32
        %select_n3A_156 = arith.constant 0 : i32
        %select_n3A_157 = arith.select %eq3A_155, %select_n3A_156, %select_n3A_153 : i32
        %add3A_158 = arith.addi %select_n3A_157, %mul3A_6 : i32
        %ne3A = arith.cmpi ne, %add3A_131, %add3A_149 : i32
        %or3A = arith.constant false
        %or3A_159 = arith.ori %or3A, %ne3A : i1
        %ge3A = arith.constant 11 : i32
        %ge3A_160 = arith.cmpi sge, %scan3A_121, %ge3A : i32
        %not3A = arith.constant true
        %not3A_161 = arith.xori %ge3A_160, %not3A : i1
        %and3A = arith.andi %or3A_159, %not3A_161 : i1
        %convert_element_type3A = arith.extui %and3A : i1 to i32
        %cond3A = arith.constant 0 : i32
        %cond3A_162 = arith.cmpi ne, %convert_element_type3A, %cond3A : i32
        scf.if %cond3A_162 {
          "tpu.trace_start"() <{level = 10 : i32, message = "ep_copy_in"}> : () -> ()
          %rem3A_264 = arith.constant 2 : i32
          %rem3A_265 = arith.remui %scan3A_122, %rem3A_264 : i32
          %mul3A_266 = arith.constant 128 : i32
          %mul3A_267 = arith.muli %mul3A_266, %add3A_149 : i32
          %dma_start3A_268 = arith.constant 0 : i32
          %dma_start3A_269 = arith.constant 0 : i32
          %dma_start3A_270 = tpu.memref_slice %run_scoped3A[%rem3A_265, %dma_start3A_268, %dma_start3A_269] : memref<2x1x128xi32, #tpu.memory_space<vmem>> -> memref<1x1x128xi32, #tpu.memory_space<vmem>>
          %dma_start3A_271 = tpu.memref_squeeze %dma_start3A_270 : memref<1x1x128xi32, #tpu.memory_space<vmem>> -> memref<1x128xi32, #tpu.memory_space<vmem>>
          %dma_start3A_272 = arith.constant 0 : i32
          %dma_start3A_273 = tpu.memref_slice %arg3[%dma_start3A_272, %mul3A_267] : memref<1x49152xi32, #tpu.memory_space<hbm>> -> memref<1x128xi32, #tpu.memory_space<hbm>>
          %dma_start3A_274 = tpu.memref_slice %run_scoped3A_7[%rem3A_265] : memref<2x!tpu.dma_semaphore, #tpu.memory_space<semaphore_mem>> -> memref<1x!tpu.dma_semaphore, #tpu.memory_space<semaphore_mem>>
          %dma_start3A_275 = tpu.memref_squeeze %dma_start3A_274 : memref<1x!tpu.dma_semaphore, #tpu.memory_space<semaphore_mem>> -> memref<!tpu.dma_semaphore, #tpu.memory_space<semaphore_mem>>
          %dma_start3A_276 = arith.constant 0 : i32
          %dma_start3A_277 = arith.constant 0 : i32
          %dma_start3A_278 = tpu.memref_slice %run_scoped3A[%rem3A_265, %dma_start3A_276, %dma_start3A_277] : memref<2x1x128xi32, #tpu.memory_space<vmem>> -> memref<1x1x128xi32, #tpu.memory_space<vmem>>
          %dma_start3A_279 = tpu.memref_squeeze %dma_start3A_278 : memref<1x1x128xi32, #tpu.memory_space<vmem>> -> memref<1x128xi32, #tpu.memory_space<vmem>>
          %dma_start3A_280 = arith.constant 0 : i32
          %dma_start3A_281 = tpu.memref_slice %arg3[%dma_start3A_280, %mul3A_267] : memref<1x49152xi32, #tpu.memory_space<hbm>> -> memref<1x128xi32, #tpu.memory_space<hbm>>
          tpu.enqueue_dma source(%dma_start3A_281 : memref<1x128xi32, #tpu.memory_space<hbm>>) target(%dma_start3A_279 : memref<1x128xi32, #tpu.memory_space<vmem>>) target_semaphore(%dma_start3A_275 : memref<!tpu.dma_semaphore, #tpu.memory_space<semaphore_mem>>)
          "tpu.trace_stop"() : () -> ()
        } else {
        }
        %and3A_163 = arith.constant true
        %and3A_164 = arith.andi %and3A, %and3A_163 : i1
        %add3A_165 = arith.constant 1 : i32
        %add3A_166 = arith.addi %scan3A_122, %add3A_165 : i32
        %select_n3A_167 = arith.select %and3A_164, %add3A_166, %scan3A_122 : i32
        %ne3A_168 = arith.cmpi ne, %add3A_131, %add3A_149 : i32
        %or3A_169 = arith.constant false
        %or3A_170 = arith.ori %or3A_169, %ne3A_168 : i1
        %or3A_171 = arith.constant false
        %or3A_172 = arith.ori %or3A_170, %or3A_171 : i1
        %ge3A_173 = arith.constant 11 : i32
        %ge3A_174 = arith.cmpi sge, %scan3A_121, %ge3A_173 : i32
        %not3A_175 = arith.constant true
        %not3A_176 = arith.xori %ge3A_174, %not3A_175 : i1
        %and3A_177 = arith.andi %or3A_172, %not3A_176 : i1
        %ne3A_178 = arith.cmpi ne, %add3A_131, %add3A_140 : i32
        %or3A_179 = arith.constant false
        %or3A_180 = arith.ori %or3A_179, %ne3A_178 : i1
        %or3A_181 = arith.ori %or3A_180, %eq3A_128 : i1
        %convert_element_type3A_182 = arith.extui %or3A_181 : i1 to i32
        %cond3A_183 = arith.constant 0 : i32
        %cond3A_184 = arith.cmpi ne, %convert_element_type3A_182, %cond3A_183 : i32
        scf.if %cond3A_184 {
          "tpu.trace_start"() <{level = 10 : i32, message = "ep_wait_in"}> : () -> ()
          %mul3A_264 = arith.constant 128 : i32
          %mul3A_265 = arith.muli %mul3A_264, %add3A_131 : i32
          %rem3A_266 = arith.constant 2 : i32
          %rem3A_267 = arith.remui %scan3A_123, %rem3A_266 : i32
          %dma_wait3A_268 = arith.constant 0 : i32
          %dma_wait3A_269 = arith.constant 0 : i32
          %dma_wait3A_270 = tpu.memref_slice %run_scoped3A[%rem3A_267, %dma_wait3A_268, %dma_wait3A_269] : memref<2x1x128xi32, #tpu.memory_space<vmem>> -> memref<1x1x128xi32, #tpu.memory_space<vmem>>
          %dma_wait3A_271 = tpu.memref_squeeze %dma_wait3A_270 : memref<1x1x128xi32, #tpu.memory_space<vmem>> -> memref<1x128xi32, #tpu.memory_space<vmem>>
          %dma_wait3A_272 = arith.constant 0 : i32
          %dma_wait3A_273 = tpu.memref_slice %arg3[%dma_wait3A_272, %mul3A_265] : memref<1x49152xi32, #tpu.memory_space<hbm>> -> memref<1x128xi32, #tpu.memory_space<hbm>>
          %dma_wait3A_274 = tpu.memref_slice %run_scoped3A_7[%rem3A_267] : memref<2x!tpu.dma_semaphore, #tpu.memory_space<semaphore_mem>> -> memref<1x!tpu.dma_semaphore, #tpu.memory_space<semaphore_mem>>
          %dma_wait3A_275 = tpu.memref_squeeze %dma_wait3A_274 : memref<1x!tpu.dma_semaphore, #tpu.memory_space<semaphore_mem>> -> memref<!tpu.dma_semaphore, #tpu.memory_space<semaphore_mem>>
          %dma_wait3A_276 = arith.constant 0 : i32
          %dma_wait3A_277 = arith.constant 0 : i32
          %dma_wait3A_278 = tpu.memref_slice %run_scoped3A[%rem3A_267, %dma_wait3A_276, %dma_wait3A_277] : memref<2x1x128xi32, #tpu.memory_space<vmem>> -> memref<1x1x128xi32, #tpu.memory_space<vmem>>
          %dma_wait3A_279 = tpu.memref_squeeze %dma_wait3A_278 : memref<1x1x128xi32, #tpu.memory_space<vmem>> -> memref<1x128xi32, #tpu.memory_space<vmem>>
          %dma_wait3A_280 = arith.constant 0 : i32
          %dma_wait3A_281 = tpu.memref_slice %arg3[%dma_wait3A_280, %mul3A_265] : memref<1x49152xi32, #tpu.memory_space<hbm>> -> memref<1x128xi32, #tpu.memory_space<hbm>>
          tpu.wait_dma2 semaphore(%dma_wait3A_275 : memref<!tpu.dma_semaphore, #tpu.memory_space<semaphore_mem>>) src(%dma_wait3A_281 : memref<1x128xi32, #tpu.memory_space<hbm>>) dst(%dma_wait3A_279 : memref<1x128xi32, #tpu.memory_space<vmem>>)
          "tpu.trace_stop"() : () -> ()
        } else {
        }
        %ne3A_185 = arith.cmpi ne, %add3A_131, %add3A_140 : i32
        %or3A_186 = arith.constant false
        %or3A_187 = arith.ori %or3A_186, %ne3A_185 : i1
        %or3A_188 = arith.constant false
        %or3A_189 = arith.ori %or3A_187, %or3A_188 : i1
        %or3A_190 = arith.ori %or3A_189, %eq3A_128 : i1
        %convert_element_type3A_191 = arith.extui %or3A_190 : i1 to i32
        %cond3A_192 = arith.constant 0 : i32
        %cond3A_193 = arith.cmpi ne, %convert_element_type3A_191, %cond3A_192 : i32
        scf.if %cond3A_193 {
        } else {
        }
        %rem3A_194 = arith.constant 2 : i32
        %rem3A_195 = arith.remui %scan3A_123, %rem3A_194 : i32
        %rem3A_196 = arith.constant 2 : i32
        %rem3A_197 = arith.remui %scan3A_124, %rem3A_196 : i32
        %run_scoped3A_198 = arith.constant 0 : i32
        "tpu.trace_start"() <{level = 10 : i32, message = "ep_run_kernel"}> : () -> ()
        "tpu.region"() ({
          %run_scoped3A_264 = tpu.sem_alloc : memref<!tpu.dma_semaphore, #tpu.memory_space<semaphore_mem>>
          %dma_start3A_265 = arith.constant 0 : i32
          %dma_start3A_266 = arith.constant 0 : i32
          %dma_start3A_267 = tpu.memref_slice %run_scoped3A_8[%rem3A_197, %dma_start3A_265, %dma_start3A_266] : memref<2x128x256xf32, #tpu.memory_space<vmem>> -> memref<1x128x256xf32, #tpu.memory_space<vmem>>
          %dma_start3A_268 = tpu.memref_squeeze %dma_start3A_267 : memref<1x128x256xf32, #tpu.memory_space<vmem>> -> memref<128x256xf32, #tpu.memory_space<vmem>>
          %dma_start3A_269 = arith.constant 0 : i32
          %dma_start3A_270 = arith.constant 0 : i32
          %dma_start3A_271 = tpu.memref_slice %run_scoped3A[%rem3A_195, %dma_start3A_269, %dma_start3A_270] : memref<2x1x128xi32, #tpu.memory_space<vmem>> -> memref<1x1x128xi32, #tpu.memory_space<vmem>>
          %dma_start3A_272 = tpu.memref_squeeze %dma_start3A_271 : memref<1x1x128xi32, #tpu.memory_space<vmem>> -> memref<1x128xi32, #tpu.memory_space<vmem>>
          %dma_start3A_273 = arith.constant 0 : i32
          %dma_start3A_274 = tpu.memref_slice %dma_start3A_272[%run_scoped3A_198, %dma_start3A_273] : memref<1x128xi32, #tpu.memory_space<vmem>> -> memref<1x128xi32, #tpu.memory_space<vmem>>
          %dma_start3A_275 = tpu.memref_squeeze %dma_start3A_274 : memref<1x128xi32, #tpu.memory_space<vmem>> -> memref<128xi32, #tpu.memory_space<vmem>>
          %dma_start3A_276 = arith.constant 0 : i32
          %dma_start3A_277 = arith.constant 0 : i32
          %dma_start3A_278 = tpu.memref_slice %arg2[%dma_start3A_276, %dma_start3A_277] : memref<16384x256xf32, #tpu.memory_space<hbm>> -> memref<16384x256xf32, #tpu.memory_space<hbm>>
          tpu.enqueue_indirect_dma source(%dma_start3A_278 : memref<16384x256xf32, #tpu.memory_space<hbm>>) target(%dma_start3A_268 : memref<128x256xf32, #tpu.memory_space<vmem>>) offsets(%dma_start3A_275 : memref<128xi32, #tpu.memory_space<vmem>>) semaphore(%run_scoped3A_264 : memref<!tpu.dma_semaphore, #tpu.memory_space<semaphore_mem>>)
          %dma_wait3A_279 = arith.constant 0 : i32
          %dma_wait3A_280 = arith.constant 0 : i32
          %dma_wait3A_281 = tpu.memref_slice %run_scoped3A_8[%rem3A_197, %dma_wait3A_279, %dma_wait3A_280] : memref<2x128x256xf32, #tpu.memory_space<vmem>> -> memref<1x128x256xf32, #tpu.memory_space<vmem>>
          %dma_wait3A_282 = tpu.memref_squeeze %dma_wait3A_281 : memref<1x128x256xf32, #tpu.memory_space<vmem>> -> memref<128x256xf32, #tpu.memory_space<vmem>>
          %dma_wait3A_283 = arith.constant 0 : i32
          %dma_wait3A_284 = arith.constant 0 : i32
          %dma_wait3A_285 = tpu.memref_slice %run_scoped3A[%rem3A_195, %dma_wait3A_283, %dma_wait3A_284] : memref<2x1x128xi32, #tpu.memory_space<vmem>> -> memref<1x1x128xi32, #tpu.memory_space<vmem>>
          %dma_wait3A_286 = tpu.memref_squeeze %dma_wait3A_285 : memref<1x1x128xi32, #tpu.memory_space<vmem>> -> memref<1x128xi32, #tpu.memory_space<vmem>>
          %dma_wait3A_287 = arith.constant 0 : i32
          %dma_wait3A_288 = tpu.memref_slice %dma_wait3A_286[%run_scoped3A_198, %dma_wait3A_287] : memref<1x128xi32, #tpu.memory_space<vmem>> -> memref<1x128xi32, #tpu.memory_space<vmem>>
          %dma_wait3A_289 = tpu.memref_squeeze %dma_wait3A_288 : memref<1x128xi32, #tpu.memory_space<vmem>> -> memref<128xi32, #tpu.memory_space<vmem>>
          %dma_wait3A_290 = arith.constant 0 : i32
          %dma_wait3A_291 = arith.constant 0 : i32
          %dma_wait3A_292 = tpu.memref_slice %arg2[%dma_wait3A_290, %dma_wait3A_291] : memref<16384x256xf32, #tpu.memory_space<hbm>> -> memref<16384x256xf32, #tpu.memory_space<hbm>>
          tpu.wait_indirect_dma semaphore(%run_scoped3A_264 : memref<!tpu.dma_semaphore, #tpu.memory_space<semaphore_mem>>) src(%dma_wait3A_292 : memref<16384x256xf32, #tpu.memory_space<hbm>>) dst(%dma_wait3A_282 : memref<128x256xf32, #tpu.memory_space<vmem>>)
          tpu.yield
        }) : () -> ()
        "tpu.trace_stop"() : () -> ()
        %ne3A_199 = arith.cmpi ne, %add3A_131, %add3A_149 : i32
        %or3A_200 = arith.constant false
        %or3A_201 = arith.ori %or3A_200, %ne3A_199 : i1
        %or3A_202 = arith.ori %or3A_201, %eq3A_130 : i1
        %convert_element_type3A_203 = arith.extui %or3A_202 : i1 to i32
        %cond3A_204 = arith.constant 0 : i32
        %cond3A_205 = arith.cmpi ne, %convert_element_type3A_203, %cond3A_204 : i32
        scf.if %cond3A_205 {
        } else {
        }
        %and3A_206 = arith.constant false
        %and3A_207 = arith.andi %or3A_202, %and3A_206 : i1
        %ne3A_208 = arith.cmpi ne, %add3A_131, %add3A_149 : i32
        %or3A_209 = arith.constant false
        %or3A_210 = arith.ori %or3A_209, %ne3A_208 : i1
        %or3A_211 = arith.constant false
        %or3A_212 = arith.ori %or3A_210, %or3A_211 : i1
        %or3A_213 = arith.ori %or3A_212, %eq3A_130 : i1
        %convert_element_type3A_214 = arith.extui %or3A_213 : i1 to i32
        %cond3A_215 = arith.constant 0 : i32
        %cond3A_216 = arith.cmpi ne, %convert_element_type3A_214, %cond3A_215 : i32
        scf.if %cond3A_216 {
          "tpu.trace_start"() <{level = 10 : i32, message = "ep_copy_out"}> : () -> ()
          %rem3A_264 = arith.constant 2 : i32
          %rem3A_265 = arith.remui %scan3A_124, %rem3A_264 : i32
          %mul3A_266 = arith.constant 128 : i32
          %mul3A_267 = arith.muli %mul3A_266, %add3A_131 : i32
          %dma_start3A_268 = arith.constant 0 : i32
          %dma_start3A_269 = arith.constant 0 : i32
          %dma_start3A_270 = tpu.memref_slice %run_scoped3A_8[%rem3A_265, %dma_start3A_268, %dma_start3A_269] : memref<2x128x256xf32, #tpu.memory_space<vmem>> -> memref<1x128x256xf32, #tpu.memory_space<vmem>>
          %dma_start3A_271 = tpu.memref_squeeze %dma_start3A_270 : memref<1x128x256xf32, #tpu.memory_space<vmem>> -> memref<128x256xf32, #tpu.memory_space<vmem>>
          %dma_start3A_272 = arith.constant 0 : i32
          %dma_start3A_273 = tpu.memref_slice %arg4[%mul3A_267, %dma_start3A_272] : memref<49152x256xf32, #tpu.memory_space<hbm>> -> memref<128x256xf32, #tpu.memory_space<hbm>>
          %dma_start3A_274 = tpu.memref_slice %run_scoped3A_9[%rem3A_265] : memref<2x!tpu.dma_semaphore, #tpu.memory_space<semaphore_mem>> -> memref<1x!tpu.dma_semaphore, #tpu.memory_space<semaphore_mem>>
          %dma_start3A_275 = tpu.memref_squeeze %dma_start3A_274 : memref<1x!tpu.dma_semaphore, #tpu.memory_space<semaphore_mem>> -> memref<!tpu.dma_semaphore, #tpu.memory_space<semaphore_mem>>
          %dma_start3A_276 = arith.constant 0 : i32
          %dma_start3A_277 = tpu.memref_slice %arg4[%mul3A_267, %dma_start3A_276] : memref<49152x256xf32, #tpu.memory_space<hbm>> -> memref<128x256xf32, #tpu.memory_space<hbm>>
          %dma_start3A_278 = arith.constant 0 : i32
          %dma_start3A_279 = arith.constant 0 : i32
          %dma_start3A_280 = tpu.memref_slice %run_scoped3A_8[%rem3A_265, %dma_start3A_278, %dma_start3A_279] : memref<2x128x256xf32, #tpu.memory_space<vmem>> -> memref<1x128x256xf32, #tpu.memory_space<vmem>>
          %dma_start3A_281 = tpu.memref_squeeze %dma_start3A_280 : memref<1x128x256xf32, #tpu.memory_space<vmem>> -> memref<128x256xf32, #tpu.memory_space<vmem>>
          tpu.enqueue_dma source(%dma_start3A_281 : memref<128x256xf32, #tpu.memory_space<vmem>>) target(%dma_start3A_277 : memref<128x256xf32, #tpu.memory_space<hbm>>) target_semaphore(%dma_start3A_275 : memref<!tpu.dma_semaphore, #tpu.memory_space<semaphore_mem>>)
          "tpu.trace_stop"() : () -> ()
        } else {
        }
        %and3A_217 = arith.constant true
        %and3A_218 = arith.andi %or3A_213, %and3A_217 : i1
        %add3A_219 = arith.constant 1 : i32
        %add3A_220 = arith.addi %scan3A_124, %add3A_219 : i32
        %select_n3A_221 = arith.select %and3A_218, %add3A_220, %scan3A_124 : i32
        %ne3A_222 = arith.cmpi ne, %add3A_131, %add3A_140 : i32
        %or3A_223 = arith.constant false
        %or3A_224 = arith.ori %or3A_223, %ne3A_222 : i1
        %not3A_225 = arith.constant true
        %not3A_226 = arith.xori %eq3A_128, %not3A_225 : i1
        %and3A_227 = arith.andi %or3A_224, %not3A_226 : i1
        %convert_element_type3A_228 = arith.extui %and3A_227 : i1 to i32
        %cond3A_229 = arith.constant 0 : i32
        %cond3A_230 = arith.cmpi ne, %convert_element_type3A_228, %cond3A_229 : i32
        scf.if %cond3A_230 {
        } else {
        }
        %and3A_231 = arith.constant false
        %and3A_232 = arith.andi %and3A_227, %and3A_231 : i1
        %ne3A_233 = arith.cmpi ne, %add3A_131, %add3A_140 : i32
        %or3A_234 = arith.constant false
        %or3A_235 = arith.ori %or3A_234, %ne3A_233 : i1
        %or3A_236 = arith.constant false
        %or3A_237 = arith.ori %or3A_235, %or3A_236 : i1
        %not3A_238 = arith.constant true
        %not3A_239 = arith.xori %eq3A_128, %not3A_238 : i1
        %and3A_240 = arith.andi %or3A_237, %not3A_239 : i1
        %convert_element_type3A_241 = arith.extui %and3A_240 : i1 to i32
        %cond3A_242 = arith.constant 0 : i32
        %cond3A_243 = arith.cmpi ne, %convert_element_type3A_241, %cond3A_242 : i32
        scf.if %cond3A_243 {
          "tpu.trace_start"() <{level = 10 : i32, message = "ep_wait_out"}> : () -> ()
          %rem3A_264 = arith.constant 2 : i32
          %rem3A_265 = arith.remui %scan3A_125, %rem3A_264 : i32
          %mul3A_266 = arith.constant 128 : i32
          %mul3A_267 = arith.muli %mul3A_266, %add3A_140 : i32
          %dma_wait3A_268 = arith.constant 0 : i32
          %dma_wait3A_269 = arith.constant 0 : i32
          %dma_wait3A_270 = tpu.memref_slice %run_scoped3A_8[%rem3A_265, %dma_wait3A_268, %dma_wait3A_269] : memref<2x128x256xf32, #tpu.memory_space<vmem>> -> memref<1x128x256xf32, #tpu.memory_space<vmem>>
          %dma_wait3A_271 = tpu.memref_squeeze %dma_wait3A_270 : memref<1x128x256xf32, #tpu.memory_space<vmem>> -> memref<128x256xf32, #tpu.memory_space<vmem>>
          %dma_wait3A_272 = arith.constant 0 : i32
          %dma_wait3A_273 = tpu.memref_slice %arg4[%mul3A_267, %dma_wait3A_272] : memref<49152x256xf32, #tpu.memory_space<hbm>> -> memref<128x256xf32, #tpu.memory_space<hbm>>
          %dma_wait3A_274 = tpu.memref_slice %run_scoped3A_9[%rem3A_265] : memref<2x!tpu.dma_semaphore, #tpu.memory_space<semaphore_mem>> -> memref<1x!tpu.dma_semaphore, #tpu.memory_space<semaphore_mem>>
          %dma_wait3A_275 = tpu.memref_squeeze %dma_wait3A_274 : memref<1x!tpu.dma_semaphore, #tpu.memory_space<semaphore_mem>> -> memref<!tpu.dma_semaphore, #tpu.memory_space<semaphore_mem>>
          %dma_wait3A_276 = arith.constant 0 : i32
          %dma_wait3A_277 = tpu.memref_slice %arg4[%mul3A_267, %dma_wait3A_276] : memref<49152x256xf32, #tpu.memory_space<hbm>> -> memref<128x256xf32, #tpu.memory_space<hbm>>
          %dma_wait3A_278 = arith.constant 0 : i32
          %dma_wait3A_279 = arith.constant 0 : i32
          %dma_wait3A_280 = tpu.memref_slice %run_scoped3A_8[%rem3A_265, %dma_wait3A_278, %dma_wait3A_279] : memref<2x128x256xf32, #tpu.memory_space<vmem>> -> memref<1x128x256xf32, #tpu.memory_space<vmem>>
          %dma_wait3A_281 = tpu.memref_squeeze %dma_wait3A_280 : memref<1x128x256xf32, #tpu.memory_space<vmem>> -> memref<128x256xf32, #tpu.memory_space<vmem>>
          tpu.wait_dma2 semaphore(%dma_wait3A_275 : memref<!tpu.dma_semaphore, #tpu.memory_space<semaphore_mem>>) src(%dma_wait3A_281 : memref<128x256xf32, #tpu.memory_space<vmem>>) dst(%dma_wait3A_277 : memref<128x256xf32, #tpu.memory_space<hbm>>)
          "tpu.trace_stop"() : () -> ()
        } else {
        }
        %and3A_244 = arith.constant true
        %and3A_245 = arith.andi %and3A_240, %and3A_244 : i1
        %add3A_246 = arith.constant 1 : i32
        %add3A_247 = arith.addi %scan3A_125, %add3A_246 : i32
        %select_n3A_248 = arith.select %and3A_245, %add3A_247, %scan3A_125 : i32
        %ne3A_249 = arith.cmpi ne, %add3A_131, %add3A_149 : i32
        %or3A_250 = arith.constant false
        %or3A_251 = arith.ori %or3A_250, %ne3A_249 : i1
        %or3A_252 = arith.ori %or3A_251, %eq3A_130 : i1
        %add3A_253 = arith.constant 1 : i32
        %add3A_254 = arith.addi %scan3A_123, %add3A_253 : i32
        %select_n3A_255 = arith.select %or3A_252, %add3A_254, %scan3A_123 : i32
        %add3A_256 = arith.constant 1 : i32
        %add3A_257 = arith.addi %scan3A_126, %add3A_256 : i32
        %select_n3A_258 = arith.constant true
        %select_n3A_259 = arith.select %select_n3A_258, %add3A_257, %scan3A_126 : i32
        %eq3A_260 = arith.constant 12 : i32
        %eq3A_261 = arith.cmpi eq, %select_n3A_259, %eq3A_260 : i32
        %select_n3A_262 = arith.constant 0 : i32
        %select_n3A_263 = arith.select %eq3A_261, %select_n3A_262, %select_n3A_259 : i32
        scf.yield %select_n3A_167, %select_n3A_255, %select_n3A_221, %select_n3A_248, %select_n3A_263 : i32, i32, i32, i32, i32
      }
      %scan3A_68 = arith.constant 12 : i32
      %sub3A = arith.constant 1 : i32
      %sub3A_69 = arith.subi %scan3A_67#4, %sub3A : i32
      %select_n3A_70 = arith.constant true
      %select_n3A_71 = arith.select %select_n3A_70, %sub3A_69, %scan3A_67#4 : i32
      %eq3A_72 = arith.constant -1 : i32
      %eq3A_73 = arith.cmpi eq, %select_n3A_71, %eq3A_72 : i32
      %select_n3A_74 = arith.constant 11 : i32
      %select_n3A_75 = arith.select %eq3A_73, %select_n3A_74, %select_n3A_71 : i32
      %add3A_76 = arith.addi %select_n3A_75, %mul3A_6 : i32
      %sub3A_77 = arith.constant 1 : i32
      %sub3A_78 = arith.subi %select_n3A_75, %sub3A_77 : i32
      %select_n3A_79 = arith.constant true
      %select_n3A_80 = arith.select %select_n3A_79, %sub3A_78, %select_n3A_75 : i32
      %eq3A_81 = arith.constant -1 : i32
      %eq3A_82 = arith.cmpi eq, %select_n3A_80, %eq3A_81 : i32
      %select_n3A_83 = arith.constant 11 : i32
      %select_n3A_84 = arith.select %eq3A_82, %select_n3A_83, %select_n3A_80 : i32
      %add3A_85 = arith.addi %select_n3A_84, %mul3A_6 : i32
      %add3A_86 = arith.constant 1 : i32
      %add3A_87 = arith.addi %select_n3A_75, %add3A_86 : i32
      %select_n3A_88 = arith.constant true
      %select_n3A_89 = arith.select %select_n3A_88, %add3A_87, %select_n3A_75 : i32
      %eq3A_90 = arith.constant 12 : i32
      %eq3A_91 = arith.cmpi eq, %select_n3A_89, %eq3A_90 : i32
      %select_n3A_92 = arith.constant 0 : i32
      %select_n3A_93 = arith.select %eq3A_91, %select_n3A_92, %select_n3A_89 : i32
      %add3A_94 = arith.addi %select_n3A_93, %mul3A_6 : i32
      %add3A_95 = arith.constant 1 : i32
      %add3A_96 = arith.addi %select_n3A_93, %add3A_95 : i32
      %select_n3A_97 = arith.constant true
      %select_n3A_98 = arith.select %select_n3A_97, %add3A_96, %select_n3A_93 : i32
      %eq3A_99 = arith.constant 12 : i32
      %eq3A_100 = arith.cmpi eq, %select_n3A_98, %eq3A_99 : i32
      %select_n3A_101 = arith.constant 0 : i32
      %select_n3A_102 = arith.select %eq3A_100, %select_n3A_101, %select_n3A_98 : i32
      %add3A_103 = arith.addi %select_n3A_102, %mul3A_6 : i32
      "tpu.trace_start"() <{level = 10 : i32, message = "ep_finalize"}> : () -> ()
      %rem3A_104 = arith.constant 2 : i32
      %rem3A_105 = arith.remui %scan3A_67#3, %rem3A_104 : i32
      %mul3A_106 = arith.constant 128 : i32
      %mul3A_107 = arith.muli %mul3A_106, %add3A_76 : i32
      %dma_wait3A = arith.constant 0 : i32
      %dma_wait3A_108 = arith.constant 0 : i32
      %dma_wait3A_109 = tpu.memref_slice %run_scoped3A_8[%rem3A_105, %dma_wait3A, %dma_wait3A_108] : memref<2x128x256xf32, #tpu.memory_space<vmem>> -> memref<1x128x256xf32, #tpu.memory_space<vmem>>
      %dma_wait3A_110 = tpu.memref_squeeze %dma_wait3A_109 : memref<1x128x256xf32, #tpu.memory_space<vmem>> -> memref<128x256xf32, #tpu.memory_space<vmem>>
      %dma_wait3A_111 = arith.constant 0 : i32
      %dma_wait3A_112 = tpu.memref_slice %arg4[%mul3A_107, %dma_wait3A_111] : memref<49152x256xf32, #tpu.memory_space<hbm>> -> memref<128x256xf32, #tpu.memory_space<hbm>>
      %dma_wait3A_113 = tpu.memref_slice %run_scoped3A_9[%rem3A_105] : memref<2x!tpu.dma_semaphore, #tpu.memory_space<semaphore_mem>> -> memref<1x!tpu.dma_semaphore, #tpu.memory_space<semaphore_mem>>
      %dma_wait3A_114 = tpu.memref_squeeze %dma_wait3A_113 : memref<1x!tpu.dma_semaphore, #tpu.memory_space<semaphore_mem>> -> memref<!tpu.dma_semaphore, #tpu.memory_space<semaphore_mem>>
      %dma_wait3A_115 = arith.constant 0 : i32
      %dma_wait3A_116 = tpu.memref_slice %arg4[%mul3A_107, %dma_wait3A_115] : memref<49152x256xf32, #tpu.memory_space<hbm>> -> memref<128x256xf32, #tpu.memory_space<hbm>>
      %dma_wait3A_117 = arith.constant 0 : i32
      %dma_wait3A_118 = arith.constant 0 : i32
      %dma_wait3A_119 = tpu.memref_slice %run_scoped3A_8[%rem3A_105, %dma_wait3A_117, %dma_wait3A_118] : memref<2x128x256xf32, #tpu.memory_space<vmem>> -> memref<1x128x256xf32, #tpu.memory_space<vmem>>
      %dma_wait3A_120 = tpu.memref_squeeze %dma_wait3A_119 : memref<1x128x256xf32, #tpu.memory_space<vmem>> -> memref<128x256xf32, #tpu.memory_space<vmem>>
      tpu.wait_dma2 semaphore(%dma_wait3A_114 : memref<!tpu.dma_semaphore, #tpu.memory_space<semaphore_mem>>) src(%dma_wait3A_120 : memref<128x256xf32, #tpu.memory_space<vmem>>) dst(%dma_wait3A_116 : memref<128x256xf32, #tpu.memory_space<hbm>>)
      "tpu.trace_stop"() : () -> ()
      tpu.yield
    }) : () -> ()
    return
  }
}

#map = affine_map<(d0, d1) -> (0, 0)>
module attributes {stable_mosaic.version = 14 : i64} {
  func.func @gk(%arg0: i32, %arg1: i32, %arg2: memref<49152x256xf32, #tpu.memory_space<hbm>>, %arg3: memref<1x32768xi32, #tpu.memory_space<hbm>>, %arg4: memref<32768x256xf32, #tpu.memory_space<hbm>>) attributes {dimension_semantics = [#tpu.dimension_semantics<core_parallel>, #tpu.dimension_semantics<subcore_parallel>], iteration_bounds = array<i64: 2, 16>, scalar_prefetch = 0 : i64, scratch_operands = 0 : i64, tpu.core_type = #tpu.core_type<sc_vector_subcore>, window_params = [{transform_indices = #map}, {transform_indices = #map}, {transform_indices = #map}]} {
    %mul3A = arith.constant 1 : i32
    %mul3A_0 = arith.muli %arg1, %mul3A : i32
    %add3A = arith.constant 0 : i32
    %add3A_1 = arith.addi %add3A, %mul3A_0 : i32
    %mul3A_2 = arith.constant 16 : i32
    %mul3A_3 = arith.muli %arg0, %mul3A_2 : i32
    %add3A_4 = arith.addi %add3A_1, %mul3A_3 : i32
    %mul3A_5 = arith.constant 8 : i32
    %mul3A_6 = arith.muli %add3A_4, %mul3A_5 : i32
    "tpu.region"() ({
      %run_scoped3A = memref.alloca() : memref<2x1x128xi32, #tpu.memory_space<vmem>>
      %run_scoped3A_7 = tpu.sem_alloc : memref<2x!tpu.dma_semaphore, #tpu.memory_space<semaphore_mem>>
      %run_scoped3A_8 = memref.alloca() : memref<2x128x256xf32, #tpu.memory_space<vmem>>
      %run_scoped3A_9 = tpu.sem_alloc : memref<2x!tpu.dma_semaphore, #tpu.memory_space<semaphore_mem>>
      %add3A_10 = arith.constant 0 : i32
      %add3A_11 = arith.addi %add3A_10, %mul3A_6 : i32
      %select_n3A = arith.constant true
      %select_n3A_12 = arith.constant 0 : i32
      %select_n3A_13 = arith.constant -1 : i32
      %select_n3A_14 = arith.select %select_n3A, %select_n3A_13, %select_n3A_12 : i32
      %eq3A = arith.constant -1 : i32
      %eq3A_15 = arith.cmpi eq, %select_n3A_14, %eq3A : i32
      %select_n3A_16 = arith.constant 7 : i32
      %select_n3A_17 = arith.select %eq3A_15, %select_n3A_16, %select_n3A_14 : i32
      %add3A_18 = arith.addi %select_n3A_17, %mul3A_6 : i32
      %select_n3A_19 = arith.constant true
      %select_n3A_20 = arith.constant 0 : i32
      %select_n3A_21 = arith.constant 1 : i32
      %select_n3A_22 = arith.select %select_n3A_19, %select_n3A_21, %select_n3A_20 : i32
      %eq3A_23 = arith.constant 8 : i32
      %eq3A_24 = arith.cmpi eq, %select_n3A_22, %eq3A_23 : i32
      %select_n3A_25 = arith.constant 0 : i32
      %select_n3A_26 = arith.select %eq3A_24, %select_n3A_25, %select_n3A_22 : i32
      %add3A_27 = arith.addi %select_n3A_26, %mul3A_6 : i32
      %add3A_28 = arith.constant 1 : i32
      %add3A_29 = arith.addi %select_n3A_26, %add3A_28 : i32
      %select_n3A_30 = arith.constant true
      %select_n3A_31 = arith.select %select_n3A_30, %add3A_29, %select_n3A_26 : i32
      %eq3A_32 = arith.constant 8 : i32
      %eq3A_33 = arith.cmpi eq, %select_n3A_31, %eq3A_32 : i32
      %select_n3A_34 = arith.constant 0 : i32
      %select_n3A_35 = arith.select %eq3A_33, %select_n3A_34, %select_n3A_31 : i32
      %add3A_36 = arith.addi %select_n3A_35, %mul3A_6 : i32
      "tpu.trace_start"() <{level = 10 : i32, message = "ep_initialize_0"}> : () -> ()
      %rem3A = arith.constant 0 : i32
      %rem3A_37 = arith.constant 2 : i32
      %rem3A_38 = arith.remui %rem3A, %rem3A_37 : i32
      %mul3A_39 = arith.constant 128 : i32
      %mul3A_40 = arith.muli %mul3A_39, %add3A_11 : i32
      %dma_start3A = arith.constant 0 : i32
      %dma_start3A_41 = arith.constant 0 : i32
      %dma_start3A_42 = tpu.memref_slice %run_scoped3A[%rem3A_38, %dma_start3A, %dma_start3A_41] : memref<2x1x128xi32, #tpu.memory_space<vmem>> -> memref<1x1x128xi32, #tpu.memory_space<vmem>>
      %dma_start3A_43 = tpu.memref_squeeze %dma_start3A_42 : memref<1x1x128xi32, #tpu.memory_space<vmem>> -> memref<1x128xi32, #tpu.memory_space<vmem>>
      %dma_start3A_44 = arith.constant 0 : i32
      %dma_start3A_45 = tpu.memref_slice %arg3[%dma_start3A_44, %mul3A_40] : memref<1x32768xi32, #tpu.memory_space<hbm>> -> memref<1x128xi32, #tpu.memory_space<hbm>>
      %dma_start3A_46 = tpu.memref_slice %run_scoped3A_7[%rem3A_38] : memref<2x!tpu.dma_semaphore, #tpu.memory_space<semaphore_mem>> -> memref<1x!tpu.dma_semaphore, #tpu.memory_space<semaphore_mem>>
      %dma_start3A_47 = tpu.memref_squeeze %dma_start3A_46 : memref<1x!tpu.dma_semaphore, #tpu.memory_space<semaphore_mem>> -> memref<!tpu.dma_semaphore, #tpu.memory_space<semaphore_mem>>
      %dma_start3A_48 = arith.constant 0 : i32
      %dma_start3A_49 = arith.constant 0 : i32
      %dma_start3A_50 = tpu.memref_slice %run_scoped3A[%rem3A_38, %dma_start3A_48, %dma_start3A_49] : memref<2x1x128xi32, #tpu.memory_space<vmem>> -> memref<1x1x128xi32, #tpu.memory_space<vmem>>
      %dma_start3A_51 = tpu.memref_squeeze %dma_start3A_50 : memref<1x1x128xi32, #tpu.memory_space<vmem>> -> memref<1x128xi32, #tpu.memory_space<vmem>>
      %dma_start3A_52 = arith.constant 0 : i32
      %dma_start3A_53 = tpu.memref_slice %arg3[%dma_start3A_52, %mul3A_40] : memref<1x32768xi32, #tpu.memory_space<hbm>> -> memref<1x128xi32, #tpu.memory_space<hbm>>
      tpu.enqueue_dma source(%dma_start3A_53 : memref<1x128xi32, #tpu.memory_space<hbm>>) target(%dma_start3A_51 : memref<1x128xi32, #tpu.memory_space<vmem>>) target_semaphore(%dma_start3A_47 : memref<!tpu.dma_semaphore, #tpu.memory_space<semaphore_mem>>)
      %add3A_54 = arith.constant 0 : i32
      %add3A_55 = arith.constant 1 : i32
      %add3A_56 = arith.addi %add3A_54, %add3A_55 : i32
      %select_n3A_57 = arith.constant true
      %select_n3A_58 = arith.constant 0 : i32
      %select_n3A_59 = arith.select %select_n3A_57, %add3A_56, %select_n3A_58 : i32
      "tpu.trace_stop"() : () -> ()
      %scan3A = arith.constant 0 : i32
      %scan3A_60 = arith.constant 0 : i32
      %scan3A_61 = arith.constant 0 : i32
      %scan3A_62 = arith.constant 0 : i32
      %scan3A_63 = arith.constant 0 : i32
      %scan3A_64 = arith.constant 8 : i32
      %scan3A_65 = arith.addi %scan3A_63, %scan3A_64 : i32
      %scan3A_66 = arith.constant 1 : i32
      %scan3A_67:5 = scf.for %scan3A_121 = %scan3A_63 to %scan3A_65 step %scan3A_66 iter_args(%scan3A_122 = %select_n3A_59, %scan3A_123 = %scan3A, %scan3A_124 = %scan3A_60, %scan3A_125 = %scan3A_61, %scan3A_126 = %scan3A_62) -> (i32, i32, i32, i32, i32)  : i32 {
        %eq3A_127 = arith.constant 0 : i32
        %eq3A_128 = arith.cmpi eq, %scan3A_121, %eq3A_127 : i32
        %eq3A_129 = arith.constant 7 : i32
        %eq3A_130 = arith.cmpi eq, %scan3A_121, %eq3A_129 : i32
        %add3A_131 = arith.addi %scan3A_126, %mul3A_6 : i32
        %sub3A_132 = arith.constant 1 : i32
        %sub3A_133 = arith.subi %scan3A_126, %sub3A_132 : i32
        %select_n3A_134 = arith.constant true
        %select_n3A_135 = arith.select %select_n3A_134, %sub3A_133, %scan3A_126 : i32
        %eq3A_136 = arith.constant -1 : i32
        %eq3A_137 = arith.cmpi eq, %select_n3A_135, %eq3A_136 : i32
        %select_n3A_138 = arith.constant 7 : i32
        %select_n3A_139 = arith.select %eq3A_137, %select_n3A_138, %select_n3A_135 : i32
        %add3A_140 = arith.addi %select_n3A_139, %mul3A_6 : i32
        %add3A_141 = arith.constant 1 : i32
        %add3A_142 = arith.addi %scan3A_126, %add3A_141 : i32
        %select_n3A_143 = arith.constant true
        %select_n3A_144 = arith.select %select_n3A_143, %add3A_142, %scan3A_126 : i32
        %eq3A_145 = arith.constant 8 : i32
        %eq3A_146 = arith.cmpi eq, %select_n3A_144, %eq3A_145 : i32
        %select_n3A_147 = arith.constant 0 : i32
        %select_n3A_148 = arith.select %eq3A_146, %select_n3A_147, %select_n3A_144 : i32
        %add3A_149 = arith.addi %select_n3A_148, %mul3A_6 : i32
        %add3A_150 = arith.constant 1 : i32
        %add3A_151 = arith.addi %select_n3A_148, %add3A_150 : i32
        %select_n3A_152 = arith.constant true
        %select_n3A_153 = arith.select %select_n3A_152, %add3A_151, %select_n3A_148 : i32
        %eq3A_154 = arith.constant 8 : i32
        %eq3A_155 = arith.cmpi eq, %select_n3A_153, %eq3A_154 : i32
        %select_n3A_156 = arith.constant 0 : i32
        %select_n3A_157 = arith.select %eq3A_155, %select_n3A_156, %select_n3A_153 : i32
        %add3A_158 = arith.addi %select_n3A_157, %mul3A_6 : i32
        %ne3A = arith.cmpi ne, %add3A_131, %add3A_149 : i32
        %or3A = arith.constant false
        %or3A_159 = arith.ori %or3A, %ne3A : i1
        %ge3A = arith.constant 7 : i32
        %ge3A_160 = arith.cmpi sge, %scan3A_121, %ge3A : i32
        %not3A = arith.constant true
        %not3A_161 = arith.xori %ge3A_160, %not3A : i1
        %and3A = arith.andi %or3A_159, %not3A_161 : i1
        %convert_element_type3A = arith.extui %and3A : i1 to i32
        %cond3A = arith.constant 0 : i32
        %cond3A_162 = arith.cmpi ne, %convert_element_type3A, %cond3A : i32
        scf.if %cond3A_162 {
          "tpu.trace_start"() <{level = 10 : i32, message = "ep_copy_in"}> : () -> ()
          %rem3A_264 = arith.constant 2 : i32
          %rem3A_265 = arith.remui %scan3A_122, %rem3A_264 : i32
          %mul3A_266 = arith.constant 128 : i32
          %mul3A_267 = arith.muli %mul3A_266, %add3A_149 : i32
          %dma_start3A_268 = arith.constant 0 : i32
          %dma_start3A_269 = arith.constant 0 : i32
          %dma_start3A_270 = tpu.memref_slice %run_scoped3A[%rem3A_265, %dma_start3A_268, %dma_start3A_269] : memref<2x1x128xi32, #tpu.memory_space<vmem>> -> memref<1x1x128xi32, #tpu.memory_space<vmem>>
          %dma_start3A_271 = tpu.memref_squeeze %dma_start3A_270 : memref<1x1x128xi32, #tpu.memory_space<vmem>> -> memref<1x128xi32, #tpu.memory_space<vmem>>
          %dma_start3A_272 = arith.constant 0 : i32
          %dma_start3A_273 = tpu.memref_slice %arg3[%dma_start3A_272, %mul3A_267] : memref<1x32768xi32, #tpu.memory_space<hbm>> -> memref<1x128xi32, #tpu.memory_space<hbm>>
          %dma_start3A_274 = tpu.memref_slice %run_scoped3A_7[%rem3A_265] : memref<2x!tpu.dma_semaphore, #tpu.memory_space<semaphore_mem>> -> memref<1x!tpu.dma_semaphore, #tpu.memory_space<semaphore_mem>>
          %dma_start3A_275 = tpu.memref_squeeze %dma_start3A_274 : memref<1x!tpu.dma_semaphore, #tpu.memory_space<semaphore_mem>> -> memref<!tpu.dma_semaphore, #tpu.memory_space<semaphore_mem>>
          %dma_start3A_276 = arith.constant 0 : i32
          %dma_start3A_277 = arith.constant 0 : i32
          %dma_start3A_278 = tpu.memref_slice %run_scoped3A[%rem3A_265, %dma_start3A_276, %dma_start3A_277] : memref<2x1x128xi32, #tpu.memory_space<vmem>> -> memref<1x1x128xi32, #tpu.memory_space<vmem>>
          %dma_start3A_279 = tpu.memref_squeeze %dma_start3A_278 : memref<1x1x128xi32, #tpu.memory_space<vmem>> -> memref<1x128xi32, #tpu.memory_space<vmem>>
          %dma_start3A_280 = arith.constant 0 : i32
          %dma_start3A_281 = tpu.memref_slice %arg3[%dma_start3A_280, %mul3A_267] : memref<1x32768xi32, #tpu.memory_space<hbm>> -> memref<1x128xi32, #tpu.memory_space<hbm>>
          tpu.enqueue_dma source(%dma_start3A_281 : memref<1x128xi32, #tpu.memory_space<hbm>>) target(%dma_start3A_279 : memref<1x128xi32, #tpu.memory_space<vmem>>) target_semaphore(%dma_start3A_275 : memref<!tpu.dma_semaphore, #tpu.memory_space<semaphore_mem>>)
          "tpu.trace_stop"() : () -> ()
        } else {
        }
        %and3A_163 = arith.constant true
        %and3A_164 = arith.andi %and3A, %and3A_163 : i1
        %add3A_165 = arith.constant 1 : i32
        %add3A_166 = arith.addi %scan3A_122, %add3A_165 : i32
        %select_n3A_167 = arith.select %and3A_164, %add3A_166, %scan3A_122 : i32
        %ne3A_168 = arith.cmpi ne, %add3A_131, %add3A_149 : i32
        %or3A_169 = arith.constant false
        %or3A_170 = arith.ori %or3A_169, %ne3A_168 : i1
        %or3A_171 = arith.constant false
        %or3A_172 = arith.ori %or3A_170, %or3A_171 : i1
        %ge3A_173 = arith.constant 7 : i32
        %ge3A_174 = arith.cmpi sge, %scan3A_121, %ge3A_173 : i32
        %not3A_175 = arith.constant true
        %not3A_176 = arith.xori %ge3A_174, %not3A_175 : i1
        %and3A_177 = arith.andi %or3A_172, %not3A_176 : i1
        %ne3A_178 = arith.cmpi ne, %add3A_131, %add3A_140 : i32
        %or3A_179 = arith.constant false
        %or3A_180 = arith.ori %or3A_179, %ne3A_178 : i1
        %or3A_181 = arith.ori %or3A_180, %eq3A_128 : i1
        %convert_element_type3A_182 = arith.extui %or3A_181 : i1 to i32
        %cond3A_183 = arith.constant 0 : i32
        %cond3A_184 = arith.cmpi ne, %convert_element_type3A_182, %cond3A_183 : i32
        scf.if %cond3A_184 {
          "tpu.trace_start"() <{level = 10 : i32, message = "ep_wait_in"}> : () -> ()
          %mul3A_264 = arith.constant 128 : i32
          %mul3A_265 = arith.muli %mul3A_264, %add3A_131 : i32
          %rem3A_266 = arith.constant 2 : i32
          %rem3A_267 = arith.remui %scan3A_123, %rem3A_266 : i32
          %dma_wait3A_268 = arith.constant 0 : i32
          %dma_wait3A_269 = arith.constant 0 : i32
          %dma_wait3A_270 = tpu.memref_slice %run_scoped3A[%rem3A_267, %dma_wait3A_268, %dma_wait3A_269] : memref<2x1x128xi32, #tpu.memory_space<vmem>> -> memref<1x1x128xi32, #tpu.memory_space<vmem>>
          %dma_wait3A_271 = tpu.memref_squeeze %dma_wait3A_270 : memref<1x1x128xi32, #tpu.memory_space<vmem>> -> memref<1x128xi32, #tpu.memory_space<vmem>>
          %dma_wait3A_272 = arith.constant 0 : i32
          %dma_wait3A_273 = tpu.memref_slice %arg3[%dma_wait3A_272, %mul3A_265] : memref<1x32768xi32, #tpu.memory_space<hbm>> -> memref<1x128xi32, #tpu.memory_space<hbm>>
          %dma_wait3A_274 = tpu.memref_slice %run_scoped3A_7[%rem3A_267] : memref<2x!tpu.dma_semaphore, #tpu.memory_space<semaphore_mem>> -> memref<1x!tpu.dma_semaphore, #tpu.memory_space<semaphore_mem>>
          %dma_wait3A_275 = tpu.memref_squeeze %dma_wait3A_274 : memref<1x!tpu.dma_semaphore, #tpu.memory_space<semaphore_mem>> -> memref<!tpu.dma_semaphore, #tpu.memory_space<semaphore_mem>>
          %dma_wait3A_276 = arith.constant 0 : i32
          %dma_wait3A_277 = arith.constant 0 : i32
          %dma_wait3A_278 = tpu.memref_slice %run_scoped3A[%rem3A_267, %dma_wait3A_276, %dma_wait3A_277] : memref<2x1x128xi32, #tpu.memory_space<vmem>> -> memref<1x1x128xi32, #tpu.memory_space<vmem>>
          %dma_wait3A_279 = tpu.memref_squeeze %dma_wait3A_278 : memref<1x1x128xi32, #tpu.memory_space<vmem>> -> memref<1x128xi32, #tpu.memory_space<vmem>>
          %dma_wait3A_280 = arith.constant 0 : i32
          %dma_wait3A_281 = tpu.memref_slice %arg3[%dma_wait3A_280, %mul3A_265] : memref<1x32768xi32, #tpu.memory_space<hbm>> -> memref<1x128xi32, #tpu.memory_space<hbm>>
          tpu.wait_dma2 semaphore(%dma_wait3A_275 : memref<!tpu.dma_semaphore, #tpu.memory_space<semaphore_mem>>) src(%dma_wait3A_281 : memref<1x128xi32, #tpu.memory_space<hbm>>) dst(%dma_wait3A_279 : memref<1x128xi32, #tpu.memory_space<vmem>>)
          "tpu.trace_stop"() : () -> ()
        } else {
        }
        %ne3A_185 = arith.cmpi ne, %add3A_131, %add3A_140 : i32
        %or3A_186 = arith.constant false
        %or3A_187 = arith.ori %or3A_186, %ne3A_185 : i1
        %or3A_188 = arith.constant false
        %or3A_189 = arith.ori %or3A_187, %or3A_188 : i1
        %or3A_190 = arith.ori %or3A_189, %eq3A_128 : i1
        %convert_element_type3A_191 = arith.extui %or3A_190 : i1 to i32
        %cond3A_192 = arith.constant 0 : i32
        %cond3A_193 = arith.cmpi ne, %convert_element_type3A_191, %cond3A_192 : i32
        scf.if %cond3A_193 {
        } else {
        }
        %rem3A_194 = arith.constant 2 : i32
        %rem3A_195 = arith.remui %scan3A_123, %rem3A_194 : i32
        %rem3A_196 = arith.constant 2 : i32
        %rem3A_197 = arith.remui %scan3A_124, %rem3A_196 : i32
        %run_scoped3A_198 = arith.constant 0 : i32
        "tpu.trace_start"() <{level = 10 : i32, message = "ep_run_kernel"}> : () -> ()
        "tpu.region"() ({
          %run_scoped3A_264 = tpu.sem_alloc : memref<!tpu.dma_semaphore, #tpu.memory_space<semaphore_mem>>
          %dma_start3A_265 = arith.constant 0 : i32
          %dma_start3A_266 = arith.constant 0 : i32
          %dma_start3A_267 = tpu.memref_slice %run_scoped3A_8[%rem3A_197, %dma_start3A_265, %dma_start3A_266] : memref<2x128x256xf32, #tpu.memory_space<vmem>> -> memref<1x128x256xf32, #tpu.memory_space<vmem>>
          %dma_start3A_268 = tpu.memref_squeeze %dma_start3A_267 : memref<1x128x256xf32, #tpu.memory_space<vmem>> -> memref<128x256xf32, #tpu.memory_space<vmem>>
          %dma_start3A_269 = arith.constant 0 : i32
          %dma_start3A_270 = arith.constant 0 : i32
          %dma_start3A_271 = tpu.memref_slice %run_scoped3A[%rem3A_195, %dma_start3A_269, %dma_start3A_270] : memref<2x1x128xi32, #tpu.memory_space<vmem>> -> memref<1x1x128xi32, #tpu.memory_space<vmem>>
          %dma_start3A_272 = tpu.memref_squeeze %dma_start3A_271 : memref<1x1x128xi32, #tpu.memory_space<vmem>> -> memref<1x128xi32, #tpu.memory_space<vmem>>
          %dma_start3A_273 = arith.constant 0 : i32
          %dma_start3A_274 = tpu.memref_slice %dma_start3A_272[%run_scoped3A_198, %dma_start3A_273] : memref<1x128xi32, #tpu.memory_space<vmem>> -> memref<1x128xi32, #tpu.memory_space<vmem>>
          %dma_start3A_275 = tpu.memref_squeeze %dma_start3A_274 : memref<1x128xi32, #tpu.memory_space<vmem>> -> memref<128xi32, #tpu.memory_space<vmem>>
          %dma_start3A_276 = arith.constant 0 : i32
          %dma_start3A_277 = arith.constant 0 : i32
          %dma_start3A_278 = tpu.memref_slice %arg2[%dma_start3A_276, %dma_start3A_277] : memref<49152x256xf32, #tpu.memory_space<hbm>> -> memref<49152x256xf32, #tpu.memory_space<hbm>>
          tpu.enqueue_indirect_dma source(%dma_start3A_278 : memref<49152x256xf32, #tpu.memory_space<hbm>>) target(%dma_start3A_268 : memref<128x256xf32, #tpu.memory_space<vmem>>) offsets(%dma_start3A_275 : memref<128xi32, #tpu.memory_space<vmem>>) semaphore(%run_scoped3A_264 : memref<!tpu.dma_semaphore, #tpu.memory_space<semaphore_mem>>)
          %dma_wait3A_279 = arith.constant 0 : i32
          %dma_wait3A_280 = arith.constant 0 : i32
          %dma_wait3A_281 = tpu.memref_slice %run_scoped3A_8[%rem3A_197, %dma_wait3A_279, %dma_wait3A_280] : memref<2x128x256xf32, #tpu.memory_space<vmem>> -> memref<1x128x256xf32, #tpu.memory_space<vmem>>
          %dma_wait3A_282 = tpu.memref_squeeze %dma_wait3A_281 : memref<1x128x256xf32, #tpu.memory_space<vmem>> -> memref<128x256xf32, #tpu.memory_space<vmem>>
          %dma_wait3A_283 = arith.constant 0 : i32
          %dma_wait3A_284 = arith.constant 0 : i32
          %dma_wait3A_285 = tpu.memref_slice %run_scoped3A[%rem3A_195, %dma_wait3A_283, %dma_wait3A_284] : memref<2x1x128xi32, #tpu.memory_space<vmem>> -> memref<1x1x128xi32, #tpu.memory_space<vmem>>
          %dma_wait3A_286 = tpu.memref_squeeze %dma_wait3A_285 : memref<1x1x128xi32, #tpu.memory_space<vmem>> -> memref<1x128xi32, #tpu.memory_space<vmem>>
          %dma_wait3A_287 = arith.constant 0 : i32
          %dma_wait3A_288 = tpu.memref_slice %dma_wait3A_286[%run_scoped3A_198, %dma_wait3A_287] : memref<1x128xi32, #tpu.memory_space<vmem>> -> memref<1x128xi32, #tpu.memory_space<vmem>>
          %dma_wait3A_289 = tpu.memref_squeeze %dma_wait3A_288 : memref<1x128xi32, #tpu.memory_space<vmem>> -> memref<128xi32, #tpu.memory_space<vmem>>
          %dma_wait3A_290 = arith.constant 0 : i32
          %dma_wait3A_291 = arith.constant 0 : i32
          %dma_wait3A_292 = tpu.memref_slice %arg2[%dma_wait3A_290, %dma_wait3A_291] : memref<49152x256xf32, #tpu.memory_space<hbm>> -> memref<49152x256xf32, #tpu.memory_space<hbm>>
          tpu.wait_indirect_dma semaphore(%run_scoped3A_264 : memref<!tpu.dma_semaphore, #tpu.memory_space<semaphore_mem>>) src(%dma_wait3A_292 : memref<49152x256xf32, #tpu.memory_space<hbm>>) dst(%dma_wait3A_282 : memref<128x256xf32, #tpu.memory_space<vmem>>)
          tpu.yield
        }) : () -> ()
        "tpu.trace_stop"() : () -> ()
        %ne3A_199 = arith.cmpi ne, %add3A_131, %add3A_149 : i32
        %or3A_200 = arith.constant false
        %or3A_201 = arith.ori %or3A_200, %ne3A_199 : i1
        %or3A_202 = arith.ori %or3A_201, %eq3A_130 : i1
        %convert_element_type3A_203 = arith.extui %or3A_202 : i1 to i32
        %cond3A_204 = arith.constant 0 : i32
        %cond3A_205 = arith.cmpi ne, %convert_element_type3A_203, %cond3A_204 : i32
        scf.if %cond3A_205 {
        } else {
        }
        %and3A_206 = arith.constant false
        %and3A_207 = arith.andi %or3A_202, %and3A_206 : i1
        %ne3A_208 = arith.cmpi ne, %add3A_131, %add3A_149 : i32
        %or3A_209 = arith.constant false
        %or3A_210 = arith.ori %or3A_209, %ne3A_208 : i1
        %or3A_211 = arith.constant false
        %or3A_212 = arith.ori %or3A_210, %or3A_211 : i1
        %or3A_213 = arith.ori %or3A_212, %eq3A_130 : i1
        %convert_element_type3A_214 = arith.extui %or3A_213 : i1 to i32
        %cond3A_215 = arith.constant 0 : i32
        %cond3A_216 = arith.cmpi ne, %convert_element_type3A_214, %cond3A_215 : i32
        scf.if %cond3A_216 {
          "tpu.trace_start"() <{level = 10 : i32, message = "ep_copy_out"}> : () -> ()
          %rem3A_264 = arith.constant 2 : i32
          %rem3A_265 = arith.remui %scan3A_124, %rem3A_264 : i32
          %mul3A_266 = arith.constant 128 : i32
          %mul3A_267 = arith.muli %mul3A_266, %add3A_131 : i32
          %dma_start3A_268 = arith.constant 0 : i32
          %dma_start3A_269 = arith.constant 0 : i32
          %dma_start3A_270 = tpu.memref_slice %run_scoped3A_8[%rem3A_265, %dma_start3A_268, %dma_start3A_269] : memref<2x128x256xf32, #tpu.memory_space<vmem>> -> memref<1x128x256xf32, #tpu.memory_space<vmem>>
          %dma_start3A_271 = tpu.memref_squeeze %dma_start3A_270 : memref<1x128x256xf32, #tpu.memory_space<vmem>> -> memref<128x256xf32, #tpu.memory_space<vmem>>
          %dma_start3A_272 = arith.constant 0 : i32
          %dma_start3A_273 = tpu.memref_slice %arg4[%mul3A_267, %dma_start3A_272] : memref<32768x256xf32, #tpu.memory_space<hbm>> -> memref<128x256xf32, #tpu.memory_space<hbm>>
          %dma_start3A_274 = tpu.memref_slice %run_scoped3A_9[%rem3A_265] : memref<2x!tpu.dma_semaphore, #tpu.memory_space<semaphore_mem>> -> memref<1x!tpu.dma_semaphore, #tpu.memory_space<semaphore_mem>>
          %dma_start3A_275 = tpu.memref_squeeze %dma_start3A_274 : memref<1x!tpu.dma_semaphore, #tpu.memory_space<semaphore_mem>> -> memref<!tpu.dma_semaphore, #tpu.memory_space<semaphore_mem>>
          %dma_start3A_276 = arith.constant 0 : i32
          %dma_start3A_277 = tpu.memref_slice %arg4[%mul3A_267, %dma_start3A_276] : memref<32768x256xf32, #tpu.memory_space<hbm>> -> memref<128x256xf32, #tpu.memory_space<hbm>>
          %dma_start3A_278 = arith.constant 0 : i32
          %dma_start3A_279 = arith.constant 0 : i32
          %dma_start3A_280 = tpu.memref_slice %run_scoped3A_8[%rem3A_265, %dma_start3A_278, %dma_start3A_279] : memref<2x128x256xf32, #tpu.memory_space<vmem>> -> memref<1x128x256xf32, #tpu.memory_space<vmem>>
          %dma_start3A_281 = tpu.memref_squeeze %dma_start3A_280 : memref<1x128x256xf32, #tpu.memory_space<vmem>> -> memref<128x256xf32, #tpu.memory_space<vmem>>
          tpu.enqueue_dma source(%dma_start3A_281 : memref<128x256xf32, #tpu.memory_space<vmem>>) target(%dma_start3A_277 : memref<128x256xf32, #tpu.memory_space<hbm>>) target_semaphore(%dma_start3A_275 : memref<!tpu.dma_semaphore, #tpu.memory_space<semaphore_mem>>)
          "tpu.trace_stop"() : () -> ()
        } else {
        }
        %and3A_217 = arith.constant true
        %and3A_218 = arith.andi %or3A_213, %and3A_217 : i1
        %add3A_219 = arith.constant 1 : i32
        %add3A_220 = arith.addi %scan3A_124, %add3A_219 : i32
        %select_n3A_221 = arith.select %and3A_218, %add3A_220, %scan3A_124 : i32
        %ne3A_222 = arith.cmpi ne, %add3A_131, %add3A_140 : i32
        %or3A_223 = arith.constant false
        %or3A_224 = arith.ori %or3A_223, %ne3A_222 : i1
        %not3A_225 = arith.constant true
        %not3A_226 = arith.xori %eq3A_128, %not3A_225 : i1
        %and3A_227 = arith.andi %or3A_224, %not3A_226 : i1
        %convert_element_type3A_228 = arith.extui %and3A_227 : i1 to i32
        %cond3A_229 = arith.constant 0 : i32
        %cond3A_230 = arith.cmpi ne, %convert_element_type3A_228, %cond3A_229 : i32
        scf.if %cond3A_230 {
        } else {
        }
        %and3A_231 = arith.constant false
        %and3A_232 = arith.andi %and3A_227, %and3A_231 : i1
        %ne3A_233 = arith.cmpi ne, %add3A_131, %add3A_140 : i32
        %or3A_234 = arith.constant false
        %or3A_235 = arith.ori %or3A_234, %ne3A_233 : i1
        %or3A_236 = arith.constant false
        %or3A_237 = arith.ori %or3A_235, %or3A_236 : i1
        %not3A_238 = arith.constant true
        %not3A_239 = arith.xori %eq3A_128, %not3A_238 : i1
        %and3A_240 = arith.andi %or3A_237, %not3A_239 : i1
        %convert_element_type3A_241 = arith.extui %and3A_240 : i1 to i32
        %cond3A_242 = arith.constant 0 : i32
        %cond3A_243 = arith.cmpi ne, %convert_element_type3A_241, %cond3A_242 : i32
        scf.if %cond3A_243 {
          "tpu.trace_start"() <{level = 10 : i32, message = "ep_wait_out"}> : () -> ()
          %rem3A_264 = arith.constant 2 : i32
          %rem3A_265 = arith.remui %scan3A_125, %rem3A_264 : i32
          %mul3A_266 = arith.constant 128 : i32
          %mul3A_267 = arith.muli %mul3A_266, %add3A_140 : i32
          %dma_wait3A_268 = arith.constant 0 : i32
          %dma_wait3A_269 = arith.constant 0 : i32
          %dma_wait3A_270 = tpu.memref_slice %run_scoped3A_8[%rem3A_265, %dma_wait3A_268, %dma_wait3A_269] : memref<2x128x256xf32, #tpu.memory_space<vmem>> -> memref<1x128x256xf32, #tpu.memory_space<vmem>>
          %dma_wait3A_271 = tpu.memref_squeeze %dma_wait3A_270 : memref<1x128x256xf32, #tpu.memory_space<vmem>> -> memref<128x256xf32, #tpu.memory_space<vmem>>
          %dma_wait3A_272 = arith.constant 0 : i32
          %dma_wait3A_273 = tpu.memref_slice %arg4[%mul3A_267, %dma_wait3A_272] : memref<32768x256xf32, #tpu.memory_space<hbm>> -> memref<128x256xf32, #tpu.memory_space<hbm>>
          %dma_wait3A_274 = tpu.memref_slice %run_scoped3A_9[%rem3A_265] : memref<2x!tpu.dma_semaphore, #tpu.memory_space<semaphore_mem>> -> memref<1x!tpu.dma_semaphore, #tpu.memory_space<semaphore_mem>>
          %dma_wait3A_275 = tpu.memref_squeeze %dma_wait3A_274 : memref<1x!tpu.dma_semaphore, #tpu.memory_space<semaphore_mem>> -> memref<!tpu.dma_semaphore, #tpu.memory_space<semaphore_mem>>
          %dma_wait3A_276 = arith.constant 0 : i32
          %dma_wait3A_277 = tpu.memref_slice %arg4[%mul3A_267, %dma_wait3A_276] : memref<32768x256xf32, #tpu.memory_space<hbm>> -> memref<128x256xf32, #tpu.memory_space<hbm>>
          %dma_wait3A_278 = arith.constant 0 : i32
          %dma_wait3A_279 = arith.constant 0 : i32
          %dma_wait3A_280 = tpu.memref_slice %run_scoped3A_8[%rem3A_265, %dma_wait3A_278, %dma_wait3A_279] : memref<2x128x256xf32, #tpu.memory_space<vmem>> -> memref<1x128x256xf32, #tpu.memory_space<vmem>>
          %dma_wait3A_281 = tpu.memref_squeeze %dma_wait3A_280 : memref<1x128x256xf32, #tpu.memory_space<vmem>> -> memref<128x256xf32, #tpu.memory_space<vmem>>
          tpu.wait_dma2 semaphore(%dma_wait3A_275 : memref<!tpu.dma_semaphore, #tpu.memory_space<semaphore_mem>>) src(%dma_wait3A_281 : memref<128x256xf32, #tpu.memory_space<vmem>>) dst(%dma_wait3A_277 : memref<128x256xf32, #tpu.memory_space<hbm>>)
          "tpu.trace_stop"() : () -> ()
        } else {
        }
        %and3A_244 = arith.constant true
        %and3A_245 = arith.andi %and3A_240, %and3A_244 : i1
        %add3A_246 = arith.constant 1 : i32
        %add3A_247 = arith.addi %scan3A_125, %add3A_246 : i32
        %select_n3A_248 = arith.select %and3A_245, %add3A_247, %scan3A_125 : i32
        %ne3A_249 = arith.cmpi ne, %add3A_131, %add3A_149 : i32
        %or3A_250 = arith.constant false
        %or3A_251 = arith.ori %or3A_250, %ne3A_249 : i1
        %or3A_252 = arith.ori %or3A_251, %eq3A_130 : i1
        %add3A_253 = arith.constant 1 : i32
        %add3A_254 = arith.addi %scan3A_123, %add3A_253 : i32
        %select_n3A_255 = arith.select %or3A_252, %add3A_254, %scan3A_123 : i32
        %add3A_256 = arith.constant 1 : i32
        %add3A_257 = arith.addi %scan3A_126, %add3A_256 : i32
        %select_n3A_258 = arith.constant true
        %select_n3A_259 = arith.select %select_n3A_258, %add3A_257, %scan3A_126 : i32
        %eq3A_260 = arith.constant 8 : i32
        %eq3A_261 = arith.cmpi eq, %select_n3A_259, %eq3A_260 : i32
        %select_n3A_262 = arith.constant 0 : i32
        %select_n3A_263 = arith.select %eq3A_261, %select_n3A_262, %select_n3A_259 : i32
        scf.yield %select_n3A_167, %select_n3A_255, %select_n3A_221, %select_n3A_248, %select_n3A_263 : i32, i32, i32, i32, i32
      }
      %scan3A_68 = arith.constant 8 : i32
      %sub3A = arith.constant 1 : i32
      %sub3A_69 = arith.subi %scan3A_67#4, %sub3A : i32
      %select_n3A_70 = arith.constant true
      %select_n3A_71 = arith.select %select_n3A_70, %sub3A_69, %scan3A_67#4 : i32
      %eq3A_72 = arith.constant -1 : i32
      %eq3A_73 = arith.cmpi eq, %select_n3A_71, %eq3A_72 : i32
      %select_n3A_74 = arith.constant 7 : i32
      %select_n3A_75 = arith.select %eq3A_73, %select_n3A_74, %select_n3A_71 : i32
      %add3A_76 = arith.addi %select_n3A_75, %mul3A_6 : i32
      %sub3A_77 = arith.constant 1 : i32
      %sub3A_78 = arith.subi %select_n3A_75, %sub3A_77 : i32
      %select_n3A_79 = arith.constant true
      %select_n3A_80 = arith.select %select_n3A_79, %sub3A_78, %select_n3A_75 : i32
      %eq3A_81 = arith.constant -1 : i32
      %eq3A_82 = arith.cmpi eq, %select_n3A_80, %eq3A_81 : i32
      %select_n3A_83 = arith.constant 7 : i32
      %select_n3A_84 = arith.select %eq3A_82, %select_n3A_83, %select_n3A_80 : i32
      %add3A_85 = arith.addi %select_n3A_84, %mul3A_6 : i32
      %add3A_86 = arith.constant 1 : i32
      %add3A_87 = arith.addi %select_n3A_75, %add3A_86 : i32
      %select_n3A_88 = arith.constant true
      %select_n3A_89 = arith.select %select_n3A_88, %add3A_87, %select_n3A_75 : i32
      %eq3A_90 = arith.constant 8 : i32
      %eq3A_91 = arith.cmpi eq, %select_n3A_89, %eq3A_90 : i32
      %select_n3A_92 = arith.constant 0 : i32
      %select_n3A_93 = arith.select %eq3A_91, %select_n3A_92, %select_n3A_89 : i32
      %add3A_94 = arith.addi %select_n3A_93, %mul3A_6 : i32
      %add3A_95 = arith.constant 1 : i32
      %add3A_96 = arith.addi %select_n3A_93, %add3A_95 : i32
      %select_n3A_97 = arith.constant true
      %select_n3A_98 = arith.select %select_n3A_97, %add3A_96, %select_n3A_93 : i32
      %eq3A_99 = arith.constant 8 : i32
      %eq3A_100 = arith.cmpi eq, %select_n3A_98, %eq3A_99 : i32
      %select_n3A_101 = arith.constant 0 : i32
      %select_n3A_102 = arith.select %eq3A_100, %select_n3A_101, %select_n3A_98 : i32
      %add3A_103 = arith.addi %select_n3A_102, %mul3A_6 : i32
      "tpu.trace_start"() <{level = 10 : i32, message = "ep_finalize"}> : () -> ()
      %rem3A_104 = arith.constant 2 : i32
      %rem3A_105 = arith.remui %scan3A_67#3, %rem3A_104 : i32
      %mul3A_106 = arith.constant 128 : i32
      %mul3A_107 = arith.muli %mul3A_106, %add3A_76 : i32
      %dma_wait3A = arith.constant 0 : i32
      %dma_wait3A_108 = arith.constant 0 : i32
      %dma_wait3A_109 = tpu.memref_slice %run_scoped3A_8[%rem3A_105, %dma_wait3A, %dma_wait3A_108] : memref<2x128x256xf32, #tpu.memory_space<vmem>> -> memref<1x128x256xf32, #tpu.memory_space<vmem>>
      %dma_wait3A_110 = tpu.memref_squeeze %dma_wait3A_109 : memref<1x128x256xf32, #tpu.memory_space<vmem>> -> memref<128x256xf32, #tpu.memory_space<vmem>>
      %dma_wait3A_111 = arith.constant 0 : i32
      %dma_wait3A_112 = tpu.memref_slice %arg4[%mul3A_107, %dma_wait3A_111] : memref<32768x256xf32, #tpu.memory_space<hbm>> -> memref<128x256xf32, #tpu.memory_space<hbm>>
      %dma_wait3A_113 = tpu.memref_slice %run_scoped3A_9[%rem3A_105] : memref<2x!tpu.dma_semaphore, #tpu.memory_space<semaphore_mem>> -> memref<1x!tpu.dma_semaphore, #tpu.memory_space<semaphore_mem>>
      %dma_wait3A_114 = tpu.memref_squeeze %dma_wait3A_113 : memref<1x!tpu.dma_semaphore, #tpu.memory_space<semaphore_mem>> -> memref<!tpu.dma_semaphore, #tpu.memory_space<semaphore_mem>>
      %dma_wait3A_115 = arith.constant 0 : i32
      %dma_wait3A_116 = tpu.memref_slice %arg4[%mul3A_107, %dma_wait3A_115] : memref<32768x256xf32, #tpu.memory_space<hbm>> -> memref<128x256xf32, #tpu.memory_space<hbm>>
      %dma_wait3A_117 = arith.constant 0 : i32
      %dma_wait3A_118 = arith.constant 0 : i32
      %dma_wait3A_119 = tpu.memref_slice %run_scoped3A_8[%rem3A_105, %dma_wait3A_117, %dma_wait3A_118] : memref<2x128x256xf32, #tpu.memory_space<vmem>> -> memref<1x128x256xf32, #tpu.memory_space<vmem>>
      %dma_wait3A_120 = tpu.memref_squeeze %dma_wait3A_119 : memref<1x128x256xf32, #tpu.memory_space<vmem>> -> memref<128x256xf32, #tpu.memory_space<vmem>>
      tpu.wait_dma2 semaphore(%dma_wait3A_114 : memref<!tpu.dma_semaphore, #tpu.memory_space<semaphore_mem>>) src(%dma_wait3A_120 : memref<128x256xf32, #tpu.memory_space<vmem>>) dst(%dma_wait3A_116 : memref<128x256xf32, #tpu.memory_space<hbm>>)
      "tpu.trace_stop"() : () -> ()
      tpu.yield
    }) : () -> ()
    return
  }
}

module attributes {stable_mosaic.version = 14 : i64} {
  func.func @_qkv_body(%arg0: i32, %arg1: i32, %arg2: memref<256x2048xf32, #tpu.memory_space<vmem>>, %arg3: memref<1x2048xf32, #tpu.memory_space<vmem>>, %arg4: memref<768x2048xf32, #tpu.memory_space<vmem>>, %arg5: memref<256x768xf32, #tpu.memory_space<vmem>>) attributes {dimension_semantics = [#tpu.dimension_semantics<arbitrary>, #tpu.dimension_semantics<arbitrary>], iteration_bounds = array<i64: 4, 8>, scalar_prefetch = 0 : i64, scratch_operands = 0 : i64, tpu.core_type = #tpu.core_type<tc>, window_params = [{transform_indices = @transform_0, window_bounds = array<i64: 256, 2048>}, {pipeline_mode = #tpu.pipeline_mode<synchronous>, transform_indices = @transform_1, window_bounds = array<i64: 1, 2048>}, {transform_indices = @transform_2, window_bounds = array<i64: 768, 2048>}, {transform_indices = @transform_3, window_bounds = array<i64: 256, 768>}]} {
    %get3A = arith.constant 0 : index
    %get3A_0 = arith.constant 0 : index
    %get3A_1 = vector.load %arg2[%get3A, %get3A_0] : memref<256x2048xf32, #tpu.memory_space<vmem>>, vector<256x2048xf32>
    %get3A_2 = arith.constant 0 : index
    %get3A_3 = arith.constant 0 : index
    %get3A_4 = vector.load %arg3[%get3A_2, %get3A_3] : memref<1x2048xf32, #tpu.memory_space<vmem>>, vector<1x2048xf32>
    %square3A = arith.mulf %get3A_1, %get3A_1 : vector<256x2048xf32>
    %reduce_sum3A = arith.constant dense<0.000000e+00> : vector<256xf32>
    %reduce_sum3A_5 = vector.multi_reduction <add>, %square3A, %reduce_sum3A [1] : vector<256x2048xf32> to vector<256xf32>
    %broadcast_in_dim3A = vector.shape_cast %reduce_sum3A_5 : vector<256xf32> to vector<256x1xf32>
    %div3A = arith.constant 2.048000e+03 : f32
    %div3A_6 = vector.broadcast %div3A : f32 to vector<256x1xf32>
    %div3A_7 = arith.divf %broadcast_in_dim3A, %div3A_6 : vector<256x1xf32>
    %add3A = arith.constant 9.99999997E-7 : f32
    %add3A_8 = vector.broadcast %add3A : f32 to vector<256x1xf32>
    %add3A_9 = arith.addf %div3A_7, %add3A_8 : vector<256x1xf32>
    %rsqrt3A = math.rsqrt %add3A_9 : vector<256x1xf32>
    %mul3A = vector.broadcast %rsqrt3A : vector<256x1xf32> to vector<256x2048xf32>
    %mul3A_10 = arith.mulf %get3A_1, %mul3A : vector<256x2048xf32>
    %mul3A_11 = vector.broadcast %get3A_4 : vector<1x2048xf32> to vector<256x2048xf32>
    %mul3A_12 = arith.mulf %mul3A_10, %mul3A_11 : vector<256x2048xf32>
    %get3A_13 = arith.constant 0 : index
    %get3A_14 = arith.constant 0 : index
    %get3A_15 = vector.load %arg4[%get3A_13, %get3A_14] : memref<768x2048xf32, #tpu.memory_space<vmem>>, vector<768x2048xf32>
    %convert_element_type3A = arith.truncf %mul3A_12 : vector<256x2048xf32> to vector<256x2048xbf16>
    %convert_element_type3A_16 = arith.truncf %get3A_15 : vector<768x2048xf32> to vector<768x2048xbf16>
    %dot_general3A = arith.constant dense<0.000000e+00> : vector<256x768xf32>
    %dot_general3A_17 = tpu.matmul %convert_element_type3A, %convert_element_type3A_16, %dot_general3A {dimension_numbers = #tpu.dot_dimension_numbers<[1], [1], [0], [0], [0, 0, 1, 0], [], []>, transpose_lhs_hint = false} : vector<256x2048xbf16>, vector<768x2048xbf16>, vector<256x768xf32> -> vector<256x768xf32>
    %swap3A = arith.constant 0 : index
    %swap3A_18 = arith.constant 0 : index
    %swap3A_19 = vector.load %arg5[%swap3A, %swap3A_18] : memref<256x768xf32, #tpu.memory_space<vmem>>, vector<256x768xf32>
    tpu.vector_store %arg5[%swap3A, %swap3A_18], %dot_general3A_17 {strides = array<i32>} : memref<256x768xf32, #tpu.memory_space<vmem>>, vector<256x768xf32>,
    return
  }
  func.func @transform_0(%arg0: i32, %arg1: i32) -> (i32, i32) {
    %c0_i32 = arith.constant 0 : i32
    %c0_i32_0 = arith.constant 0 : i32
    return %arg1, %c0_i32 : i32, i32
  }
  func.func @transform_1(%arg0: i32, %arg1: i32) -> (i32, i32) {
    %c0_i32 = arith.constant 0 : i32
    %c0_i32_0 = arith.constant 0 : i32
    %c0_i32_1 = arith.constant 0 : i32
    return %c0_i32, %c0_i32_0 : i32, i32
  }
  func.func @transform_2(%arg0: i32, %arg1: i32) -> (i32, i32) {
    %c0_i32 = arith.constant 0 : i32
    %c0_i32_0 = arith.constant 0 : i32
    return %arg0, %c0_i32 : i32, i32
  }
  func.func @transform_3(%arg0: i32, %arg1: i32) -> (i32, i32) {
    %c0_i32 = arith.constant 0 : i32
    return %arg1, %arg0 : i32, i32
  }
}

module attributes {stable_mosaic.version = 14 : i64} {
  func.func @_rope_body(%arg0: i32, %arg1: memref<256x3072xf32, #tpu.memory_space<vmem>>, %arg2: memref<1x128xf32, #tpu.memory_space<vmem>>, %arg3: memref<1x128xf32, #tpu.memory_space<vmem>>, %arg4: memref<256x128xf32, #tpu.memory_space<vmem>>, %arg5: memref<256x2048xf32, #tpu.memory_space<vmem>>, %arg6: memref<256x512xf32, #tpu.memory_space<vmem>>, %arg7: memref<256x512xf32, #tpu.memory_space<vmem>>) attributes {dimension_semantics = [#tpu.dimension_semantics<arbitrary>], iteration_bounds = array<i64: 8>, scalar_prefetch = 0 : i64, scratch_operands = 0 : i64, tpu.core_type = #tpu.core_type<tc>, window_params = [{transform_indices = @transform_0, window_bounds = array<i64: 256, 3072>}, {pipeline_mode = #tpu.pipeline_mode<synchronous>, transform_indices = @transform_1, window_bounds = array<i64: 1, 128>}, {pipeline_mode = #tpu.pipeline_mode<synchronous>, transform_indices = @transform_2, window_bounds = array<i64: 1, 128>}, {transform_indices = @transform_3, window_bounds = array<i64: 256, 128>}, {transform_indices = @transform_4, window_bounds = array<i64: 256, 2048>}, {transform_indices = @transform_5, window_bounds = array<i64: 256, 512>}, {transform_indices = @transform_6, window_bounds = array<i64: 256, 512>}]} {
    %get3A = arith.constant 0 : index
    %get3A_0 = arith.constant 0 : index
    %get3A_1 = vector.load %arg4[%get3A, %get3A_0] : memref<256x128xf32, #tpu.memory_space<vmem>>, vector<256x64xf32>
    %get3A_2 = arith.constant 0 : index
    %get3A_3 = arith.constant 64 : index
    %get3A_4 = vector.load %arg4[%get3A_2, %get3A_3] : memref<256x128xf32, #tpu.memory_space<vmem>>, vector<256x64xf32>
    %get3A_5 = arith.constant 0 : index
    %get3A_6 = arith.constant 0 : index
    %get3A_7 = vector.load %arg1[%get3A_5, %get3A_6] : memref<256x3072xf32, #tpu.memory_space<vmem>>, vector<256x128xf32>
    %get3A_8 = arith.constant 0 : index
    %get3A_9 = arith.constant 0 : index
    %get3A_10 = vector.load %arg2[%get3A_8, %get3A_9] : memref<1x128xf32, #tpu.memory_space<vmem>>, vector<1x128xf32>
    %square3A = arith.mulf %get3A_7, %get3A_7 : vector<256x128xf32>
    %reduce_sum3A = arith.constant dense<0.000000e+00> : vector<256xf32>
    %reduce_sum3A_11 = vector.multi_reduction <add>, %square3A, %reduce_sum3A [1] : vector<256x128xf32> to vector<256xf32>
    %broadcast_in_dim3A = vector.shape_cast %reduce_sum3A_11 : vector<256xf32> to vector<256x1xf32>
    %div3A = arith.constant 1.280000e+02 : f32
    %div3A_12 = vector.broadcast %div3A : f32 to vector<256x1xf32>
    %div3A_13 = arith.divf %broadcast_in_dim3A, %div3A_12 : vector<256x1xf32>
    %add3A = arith.constant 9.99999997E-7 : f32
    %add3A_14 = vector.broadcast %add3A : f32 to vector<256x1xf32>
    %add3A_15 = arith.addf %div3A_13, %add3A_14 : vector<256x1xf32>
    %rsqrt3A = math.rsqrt %add3A_15 : vector<256x1xf32>
    %mul3A = vector.broadcast %rsqrt3A : vector<256x1xf32> to vector<256x128xf32>
    %mul3A_16 = arith.mulf %get3A_7, %mul3A : vector<256x128xf32>
    %mul3A_17 = vector.broadcast %get3A_10 : vector<1x128xf32> to vector<256x128xf32>
    %mul3A_18 = arith.mulf %mul3A_16, %mul3A_17 : vector<256x128xf32>
    %slice3A = vector.extract_strided_slice %mul3A_18 {offsets = [0, 0], sizes = [256, 64], strides = [1, 1]} : vector<256x128xf32> to vector<256x64xf32>
    %slice3A_19 = vector.extract_strided_slice %mul3A_18 {offsets = [0, 64], sizes = [256, 64], strides = [1, 1]} : vector<256x128xf32> to vector<256x64xf32>
    %mul3A_20 = arith.mulf %slice3A, %get3A_1 : vector<256x64xf32>
    %mul3A_21 = arith.mulf %slice3A_19, %get3A_4 : vector<256x64xf32>
    %sub3A = arith.subf %mul3A_20, %mul3A_21 : vector<256x64xf32>
    %mul3A_22 = arith.mulf %slice3A_19, %get3A_1 : vector<256x64xf32>
    %mul3A_23 = arith.mulf %slice3A, %get3A_4 : vector<256x64xf32>
    %add3A_24 = arith.addf %mul3A_22, %mul3A_23 : vector<256x64xf32>
    %concatenate3A = tpu.concatenate %sub3A, %add3A_24 in 1 : vector<256x64xf32>, vector<256x64xf32> -> vector<256x128xf32>
    %swap3A = arith.constant 0 : index
    %swap3A_25 = arith.constant 0 : index
    %swap3A_26 = vector.load %arg5[%swap3A, %swap3A_25] : memref<256x2048xf32, #tpu.memory_space<vmem>>, vector<256x128xf32>
    tpu.vector_store %arg5[%swap3A, %swap3A_25], %concatenate3A {strides = array<i32>} : memref<256x2048xf32, #tpu.memory_space<vmem>>, vector<256x128xf32>,
    %get3A_27 = arith.constant 0 : index
    %get3A_28 = arith.constant 128 : index
    %get3A_29 = vector.load %arg1[%get3A_27, %get3A_28] : memref<256x3072xf32, #tpu.memory_space<vmem>>, vector<256x128xf32>
    %get3A_30 = arith.constant 0 : index
    %get3A_31 = arith.constant 0 : index
    %get3A_32 = vector.load %arg2[%get3A_30, %get3A_31] : memref<1x128xf32, #tpu.memory_space<vmem>>, vector<1x128xf32>
    %square3A_33 = arith.mulf %get3A_29, %get3A_29 : vector<256x128xf32>
    %reduce_sum3A_34 = arith.constant dense<0.000000e+00> : vector<256xf32>
    %reduce_sum3A_35 = vector.multi_reduction <add>, %square3A_33, %reduce_sum3A_34 [1] : vector<256x128xf32> to vector<256xf32>
    %broadcast_in_dim3A_36 = vector.shape_cast %reduce_sum3A_35 : vector<256xf32> to vector<256x1xf32>
    %div3A_37 = arith.constant 1.280000e+02 : f32
    %div3A_38 = vector.broadcast %div3A_37 : f32 to vector<256x1xf32>
    %div3A_39 = arith.divf %broadcast_in_dim3A_36, %div3A_38 : vector<256x1xf32>
    %add3A_40 = arith.constant 9.99999997E-7 : f32
    %add3A_41 = vector.broadcast %add3A_40 : f32 to vector<256x1xf32>
    %add3A_42 = arith.addf %div3A_39, %add3A_41 : vector<256x1xf32>
    %rsqrt3A_43 = math.rsqrt %add3A_42 : vector<256x1xf32>
    %mul3A_44 = vector.broadcast %rsqrt3A_43 : vector<256x1xf32> to vector<256x128xf32>
    %mul3A_45 = arith.mulf %get3A_29, %mul3A_44 : vector<256x128xf32>
    %mul3A_46 = vector.broadcast %get3A_32 : vector<1x128xf32> to vector<256x128xf32>
    %mul3A_47 = arith.mulf %mul3A_45, %mul3A_46 : vector<256x128xf32>
    %slice3A_48 = vector.extract_strided_slice %mul3A_47 {offsets = [0, 0], sizes = [256, 64], strides = [1, 1]} : vector<256x128xf32> to vector<256x64xf32>
    %slice3A_49 = vector.extract_strided_slice %mul3A_47 {offsets = [0, 64], sizes = [256, 64], strides = [1, 1]} : vector<256x128xf32> to vector<256x64xf32>
    %mul3A_50 = arith.mulf %slice3A_48, %get3A_1 : vector<256x64xf32>
    %mul3A_51 = arith.mulf %slice3A_49, %get3A_4 : vector<256x64xf32>
    %sub3A_52 = arith.subf %mul3A_50, %mul3A_51 : vector<256x64xf32>
    %mul3A_53 = arith.mulf %slice3A_49, %get3A_1 : vector<256x64xf32>
    %mul3A_54 = arith.mulf %slice3A_48, %get3A_4 : vector<256x64xf32>
    %add3A_55 = arith.addf %mul3A_53, %mul3A_54 : vector<256x64xf32>
    %concatenate3A_56 = tpu.concatenate %sub3A_52, %add3A_55 in 1 : vector<256x64xf32>, vector<256x64xf32> -> vector<256x128xf32>
    %swap3A_57 = arith.constant 0 : index
    %swap3A_58 = arith.constant 128 : index
    %swap3A_59 = vector.load %arg5[%swap3A_57, %swap3A_58] : memref<256x2048xf32, #tpu.memory_space<vmem>>, vector<256x128xf32>
    tpu.vector_store %arg5[%swap3A_57, %swap3A_58], %concatenate3A_56 {strides = array<i32>} : memref<256x2048xf32, #tpu.memory_space<vmem>>, vector<256x128xf32>,
    %get3A_60 = arith.constant 0 : index
    %get3A_61 = arith.constant 256 : index
    %get3A_62 = vector.load %arg1[%get3A_60, %get3A_61] : memref<256x3072xf32, #tpu.memory_space<vmem>>, vector<256x128xf32>
    %get3A_63 = arith.constant 0 : index
    %get3A_64 = arith.constant 0 : index
    %get3A_65 = vector.load %arg2[%get3A_63, %get3A_64] : memref<1x128xf32, #tpu.memory_space<vmem>>, vector<1x128xf32>
    %square3A_66 = arith.mulf %get3A_62, %get3A_62 : vector<256x128xf32>
    %reduce_sum3A_67 = arith.constant dense<0.000000e+00> : vector<256xf32>
    %reduce_sum3A_68 = vector.multi_reduction <add>, %square3A_66, %reduce_sum3A_67 [1] : vector<256x128xf32> to vector<256xf32>
    %broadcast_in_dim3A_69 = vector.shape_cast %reduce_sum3A_68 : vector<256xf32> to vector<256x1xf32>
    %div3A_70 = arith.constant 1.280000e+02 : f32
    %div3A_71 = vector.broadcast %div3A_70 : f32 to vector<256x1xf32>
    %div3A_72 = arith.divf %broadcast_in_dim3A_69, %div3A_71 : vector<256x1xf32>
    %add3A_73 = arith.constant 9.99999997E-7 : f32
    %add3A_74 = vector.broadcast %add3A_73 : f32 to vector<256x1xf32>
    %add3A_75 = arith.addf %div3A_72, %add3A_74 : vector<256x1xf32>
    %rsqrt3A_76 = math.rsqrt %add3A_75 : vector<256x1xf32>
    %mul3A_77 = vector.broadcast %rsqrt3A_76 : vector<256x1xf32> to vector<256x128xf32>
    %mul3A_78 = arith.mulf %get3A_62, %mul3A_77 : vector<256x128xf32>
    %mul3A_79 = vector.broadcast %get3A_65 : vector<1x128xf32> to vector<256x128xf32>
    %mul3A_80 = arith.mulf %mul3A_78, %mul3A_79 : vector<256x128xf32>
    %slice3A_81 = vector.extract_strided_slice %mul3A_80 {offsets = [0, 0], sizes = [256, 64], strides = [1, 1]} : vector<256x128xf32> to vector<256x64xf32>
    %slice3A_82 = vector.extract_strided_slice %mul3A_80 {offsets = [0, 64], sizes = [256, 64], strides = [1, 1]} : vector<256x128xf32> to vector<256x64xf32>
    %mul3A_83 = arith.mulf %slice3A_81, %get3A_1 : vector<256x64xf32>
    %mul3A_84 = arith.mulf %slice3A_82, %get3A_4 : vector<256x64xf32>
    %sub3A_85 = arith.subf %mul3A_83, %mul3A_84 : vector<256x64xf32>
    %mul3A_86 = arith.mulf %slice3A_82, %get3A_1 : vector<256x64xf32>
    %mul3A_87 = arith.mulf %slice3A_81, %get3A_4 : vector<256x64xf32>
    %add3A_88 = arith.addf %mul3A_86, %mul3A_87 : vector<256x64xf32>
    %concatenate3A_89 = tpu.concatenate %sub3A_85, %add3A_88 in 1 : vector<256x64xf32>, vector<256x64xf32> -> vector<256x128xf32>
    %swap3A_90 = arith.constant 0 : index
    %swap3A_91 = arith.constant 256 : index
    %swap3A_92 = vector.load %arg5[%swap3A_90, %swap3A_91] : memref<256x2048xf32, #tpu.memory_space<vmem>>, vector<256x128xf32>
    tpu.vector_store %arg5[%swap3A_90, %swap3A_91], %concatenate3A_89 {strides = array<i32>} : memref<256x2048xf32, #tpu.memory_space<vmem>>, vector<256x128xf32>,
    %get3A_93 = arith.constant 0 : index
    %get3A_94 = arith.constant 384 : index
    %get3A_95 = vector.load %arg1[%get3A_93, %get3A_94] : memref<256x3072xf32, #tpu.memory_space<vmem>>, vector<256x128xf32>
    %get3A_96 = arith.constant 0 : index
    %get3A_97 = arith.constant 0 : index
    %get3A_98 = vector.load %arg2[%get3A_96, %get3A_97] : memref<1x128xf32, #tpu.memory_space<vmem>>, vector<1x128xf32>
    %square3A_99 = arith.mulf %get3A_95, %get3A_95 : vector<256x128xf32>
    %reduce_sum3A_100 = arith.constant dense<0.000000e+00> : vector<256xf32>
    %reduce_sum3A_101 = vector.multi_reduction <add>, %square3A_99, %reduce_sum3A_100 [1] : vector<256x128xf32> to vector<256xf32>
    %broadcast_in_dim3A_102 = vector.shape_cast %reduce_sum3A_101 : vector<256xf32> to vector<256x1xf32>
    %div3A_103 = arith.constant 1.280000e+02 : f32
    %div3A_104 = vector.broadcast %div3A_103 : f32 to vector<256x1xf32>
    %div3A_105 = arith.divf %broadcast_in_dim3A_102, %div3A_104 : vector<256x1xf32>
    %add3A_106 = arith.constant 9.99999997E-7 : f32
    %add3A_107 = vector.broadcast %add3A_106 : f32 to vector<256x1xf32>
    %add3A_108 = arith.addf %div3A_105, %add3A_107 : vector<256x1xf32>
    %rsqrt3A_109 = math.rsqrt %add3A_108 : vector<256x1xf32>
    %mul3A_110 = vector.broadcast %rsqrt3A_109 : vector<256x1xf32> to vector<256x128xf32>
    %mul3A_111 = arith.mulf %get3A_95, %mul3A_110 : vector<256x128xf32>
    %mul3A_112 = vector.broadcast %get3A_98 : vector<1x128xf32> to vector<256x128xf32>
    %mul3A_113 = arith.mulf %mul3A_111, %mul3A_112 : vector<256x128xf32>
    %slice3A_114 = vector.extract_strided_slice %mul3A_113 {offsets = [0, 0], sizes = [256, 64], strides = [1, 1]} : vector<256x128xf32> to vector<256x64xf32>
    %slice3A_115 = vector.extract_strided_slice %mul3A_113 {offsets = [0, 64], sizes = [256, 64], strides = [1, 1]} : vector<256x128xf32> to vector<256x64xf32>
    %mul3A_116 = arith.mulf %slice3A_114, %get3A_1 : vector<256x64xf32>
    %mul3A_117 = arith.mulf %slice3A_115, %get3A_4 : vector<256x64xf32>
    %sub3A_118 = arith.subf %mul3A_116, %mul3A_117 : vector<256x64xf32>
    %mul3A_119 = arith.mulf %slice3A_115, %get3A_1 : vector<256x64xf32>
    %mul3A_120 = arith.mulf %slice3A_114, %get3A_4 : vector<256x64xf32>
    %add3A_121 = arith.addf %mul3A_119, %mul3A_120 : vector<256x64xf32>
    %concatenate3A_122 = tpu.concatenate %sub3A_118, %add3A_121 in 1 : vector<256x64xf32>, vector<256x64xf32> -> vector<256x128xf32>
    %swap3A_123 = arith.constant 0 : index
    %swap3A_124 = arith.constant 384 : index
    %swap3A_125 = vector.load %arg5[%swap3A_123, %swap3A_124] : memref<256x2048xf32, #tpu.memory_space<vmem>>, vector<256x128xf32>
    tpu.vector_store %arg5[%swap3A_123, %swap3A_124], %concatenate3A_122 {strides = array<i32>} : memref<256x2048xf32, #tpu.memory_space<vmem>>, vector<256x128xf32>,
    %get3A_126 = arith.constant 0 : index
    %get3A_127 = arith.constant 512 : index
    %get3A_128 = vector.load %arg1[%get3A_126, %get3A_127] : memref<256x3072xf32, #tpu.memory_space<vmem>>, vector<256x128xf32>
    %get3A_129 = arith.constant 0 : index
    %get3A_130 = arith.constant 0 : index
    %get3A_131 = vector.load %arg2[%get3A_129, %get3A_130] : memref<1x128xf32, #tpu.memory_space<vmem>>, vector<1x128xf32>
    %square3A_132 = arith.mulf %get3A_128, %get3A_128 : vector<256x128xf32>
    %reduce_sum3A_133 = arith.constant dense<0.000000e+00> : vector<256xf32>
    %reduce_sum3A_134 = vector.multi_reduction <add>, %square3A_132, %reduce_sum3A_133 [1] : vector<256x128xf32> to vector<256xf32>
    %broadcast_in_dim3A_135 = vector.shape_cast %reduce_sum3A_134 : vector<256xf32> to vector<256x1xf32>
    %div3A_136 = arith.constant 1.280000e+02 : f32
    %div3A_137 = vector.broadcast %div3A_136 : f32 to vector<256x1xf32>
    %div3A_138 = arith.divf %broadcast_in_dim3A_135, %div3A_137 : vector<256x1xf32>
    %add3A_139 = arith.constant 9.99999997E-7 : f32
    %add3A_140 = vector.broadcast %add3A_139 : f32 to vector<256x1xf32>
    %add3A_141 = arith.addf %div3A_138, %add3A_140 : vector<256x1xf32>
    %rsqrt3A_142 = math.rsqrt %add3A_141 : vector<256x1xf32>
    %mul3A_143 = vector.broadcast %rsqrt3A_142 : vector<256x1xf32> to vector<256x128xf32>
    %mul3A_144 = arith.mulf %get3A_128, %mul3A_143 : vector<256x128xf32>
    %mul3A_145 = vector.broadcast %get3A_131 : vector<1x128xf32> to vector<256x128xf32>
    %mul3A_146 = arith.mulf %mul3A_144, %mul3A_145 : vector<256x128xf32>
    %slice3A_147 = vector.extract_strided_slice %mul3A_146 {offsets = [0, 0], sizes = [256, 64], strides = [1, 1]} : vector<256x128xf32> to vector<256x64xf32>
    %slice3A_148 = vector.extract_strided_slice %mul3A_146 {offsets = [0, 64], sizes = [256, 64], strides = [1, 1]} : vector<256x128xf32> to vector<256x64xf32>
    %mul3A_149 = arith.mulf %slice3A_147, %get3A_1 : vector<256x64xf32>
    %mul3A_150 = arith.mulf %slice3A_148, %get3A_4 : vector<256x64xf32>
    %sub3A_151 = arith.subf %mul3A_149, %mul3A_150 : vector<256x64xf32>
    %mul3A_152 = arith.mulf %slice3A_148, %get3A_1 : vector<256x64xf32>
    %mul3A_153 = arith.mulf %slice3A_147, %get3A_4 : vector<256x64xf32>
    %add3A_154 = arith.addf %mul3A_152, %mul3A_153 : vector<256x64xf32>
    %concatenate3A_155 = tpu.concatenate %sub3A_151, %add3A_154 in 1 : vector<256x64xf32>, vector<256x64xf32> -> vector<256x128xf32>
    %swap3A_156 = arith.constant 0 : index
    %swap3A_157 = arith.constant 512 : index
    %swap3A_158 = vector.load %arg5[%swap3A_156, %swap3A_157] : memref<256x2048xf32, #tpu.memory_space<vmem>>, vector<256x128xf32>
    tpu.vector_store %arg5[%swap3A_156, %swap3A_157], %concatenate3A_155 {strides = array<i32>} : memref<256x2048xf32, #tpu.memory_space<vmem>>, vector<256x128xf32>,
    %get3A_159 = arith.constant 0 : index
    %get3A_160 = arith.constant 640 : index
    %get3A_161 = vector.load %arg1[%get3A_159, %get3A_160] : memref<256x3072xf32, #tpu.memory_space<vmem>>, vector<256x128xf32>
    %get3A_162 = arith.constant 0 : index
    %get3A_163 = arith.constant 0 : index
    %get3A_164 = vector.load %arg2[%get3A_162, %get3A_163] : memref<1x128xf32, #tpu.memory_space<vmem>>, vector<1x128xf32>
    %square3A_165 = arith.mulf %get3A_161, %get3A_161 : vector<256x128xf32>
    %reduce_sum3A_166 = arith.constant dense<0.000000e+00> : vector<256xf32>
    %reduce_sum3A_167 = vector.multi_reduction <add>, %square3A_165, %reduce_sum3A_166 [1] : vector<256x128xf32> to vector<256xf32>
    %broadcast_in_dim3A_168 = vector.shape_cast %reduce_sum3A_167 : vector<256xf32> to vector<256x1xf32>
    %div3A_169 = arith.constant 1.280000e+02 : f32
    %div3A_170 = vector.broadcast %div3A_169 : f32 to vector<256x1xf32>
    %div3A_171 = arith.divf %broadcast_in_dim3A_168, %div3A_170 : vector<256x1xf32>
    %add3A_172 = arith.constant 9.99999997E-7 : f32
    %add3A_173 = vector.broadcast %add3A_172 : f32 to vector<256x1xf32>
    %add3A_174 = arith.addf %div3A_171, %add3A_173 : vector<256x1xf32>
    %rsqrt3A_175 = math.rsqrt %add3A_174 : vector<256x1xf32>
    %mul3A_176 = vector.broadcast %rsqrt3A_175 : vector<256x1xf32> to vector<256x128xf32>
    %mul3A_177 = arith.mulf %get3A_161, %mul3A_176 : vector<256x128xf32>
    %mul3A_178 = vector.broadcast %get3A_164 : vector<1x128xf32> to vector<256x128xf32>
    %mul3A_179 = arith.mulf %mul3A_177, %mul3A_178 : vector<256x128xf32>
    %slice3A_180 = vector.extract_strided_slice %mul3A_179 {offsets = [0, 0], sizes = [256, 64], strides = [1, 1]} : vector<256x128xf32> to vector<256x64xf32>
    %slice3A_181 = vector.extract_strided_slice %mul3A_179 {offsets = [0, 64], sizes = [256, 64], strides = [1, 1]} : vector<256x128xf32> to vector<256x64xf32>
    %mul3A_182 = arith.mulf %slice3A_180, %get3A_1 : vector<256x64xf32>
    %mul3A_183 = arith.mulf %slice3A_181, %get3A_4 : vector<256x64xf32>
    %sub3A_184 = arith.subf %mul3A_182, %mul3A_183 : vector<256x64xf32>
    %mul3A_185 = arith.mulf %slice3A_181, %get3A_1 : vector<256x64xf32>
    %mul3A_186 = arith.mulf %slice3A_180, %get3A_4 : vector<256x64xf32>
    %add3A_187 = arith.addf %mul3A_185, %mul3A_186 : vector<256x64xf32>
    %concatenate3A_188 = tpu.concatenate %sub3A_184, %add3A_187 in 1 : vector<256x64xf32>, vector<256x64xf32> -> vector<256x128xf32>
    %swap3A_189 = arith.constant 0 : index
    %swap3A_190 = arith.constant 640 : index
    %swap3A_191 = vector.load %arg5[%swap3A_189, %swap3A_190] : memref<256x2048xf32, #tpu.memory_space<vmem>>, vector<256x128xf32>
    tpu.vector_store %arg5[%swap3A_189, %swap3A_190], %concatenate3A_188 {strides = array<i32>} : memref<256x2048xf32, #tpu.memory_space<vmem>>, vector<256x128xf32>,
    %get3A_192 = arith.constant 0 : index
    %get3A_193 = arith.constant 768 : index
    %get3A_194 = vector.load %arg1[%get3A_192, %get3A_193] : memref<256x3072xf32, #tpu.memory_space<vmem>>, vector<256x128xf32>
    %get3A_195 = arith.constant 0 : index
    %get3A_196 = arith.constant 0 : index
    %get3A_197 = vector.load %arg2[%get3A_195, %get3A_196] : memref<1x128xf32, #tpu.memory_space<vmem>>, vector<1x128xf32>
    %square3A_198 = arith.mulf %get3A_194, %get3A_194 : vector<256x128xf32>
    %reduce_sum3A_199 = arith.constant dense<0.000000e+00> : vector<256xf32>
    %reduce_sum3A_200 = vector.multi_reduction <add>, %square3A_198, %reduce_sum3A_199 [1] : vector<256x128xf32> to vector<256xf32>
    %broadcast_in_dim3A_201 = vector.shape_cast %reduce_sum3A_200 : vector<256xf32> to vector<256x1xf32>
    %div3A_202 = arith.constant 1.280000e+02 : f32
    %div3A_203 = vector.broadcast %div3A_202 : f32 to vector<256x1xf32>
    %div3A_204 = arith.divf %broadcast_in_dim3A_201, %div3A_203 : vector<256x1xf32>
    %add3A_205 = arith.constant 9.99999997E-7 : f32
    %add3A_206 = vector.broadcast %add3A_205 : f32 to vector<256x1xf32>
    %add3A_207 = arith.addf %div3A_204, %add3A_206 : vector<256x1xf32>
    %rsqrt3A_208 = math.rsqrt %add3A_207 : vector<256x1xf32>
    %mul3A_209 = vector.broadcast %rsqrt3A_208 : vector<256x1xf32> to vector<256x128xf32>
    %mul3A_210 = arith.mulf %get3A_194, %mul3A_209 : vector<256x128xf32>
    %mul3A_211 = vector.broadcast %get3A_197 : vector<1x128xf32> to vector<256x128xf32>
    %mul3A_212 = arith.mulf %mul3A_210, %mul3A_211 : vector<256x128xf32>
    %slice3A_213 = vector.extract_strided_slice %mul3A_212 {offsets = [0, 0], sizes = [256, 64], strides = [1, 1]} : vector<256x128xf32> to vector<256x64xf32>
    %slice3A_214 = vector.extract_strided_slice %mul3A_212 {offsets = [0, 64], sizes = [256, 64], strides = [1, 1]} : vector<256x128xf32> to vector<256x64xf32>
    %mul3A_215 = arith.mulf %slice3A_213, %get3A_1 : vector<256x64xf32>
    %mul3A_216 = arith.mulf %slice3A_214, %get3A_4 : vector<256x64xf32>
    %sub3A_217 = arith.subf %mul3A_215, %mul3A_216 : vector<256x64xf32>
    %mul3A_218 = arith.mulf %slice3A_214, %get3A_1 : vector<256x64xf32>
    %mul3A_219 = arith.mulf %slice3A_213, %get3A_4 : vector<256x64xf32>
    %add3A_220 = arith.addf %mul3A_218, %mul3A_219 : vector<256x64xf32>
    %concatenate3A_221 = tpu.concatenate %sub3A_217, %add3A_220 in 1 : vector<256x64xf32>, vector<256x64xf32> -> vector<256x128xf32>
    %swap3A_222 = arith.constant 0 : index
    %swap3A_223 = arith.constant 768 : index
    %swap3A_224 = vector.load %arg5[%swap3A_222, %swap3A_223] : memref<256x2048xf32, #tpu.memory_space<vmem>>, vector<256x128xf32>
    tpu.vector_store %arg5[%swap3A_222, %swap3A_223], %concatenate3A_221 {strides = array<i32>} : memref<256x2048xf32, #tpu.memory_space<vmem>>, vector<256x128xf32>,
    %get3A_225 = arith.constant 0 : index
    %get3A_226 = arith.constant 896 : index
    %get3A_227 = vector.load %arg1[%get3A_225, %get3A_226] : memref<256x3072xf32, #tpu.memory_space<vmem>>, vector<256x128xf32>
    %get3A_228 = arith.constant 0 : index
    %get3A_229 = arith.constant 0 : index
    %get3A_230 = vector.load %arg2[%get3A_228, %get3A_229] : memref<1x128xf32, #tpu.memory_space<vmem>>, vector<1x128xf32>
    %square3A_231 = arith.mulf %get3A_227, %get3A_227 : vector<256x128xf32>
    %reduce_sum3A_232 = arith.constant dense<0.000000e+00> : vector<256xf32>
    %reduce_sum3A_233 = vector.multi_reduction <add>, %square3A_231, %reduce_sum3A_232 [1] : vector<256x128xf32> to vector<256xf32>
    %broadcast_in_dim3A_234 = vector.shape_cast %reduce_sum3A_233 : vector<256xf32> to vector<256x1xf32>
    %div3A_235 = arith.constant 1.280000e+02 : f32
    %div3A_236 = vector.broadcast %div3A_235 : f32 to vector<256x1xf32>
    %div3A_237 = arith.divf %broadcast_in_dim3A_234, %div3A_236 : vector<256x1xf32>
    %add3A_238 = arith.constant 9.99999997E-7 : f32
    %add3A_239 = vector.broadcast %add3A_238 : f32 to vector<256x1xf32>
    %add3A_240 = arith.addf %div3A_237, %add3A_239 : vector<256x1xf32>
    %rsqrt3A_241 = math.rsqrt %add3A_240 : vector<256x1xf32>
    %mul3A_242 = vector.broadcast %rsqrt3A_241 : vector<256x1xf32> to vector<256x128xf32>
    %mul3A_243 = arith.mulf %get3A_227, %mul3A_242 : vector<256x128xf32>
    %mul3A_244 = vector.broadcast %get3A_230 : vector<1x128xf32> to vector<256x128xf32>
    %mul3A_245 = arith.mulf %mul3A_243, %mul3A_244 : vector<256x128xf32>
    %slice3A_246 = vector.extract_strided_slice %mul3A_245 {offsets = [0, 0], sizes = [256, 64], strides = [1, 1]} : vector<256x128xf32> to vector<256x64xf32>
    %slice3A_247 = vector.extract_strided_slice %mul3A_245 {offsets = [0, 64], sizes = [256, 64], strides = [1, 1]} : vector<256x128xf32> to vector<256x64xf32>
    %mul3A_248 = arith.mulf %slice3A_246, %get3A_1 : vector<256x64xf32>
    %mul3A_249 = arith.mulf %slice3A_247, %get3A_4 : vector<256x64xf32>
    %sub3A_250 = arith.subf %mul3A_248, %mul3A_249 : vector<256x64xf32>
    %mul3A_251 = arith.mulf %slice3A_247, %get3A_1 : vector<256x64xf32>
    %mul3A_252 = arith.mulf %slice3A_246, %get3A_4 : vector<256x64xf32>
    %add3A_253 = arith.addf %mul3A_251, %mul3A_252 : vector<256x64xf32>
    %concatenate3A_254 = tpu.concatenate %sub3A_250, %add3A_253 in 1 : vector<256x64xf32>, vector<256x64xf32> -> vector<256x128xf32>
    %swap3A_255 = arith.constant 0 : index
    %swap3A_256 = arith.constant 896 : index
    %swap3A_257 = vector.load %arg5[%swap3A_255, %swap3A_256] : memref<256x2048xf32, #tpu.memory_space<vmem>>, vector<256x128xf32>
    tpu.vector_store %arg5[%swap3A_255, %swap3A_256], %concatenate3A_254 {strides = array<i32>} : memref<256x2048xf32, #tpu.memory_space<vmem>>, vector<256x128xf32>,
    %get3A_258 = arith.constant 0 : index
    %get3A_259 = arith.constant 1024 : index
    %get3A_260 = vector.load %arg1[%get3A_258, %get3A_259] : memref<256x3072xf32, #tpu.memory_space<vmem>>, vector<256x128xf32>
    %get3A_261 = arith.constant 0 : index
    %get3A_262 = arith.constant 0 : index
    %get3A_263 = vector.load %arg2[%get3A_261, %get3A_262] : memref<1x128xf32, #tpu.memory_space<vmem>>, vector<1x128xf32>
    %square3A_264 = arith.mulf %get3A_260, %get3A_260 : vector<256x128xf32>
    %reduce_sum3A_265 = arith.constant dense<0.000000e+00> : vector<256xf32>
    %reduce_sum3A_266 = vector.multi_reduction <add>, %square3A_264, %reduce_sum3A_265 [1] : vector<256x128xf32> to vector<256xf32>
    %broadcast_in_dim3A_267 = vector.shape_cast %reduce_sum3A_266 : vector<256xf32> to vector<256x1xf32>
    %div3A_268 = arith.constant 1.280000e+02 : f32
    %div3A_269 = vector.broadcast %div3A_268 : f32 to vector<256x1xf32>
    %div3A_270 = arith.divf %broadcast_in_dim3A_267, %div3A_269 : vector<256x1xf32>
    %add3A_271 = arith.constant 9.99999997E-7 : f32
    %add3A_272 = vector.broadcast %add3A_271 : f32 to vector<256x1xf32>
    %add3A_273 = arith.addf %div3A_270, %add3A_272 : vector<256x1xf32>
    %rsqrt3A_274 = math.rsqrt %add3A_273 : vector<256x1xf32>
    %mul3A_275 = vector.broadcast %rsqrt3A_274 : vector<256x1xf32> to vector<256x128xf32>
    %mul3A_276 = arith.mulf %get3A_260, %mul3A_275 : vector<256x128xf32>
    %mul3A_277 = vector.broadcast %get3A_263 : vector<1x128xf32> to vector<256x128xf32>
    %mul3A_278 = arith.mulf %mul3A_276, %mul3A_277 : vector<256x128xf32>
    %slice3A_279 = vector.extract_strided_slice %mul3A_278 {offsets = [0, 0], sizes = [256, 64], strides = [1, 1]} : vector<256x128xf32> to vector<256x64xf32>
    %slice3A_280 = vector.extract_strided_slice %mul3A_278 {offsets = [0, 64], sizes = [256, 64], strides = [1, 1]} : vector<256x128xf32> to vector<256x64xf32>
    %mul3A_281 = arith.mulf %slice3A_279, %get3A_1 : vector<256x64xf32>
    %mul3A_282 = arith.mulf %slice3A_280, %get3A_4 : vector<256x64xf32>
    %sub3A_283 = arith.subf %mul3A_281, %mul3A_282 : vector<256x64xf32>
    %mul3A_284 = arith.mulf %slice3A_280, %get3A_1 : vector<256x64xf32>
    %mul3A_285 = arith.mulf %slice3A_279, %get3A_4 : vector<256x64xf32>
    %add3A_286 = arith.addf %mul3A_284, %mul3A_285 : vector<256x64xf32>
    %concatenate3A_287 = tpu.concatenate %sub3A_283, %add3A_286 in 1 : vector<256x64xf32>, vector<256x64xf32> -> vector<256x128xf32>
    %swap3A_288 = arith.constant 0 : index
    %swap3A_289 = arith.constant 1024 : index
    %swap3A_290 = vector.load %arg5[%swap3A_288, %swap3A_289] : memref<256x2048xf32, #tpu.memory_space<vmem>>, vector<256x128xf32>
    tpu.vector_store %arg5[%swap3A_288, %swap3A_289], %concatenate3A_287 {strides = array<i32>} : memref<256x2048xf32, #tpu.memory_space<vmem>>, vector<256x128xf32>,
    %get3A_291 = arith.constant 0 : index
    %get3A_292 = arith.constant 1152 : index
    %get3A_293 = vector.load %arg1[%get3A_291, %get3A_292] : memref<256x3072xf32, #tpu.memory_space<vmem>>, vector<256x128xf32>
    %get3A_294 = arith.constant 0 : index
    %get3A_295 = arith.constant 0 : index
    %get3A_296 = vector.load %arg2[%get3A_294, %get3A_295] : memref<1x128xf32, #tpu.memory_space<vmem>>, vector<1x128xf32>
    %square3A_297 = arith.mulf %get3A_293, %get3A_293 : vector<256x128xf32>
    %reduce_sum3A_298 = arith.constant dense<0.000000e+00> : vector<256xf32>
    %reduce_sum3A_299 = vector.multi_reduction <add>, %square3A_297, %reduce_sum3A_298 [1] : vector<256x128xf32> to vector<256xf32>
    %broadcast_in_dim3A_300 = vector.shape_cast %reduce_sum3A_299 : vector<256xf32> to vector<256x1xf32>
    %div3A_301 = arith.constant 1.280000e+02 : f32
    %div3A_302 = vector.broadcast %div3A_301 : f32 to vector<256x1xf32>
    %div3A_303 = arith.divf %broadcast_in_dim3A_300, %div3A_302 : vector<256x1xf32>
    %add3A_304 = arith.constant 9.99999997E-7 : f32
    %add3A_305 = vector.broadcast %add3A_304 : f32 to vector<256x1xf32>
    %add3A_306 = arith.addf %div3A_303, %add3A_305 : vector<256x1xf32>
    %rsqrt3A_307 = math.rsqrt %add3A_306 : vector<256x1xf32>
    %mul3A_308 = vector.broadcast %rsqrt3A_307 : vector<256x1xf32> to vector<256x128xf32>
    %mul3A_309 = arith.mulf %get3A_293, %mul3A_308 : vector<256x128xf32>
    %mul3A_310 = vector.broadcast %get3A_296 : vector<1x128xf32> to vector<256x128xf32>
    %mul3A_311 = arith.mulf %mul3A_309, %mul3A_310 : vector<256x128xf32>
    %slice3A_312 = vector.extract_strided_slice %mul3A_311 {offsets = [0, 0], sizes = [256, 64], strides = [1, 1]} : vector<256x128xf32> to vector<256x64xf32>
    %slice3A_313 = vector.extract_strided_slice %mul3A_311 {offsets = [0, 64], sizes = [256, 64], strides = [1, 1]} : vector<256x128xf32> to vector<256x64xf32>
    %mul3A_314 = arith.mulf %slice3A_312, %get3A_1 : vector<256x64xf32>
    %mul3A_315 = arith.mulf %slice3A_313, %get3A_4 : vector<256x64xf32>
    %sub3A_316 = arith.subf %mul3A_314, %mul3A_315 : vector<256x64xf32>
    %mul3A_317 = arith.mulf %slice3A_313, %get3A_1 : vector<256x64xf32>
    %mul3A_318 = arith.mulf %slice3A_312, %get3A_4 : vector<256x64xf32>
    %add3A_319 = arith.addf %mul3A_317, %mul3A_318 : vector<256x64xf32>
    %concatenate3A_320 = tpu.concatenate %sub3A_316, %add3A_319 in 1 : vector<256x64xf32>, vector<256x64xf32> -> vector<256x128xf32>
    %swap3A_321 = arith.constant 0 : index
    %swap3A_322 = arith.constant 1152 : index
    %swap3A_323 = vector.load %arg5[%swap3A_321, %swap3A_322] : memref<256x2048xf32, #tpu.memory_space<vmem>>, vector<256x128xf32>
    tpu.vector_store %arg5[%swap3A_321, %swap3A_322], %concatenate3A_320 {strides = array<i32>} : memref<256x2048xf32, #tpu.memory_space<vmem>>, vector<256x128xf32>,
    %get3A_324 = arith.constant 0 : index
    %get3A_325 = arith.constant 1280 : index
    %get3A_326 = vector.load %arg1[%get3A_324, %get3A_325] : memref<256x3072xf32, #tpu.memory_space<vmem>>, vector<256x128xf32>
    %get3A_327 = arith.constant 0 : index
    %get3A_328 = arith.constant 0 : index
    %get3A_329 = vector.load %arg2[%get3A_327, %get3A_328] : memref<1x128xf32, #tpu.memory_space<vmem>>, vector<1x128xf32>
    %square3A_330 = arith.mulf %get3A_326, %get3A_326 : vector<256x128xf32>
    %reduce_sum3A_331 = arith.constant dense<0.000000e+00> : vector<256xf32>
    %reduce_sum3A_332 = vector.multi_reduction <add>, %square3A_330, %reduce_sum3A_331 [1] : vector<256x128xf32> to vector<256xf32>
    %broadcast_in_dim3A_333 = vector.shape_cast %reduce_sum3A_332 : vector<256xf32> to vector<256x1xf32>
    %div3A_334 = arith.constant 1.280000e+02 : f32
    %div3A_335 = vector.broadcast %div3A_334 : f32 to vector<256x1xf32>
    %div3A_336 = arith.divf %broadcast_in_dim3A_333, %div3A_335 : vector<256x1xf32>
    %add3A_337 = arith.constant 9.99999997E-7 : f32
    %add3A_338 = vector.broadcast %add3A_337 : f32 to vector<256x1xf32>
    %add3A_339 = arith.addf %div3A_336, %add3A_338 : vector<256x1xf32>
    %rsqrt3A_340 = math.rsqrt %add3A_339 : vector<256x1xf32>
    %mul3A_341 = vector.broadcast %rsqrt3A_340 : vector<256x1xf32> to vector<256x128xf32>
    %mul3A_342 = arith.mulf %get3A_326, %mul3A_341 : vector<256x128xf32>
    %mul3A_343 = vector.broadcast %get3A_329 : vector<1x128xf32> to vector<256x128xf32>
    %mul3A_344 = arith.mulf %mul3A_342, %mul3A_343 : vector<256x128xf32>
    %slice3A_345 = vector.extract_strided_slice %mul3A_344 {offsets = [0, 0], sizes = [256, 64], strides = [1, 1]} : vector<256x128xf32> to vector<256x64xf32>
    %slice3A_346 = vector.extract_strided_slice %mul3A_344 {offsets = [0, 64], sizes = [256, 64], strides = [1, 1]} : vector<256x128xf32> to vector<256x64xf32>
    %mul3A_347 = arith.mulf %slice3A_345, %get3A_1 : vector<256x64xf32>
    %mul3A_348 = arith.mulf %slice3A_346, %get3A_4 : vector<256x64xf32>
    %sub3A_349 = arith.subf %mul3A_347, %mul3A_348 : vector<256x64xf32>
    %mul3A_350 = arith.mulf %slice3A_346, %get3A_1 : vector<256x64xf32>
    %mul3A_351 = arith.mulf %slice3A_345, %get3A_4 : vector<256x64xf32>
    %add3A_352 = arith.addf %mul3A_350, %mul3A_351 : vector<256x64xf32>
    %concatenate3A_353 = tpu.concatenate %sub3A_349, %add3A_352 in 1 : vector<256x64xf32>, vector<256x64xf32> -> vector<256x128xf32>
    %swap3A_354 = arith.constant 0 : index
    %swap3A_355 = arith.constant 1280 : index
    %swap3A_356 = vector.load %arg5[%swap3A_354, %swap3A_355] : memref<256x2048xf32, #tpu.memory_space<vmem>>, vector<256x128xf32>
    tpu.vector_store %arg5[%swap3A_354, %swap3A_355], %concatenate3A_353 {strides = array<i32>} : memref<256x2048xf32, #tpu.memory_space<vmem>>, vector<256x128xf32>,
    %get3A_357 = arith.constant 0 : index
    %get3A_358 = arith.constant 1408 : index
    %get3A_359 = vector.load %arg1[%get3A_357, %get3A_358] : memref<256x3072xf32, #tpu.memory_space<vmem>>, vector<256x128xf32>
    %get3A_360 = arith.constant 0 : index
    %get3A_361 = arith.constant 0 : index
    %get3A_362 = vector.load %arg2[%get3A_360, %get3A_361] : memref<1x128xf32, #tpu.memory_space<vmem>>, vector<1x128xf32>
    %square3A_363 = arith.mulf %get3A_359, %get3A_359 : vector<256x128xf32>
    %reduce_sum3A_364 = arith.constant dense<0.000000e+00> : vector<256xf32>
    %reduce_sum3A_365 = vector.multi_reduction <add>, %square3A_363, %reduce_sum3A_364 [1] : vector<256x128xf32> to vector<256xf32>
    %broadcast_in_dim3A_366 = vector.shape_cast %reduce_sum3A_365 : vector<256xf32> to vector<256x1xf32>
    %div3A_367 = arith.constant 1.280000e+02 : f32
    %div3A_368 = vector.broadcast %div3A_367 : f32 to vector<256x1xf32>
    %div3A_369 = arith.divf %broadcast_in_dim3A_366, %div3A_368 : vector<256x1xf32>
    %add3A_370 = arith.constant 9.99999997E-7 : f32
    %add3A_371 = vector.broadcast %add3A_370 : f32 to vector<256x1xf32>
    %add3A_372 = arith.addf %div3A_369, %add3A_371 : vector<256x1xf32>
    %rsqrt3A_373 = math.rsqrt %add3A_372 : vector<256x1xf32>
    %mul3A_374 = vector.broadcast %rsqrt3A_373 : vector<256x1xf32> to vector<256x128xf32>
    %mul3A_375 = arith.mulf %get3A_359, %mul3A_374 : vector<256x128xf32>
    %mul3A_376 = vector.broadcast %get3A_362 : vector<1x128xf32> to vector<256x128xf32>
    %mul3A_377 = arith.mulf %mul3A_375, %mul3A_376 : vector<256x128xf32>
    %slice3A_378 = vector.extract_strided_slice %mul3A_377 {offsets = [0, 0], sizes = [256, 64], strides = [1, 1]} : vector<256x128xf32> to vector<256x64xf32>
    %slice3A_379 = vector.extract_strided_slice %mul3A_377 {offsets = [0, 64], sizes = [256, 64], strides = [1, 1]} : vector<256x128xf32> to vector<256x64xf32>
    %mul3A_380 = arith.mulf %slice3A_378, %get3A_1 : vector<256x64xf32>
    %mul3A_381 = arith.mulf %slice3A_379, %get3A_4 : vector<256x64xf32>
    %sub3A_382 = arith.subf %mul3A_380, %mul3A_381 : vector<256x64xf32>
    %mul3A_383 = arith.mulf %slice3A_379, %get3A_1 : vector<256x64xf32>
    %mul3A_384 = arith.mulf %slice3A_378, %get3A_4 : vector<256x64xf32>
    %add3A_385 = arith.addf %mul3A_383, %mul3A_384 : vector<256x64xf32>
    %concatenate3A_386 = tpu.concatenate %sub3A_382, %add3A_385 in 1 : vector<256x64xf32>, vector<256x64xf32> -> vector<256x128xf32>
    %swap3A_387 = arith.constant 0 : index
    %swap3A_388 = arith.constant 1408 : index
    %swap3A_389 = vector.load %arg5[%swap3A_387, %swap3A_388] : memref<256x2048xf32, #tpu.memory_space<vmem>>, vector<256x128xf32>
    tpu.vector_store %arg5[%swap3A_387, %swap3A_388], %concatenate3A_386 {strides = array<i32>} : memref<256x2048xf32, #tpu.memory_space<vmem>>, vector<256x128xf32>,
    %get3A_390 = arith.constant 0 : index
    %get3A_391 = arith.constant 1536 : index
    %get3A_392 = vector.load %arg1[%get3A_390, %get3A_391] : memref<256x3072xf32, #tpu.memory_space<vmem>>, vector<256x128xf32>
    %get3A_393 = arith.constant 0 : index
    %get3A_394 = arith.constant 0 : index
    %get3A_395 = vector.load %arg2[%get3A_393, %get3A_394] : memref<1x128xf32, #tpu.memory_space<vmem>>, vector<1x128xf32>
    %square3A_396 = arith.mulf %get3A_392, %get3A_392 : vector<256x128xf32>
    %reduce_sum3A_397 = arith.constant dense<0.000000e+00> : vector<256xf32>
    %reduce_sum3A_398 = vector.multi_reduction <add>, %square3A_396, %reduce_sum3A_397 [1] : vector<256x128xf32> to vector<256xf32>
    %broadcast_in_dim3A_399 = vector.shape_cast %reduce_sum3A_398 : vector<256xf32> to vector<256x1xf32>
    %div3A_400 = arith.constant 1.280000e+02 : f32
    %div3A_401 = vector.broadcast %div3A_400 : f32 to vector<256x1xf32>
    %div3A_402 = arith.divf %broadcast_in_dim3A_399, %div3A_401 : vector<256x1xf32>
    %add3A_403 = arith.constant 9.99999997E-7 : f32
    %add3A_404 = vector.broadcast %add3A_403 : f32 to vector<256x1xf32>
    %add3A_405 = arith.addf %div3A_402, %add3A_404 : vector<256x1xf32>
    %rsqrt3A_406 = math.rsqrt %add3A_405 : vector<256x1xf32>
    %mul3A_407 = vector.broadcast %rsqrt3A_406 : vector<256x1xf32> to vector<256x128xf32>
    %mul3A_408 = arith.mulf %get3A_392, %mul3A_407 : vector<256x128xf32>
    %mul3A_409 = vector.broadcast %get3A_395 : vector<1x128xf32> to vector<256x128xf32>
    %mul3A_410 = arith.mulf %mul3A_408, %mul3A_409 : vector<256x128xf32>
    %slice3A_411 = vector.extract_strided_slice %mul3A_410 {offsets = [0, 0], sizes = [256, 64], strides = [1, 1]} : vector<256x128xf32> to vector<256x64xf32>
    %slice3A_412 = vector.extract_strided_slice %mul3A_410 {offsets = [0, 64], sizes = [256, 64], strides = [1, 1]} : vector<256x128xf32> to vector<256x64xf32>
    %mul3A_413 = arith.mulf %slice3A_411, %get3A_1 : vector<256x64xf32>
    %mul3A_414 = arith.mulf %slice3A_412, %get3A_4 : vector<256x64xf32>
    %sub3A_415 = arith.subf %mul3A_413, %mul3A_414 : vector<256x64xf32>
    %mul3A_416 = arith.mulf %slice3A_412, %get3A_1 : vector<256x64xf32>
    %mul3A_417 = arith.mulf %slice3A_411, %get3A_4 : vector<256x64xf32>
    %add3A_418 = arith.addf %mul3A_416, %mul3A_417 : vector<256x64xf32>
    %concatenate3A_419 = tpu.concatenate %sub3A_415, %add3A_418 in 1 : vector<256x64xf32>, vector<256x64xf32> -> vector<256x128xf32>
    %swap3A_420 = arith.constant 0 : index
    %swap3A_421 = arith.constant 1536 : index
    %swap3A_422 = vector.load %arg5[%swap3A_420, %swap3A_421] : memref<256x2048xf32, #tpu.memory_space<vmem>>, vector<256x128xf32>
    tpu.vector_store %arg5[%swap3A_420, %swap3A_421], %concatenate3A_419 {strides = array<i32>} : memref<256x2048xf32, #tpu.memory_space<vmem>>, vector<256x128xf32>,
    %get3A_423 = arith.constant 0 : index
    %get3A_424 = arith.constant 1664 : index
    %get3A_425 = vector.load %arg1[%get3A_423, %get3A_424] : memref<256x3072xf32, #tpu.memory_space<vmem>>, vector<256x128xf32>
    %get3A_426 = arith.constant 0 : index
    %get3A_427 = arith.constant 0 : index
    %get3A_428 = vector.load %arg2[%get3A_426, %get3A_427] : memref<1x128xf32, #tpu.memory_space<vmem>>, vector<1x128xf32>
    %square3A_429 = arith.mulf %get3A_425, %get3A_425 : vector<256x128xf32>
    %reduce_sum3A_430 = arith.constant dense<0.000000e+00> : vector<256xf32>
    %reduce_sum3A_431 = vector.multi_reduction <add>, %square3A_429, %reduce_sum3A_430 [1] : vector<256x128xf32> to vector<256xf32>
    %broadcast_in_dim3A_432 = vector.shape_cast %reduce_sum3A_431 : vector<256xf32> to vector<256x1xf32>
    %div3A_433 = arith.constant 1.280000e+02 : f32
    %div3A_434 = vector.broadcast %div3A_433 : f32 to vector<256x1xf32>
    %div3A_435 = arith.divf %broadcast_in_dim3A_432, %div3A_434 : vector<256x1xf32>
    %add3A_436 = arith.constant 9.99999997E-7 : f32
    %add3A_437 = vector.broadcast %add3A_436 : f32 to vector<256x1xf32>
    %add3A_438 = arith.addf %div3A_435, %add3A_437 : vector<256x1xf32>
    %rsqrt3A_439 = math.rsqrt %add3A_438 : vector<256x1xf32>
    %mul3A_440 = vector.broadcast %rsqrt3A_439 : vector<256x1xf32> to vector<256x128xf32>
    %mul3A_441 = arith.mulf %get3A_425, %mul3A_440 : vector<256x128xf32>
    %mul3A_442 = vector.broadcast %get3A_428 : vector<1x128xf32> to vector<256x128xf32>
    %mul3A_443 = arith.mulf %mul3A_441, %mul3A_442 : vector<256x128xf32>
    %slice3A_444 = vector.extract_strided_slice %mul3A_443 {offsets = [0, 0], sizes = [256, 64], strides = [1, 1]} : vector<256x128xf32> to vector<256x64xf32>
    %slice3A_445 = vector.extract_strided_slice %mul3A_443 {offsets = [0, 64], sizes = [256, 64], strides = [1, 1]} : vector<256x128xf32> to vector<256x64xf32>
    %mul3A_446 = arith.mulf %slice3A_444, %get3A_1 : vector<256x64xf32>
    %mul3A_447 = arith.mulf %slice3A_445, %get3A_4 : vector<256x64xf32>
    %sub3A_448 = arith.subf %mul3A_446, %mul3A_447 : vector<256x64xf32>
    %mul3A_449 = arith.mulf %slice3A_445, %get3A_1 : vector<256x64xf32>
    %mul3A_450 = arith.mulf %slice3A_444, %get3A_4 : vector<256x64xf32>
    %add3A_451 = arith.addf %mul3A_449, %mul3A_450 : vector<256x64xf32>
    %concatenate3A_452 = tpu.concatenate %sub3A_448, %add3A_451 in 1 : vector<256x64xf32>, vector<256x64xf32> -> vector<256x128xf32>
    %swap3A_453 = arith.constant 0 : index
    %swap3A_454 = arith.constant 1664 : index
    %swap3A_455 = vector.load %arg5[%swap3A_453, %swap3A_454] : memref<256x2048xf32, #tpu.memory_space<vmem>>, vector<256x128xf32>
    tpu.vector_store %arg5[%swap3A_453, %swap3A_454], %concatenate3A_452 {strides = array<i32>} : memref<256x2048xf32, #tpu.memory_space<vmem>>, vector<256x128xf32>,
    %get3A_456 = arith.constant 0 : index
    %get3A_457 = arith.constant 1792 : index
    %get3A_458 = vector.load %arg1[%get3A_456, %get3A_457] : memref<256x3072xf32, #tpu.memory_space<vmem>>, vector<256x128xf32>
    %get3A_459 = arith.constant 0 : index
    %get3A_460 = arith.constant 0 : index
    %get3A_461 = vector.load %arg2[%get3A_459, %get3A_460] : memref<1x128xf32, #tpu.memory_space<vmem>>, vector<1x128xf32>
    %square3A_462 = arith.mulf %get3A_458, %get3A_458 : vector<256x128xf32>
    %reduce_sum3A_463 = arith.constant dense<0.000000e+00> : vector<256xf32>
    %reduce_sum3A_464 = vector.multi_reduction <add>, %square3A_462, %reduce_sum3A_463 [1] : vector<256x128xf32> to vector<256xf32>
    %broadcast_in_dim3A_465 = vector.shape_cast %reduce_sum3A_464 : vector<256xf32> to vector<256x1xf32>
    %div3A_466 = arith.constant 1.280000e+02 : f32
    %div3A_467 = vector.broadcast %div3A_466 : f32 to vector<256x1xf32>
    %div3A_468 = arith.divf %broadcast_in_dim3A_465, %div3A_467 : vector<256x1xf32>
    %add3A_469 = arith.constant 9.99999997E-7 : f32
    %add3A_470 = vector.broadcast %add3A_469 : f32 to vector<256x1xf32>
    %add3A_471 = arith.addf %div3A_468, %add3A_470 : vector<256x1xf32>
    %rsqrt3A_472 = math.rsqrt %add3A_471 : vector<256x1xf32>
    %mul3A_473 = vector.broadcast %rsqrt3A_472 : vector<256x1xf32> to vector<256x128xf32>
    %mul3A_474 = arith.mulf %get3A_458, %mul3A_473 : vector<256x128xf32>
    %mul3A_475 = vector.broadcast %get3A_461 : vector<1x128xf32> to vector<256x128xf32>
    %mul3A_476 = arith.mulf %mul3A_474, %mul3A_475 : vector<256x128xf32>
    %slice3A_477 = vector.extract_strided_slice %mul3A_476 {offsets = [0, 0], sizes = [256, 64], strides = [1, 1]} : vector<256x128xf32> to vector<256x64xf32>
    %slice3A_478 = vector.extract_strided_slice %mul3A_476 {offsets = [0, 64], sizes = [256, 64], strides = [1, 1]} : vector<256x128xf32> to vector<256x64xf32>
    %mul3A_479 = arith.mulf %slice3A_477, %get3A_1 : vector<256x64xf32>
    %mul3A_480 = arith.mulf %slice3A_478, %get3A_4 : vector<256x64xf32>
    %sub3A_481 = arith.subf %mul3A_479, %mul3A_480 : vector<256x64xf32>
    %mul3A_482 = arith.mulf %slice3A_478, %get3A_1 : vector<256x64xf32>
    %mul3A_483 = arith.mulf %slice3A_477, %get3A_4 : vector<256x64xf32>
    %add3A_484 = arith.addf %mul3A_482, %mul3A_483 : vector<256x64xf32>
    %concatenate3A_485 = tpu.concatenate %sub3A_481, %add3A_484 in 1 : vector<256x64xf32>, vector<256x64xf32> -> vector<256x128xf32>
    %swap3A_486 = arith.constant 0 : index
    %swap3A_487 = arith.constant 1792 : index
    %swap3A_488 = vector.load %arg5[%swap3A_486, %swap3A_487] : memref<256x2048xf32, #tpu.memory_space<vmem>>, vector<256x128xf32>
    tpu.vector_store %arg5[%swap3A_486, %swap3A_487], %concatenate3A_485 {strides = array<i32>} : memref<256x2048xf32, #tpu.memory_space<vmem>>, vector<256x128xf32>,
    %get3A_489 = arith.constant 0 : index
    %get3A_490 = arith.constant 1920 : index
    %get3A_491 = vector.load %arg1[%get3A_489, %get3A_490] : memref<256x3072xf32, #tpu.memory_space<vmem>>, vector<256x128xf32>
    %get3A_492 = arith.constant 0 : index
    %get3A_493 = arith.constant 0 : index
    %get3A_494 = vector.load %arg2[%get3A_492, %get3A_493] : memref<1x128xf32, #tpu.memory_space<vmem>>, vector<1x128xf32>
    %square3A_495 = arith.mulf %get3A_491, %get3A_491 : vector<256x128xf32>
    %reduce_sum3A_496 = arith.constant dense<0.000000e+00> : vector<256xf32>
    %reduce_sum3A_497 = vector.multi_reduction <add>, %square3A_495, %reduce_sum3A_496 [1] : vector<256x128xf32> to vector<256xf32>
    %broadcast_in_dim3A_498 = vector.shape_cast %reduce_sum3A_497 : vector<256xf32> to vector<256x1xf32>
    %div3A_499 = arith.constant 1.280000e+02 : f32
    %div3A_500 = vector.broadcast %div3A_499 : f32 to vector<256x1xf32>
    %div3A_501 = arith.divf %broadcast_in_dim3A_498, %div3A_500 : vector<256x1xf32>
    %add3A_502 = arith.constant 9.99999997E-7 : f32
    %add3A_503 = vector.broadcast %add3A_502 : f32 to vector<256x1xf32>
    %add3A_504 = arith.addf %div3A_501, %add3A_503 : vector<256x1xf32>
    %rsqrt3A_505 = math.rsqrt %add3A_504 : vector<256x1xf32>
    %mul3A_506 = vector.broadcast %rsqrt3A_505 : vector<256x1xf32> to vector<256x128xf32>
    %mul3A_507 = arith.mulf %get3A_491, %mul3A_506 : vector<256x128xf32>
    %mul3A_508 = vector.broadcast %get3A_494 : vector<1x128xf32> to vector<256x128xf32>
    %mul3A_509 = arith.mulf %mul3A_507, %mul3A_508 : vector<256x128xf32>
    %slice3A_510 = vector.extract_strided_slice %mul3A_509 {offsets = [0, 0], sizes = [256, 64], strides = [1, 1]} : vector<256x128xf32> to vector<256x64xf32>
    %slice3A_511 = vector.extract_strided_slice %mul3A_509 {offsets = [0, 64], sizes = [256, 64], strides = [1, 1]} : vector<256x128xf32> to vector<256x64xf32>
    %mul3A_512 = arith.mulf %slice3A_510, %get3A_1 : vector<256x64xf32>
    %mul3A_513 = arith.mulf %slice3A_511, %get3A_4 : vector<256x64xf32>
    %sub3A_514 = arith.subf %mul3A_512, %mul3A_513 : vector<256x64xf32>
    %mul3A_515 = arith.mulf %slice3A_511, %get3A_1 : vector<256x64xf32>
    %mul3A_516 = arith.mulf %slice3A_510, %get3A_4 : vector<256x64xf32>
    %add3A_517 = arith.addf %mul3A_515, %mul3A_516 : vector<256x64xf32>
    %concatenate3A_518 = tpu.concatenate %sub3A_514, %add3A_517 in 1 : vector<256x64xf32>, vector<256x64xf32> -> vector<256x128xf32>
    %swap3A_519 = arith.constant 0 : index
    %swap3A_520 = arith.constant 1920 : index
    %swap3A_521 = vector.load %arg5[%swap3A_519, %swap3A_520] : memref<256x2048xf32, #tpu.memory_space<vmem>>, vector<256x128xf32>
    tpu.vector_store %arg5[%swap3A_519, %swap3A_520], %concatenate3A_518 {strides = array<i32>} : memref<256x2048xf32, #tpu.memory_space<vmem>>, vector<256x128xf32>,
    %get3A_522 = arith.constant 0 : index
    %get3A_523 = arith.constant 2048 : index
    %get3A_524 = vector.load %arg1[%get3A_522, %get3A_523] : memref<256x3072xf32, #tpu.memory_space<vmem>>, vector<256x128xf32>
    %get3A_525 = arith.constant 0 : index
    %get3A_526 = arith.constant 0 : index
    %get3A_527 = vector.load %arg3[%get3A_525, %get3A_526] : memref<1x128xf32, #tpu.memory_space<vmem>>, vector<1x128xf32>
    %square3A_528 = arith.mulf %get3A_524, %get3A_524 : vector<256x128xf32>
    %reduce_sum3A_529 = arith.constant dense<0.000000e+00> : vector<256xf32>
    %reduce_sum3A_530 = vector.multi_reduction <add>, %square3A_528, %reduce_sum3A_529 [1] : vector<256x128xf32> to vector<256xf32>
    %broadcast_in_dim3A_531 = vector.shape_cast %reduce_sum3A_530 : vector<256xf32> to vector<256x1xf32>
    %div3A_532 = arith.constant 1.280000e+02 : f32
    %div3A_533 = vector.broadcast %div3A_532 : f32 to vector<256x1xf32>
    %div3A_534 = arith.divf %broadcast_in_dim3A_531, %div3A_533 : vector<256x1xf32>
    %add3A_535 = arith.constant 9.99999997E-7 : f32
    %add3A_536 = vector.broadcast %add3A_535 : f32 to vector<256x1xf32>
    %add3A_537 = arith.addf %div3A_534, %add3A_536 : vector<256x1xf32>
    %rsqrt3A_538 = math.rsqrt %add3A_537 : vector<256x1xf32>
    %mul3A_539 = vector.broadcast %rsqrt3A_538 : vector<256x1xf32> to vector<256x128xf32>
    %mul3A_540 = arith.mulf %get3A_524, %mul3A_539 : vector<256x128xf32>
    %mul3A_541 = vector.broadcast %get3A_527 : vector<1x128xf32> to vector<256x128xf32>
    %mul3A_542 = arith.mulf %mul3A_540, %mul3A_541 : vector<256x128xf32>
    %slice3A_543 = vector.extract_strided_slice %mul3A_542 {offsets = [0, 0], sizes = [256, 64], strides = [1, 1]} : vector<256x128xf32> to vector<256x64xf32>
    %slice3A_544 = vector.extract_strided_slice %mul3A_542 {offsets = [0, 64], sizes = [256, 64], strides = [1, 1]} : vector<256x128xf32> to vector<256x64xf32>
    %mul3A_545 = arith.mulf %slice3A_543, %get3A_1 : vector<256x64xf32>
    %mul3A_546 = arith.mulf %slice3A_544, %get3A_4 : vector<256x64xf32>
    %sub3A_547 = arith.subf %mul3A_545, %mul3A_546 : vector<256x64xf32>
    %mul3A_548 = arith.mulf %slice3A_544, %get3A_1 : vector<256x64xf32>
    %mul3A_549 = arith.mulf %slice3A_543, %get3A_4 : vector<256x64xf32>
    %add3A_550 = arith.addf %mul3A_548, %mul3A_549 : vector<256x64xf32>
    %concatenate3A_551 = tpu.concatenate %sub3A_547, %add3A_550 in 1 : vector<256x64xf32>, vector<256x64xf32> -> vector<256x128xf32>
    %swap3A_552 = arith.constant 0 : index
    %swap3A_553 = arith.constant 0 : index
    %swap3A_554 = vector.load %arg6[%swap3A_552, %swap3A_553] : memref<256x512xf32, #tpu.memory_space<vmem>>, vector<256x128xf32>
    tpu.vector_store %arg6[%swap3A_552, %swap3A_553], %concatenate3A_551 {strides = array<i32>} : memref<256x512xf32, #tpu.memory_space<vmem>>, vector<256x128xf32>,
    %get3A_555 = arith.constant 0 : index
    %get3A_556 = arith.constant 2176 : index
    %get3A_557 = vector.load %arg1[%get3A_555, %get3A_556] : memref<256x3072xf32, #tpu.memory_space<vmem>>, vector<256x128xf32>
    %get3A_558 = arith.constant 0 : index
    %get3A_559 = arith.constant 0 : index
    %get3A_560 = vector.load %arg3[%get3A_558, %get3A_559] : memref<1x128xf32, #tpu.memory_space<vmem>>, vector<1x128xf32>
    %square3A_561 = arith.mulf %get3A_557, %get3A_557 : vector<256x128xf32>
    %reduce_sum3A_562 = arith.constant dense<0.000000e+00> : vector<256xf32>
    %reduce_sum3A_563 = vector.multi_reduction <add>, %square3A_561, %reduce_sum3A_562 [1] : vector<256x128xf32> to vector<256xf32>
    %broadcast_in_dim3A_564 = vector.shape_cast %reduce_sum3A_563 : vector<256xf32> to vector<256x1xf32>
    %div3A_565 = arith.constant 1.280000e+02 : f32
    %div3A_566 = vector.broadcast %div3A_565 : f32 to vector<256x1xf32>
    %div3A_567 = arith.divf %broadcast_in_dim3A_564, %div3A_566 : vector<256x1xf32>
    %add3A_568 = arith.constant 9.99999997E-7 : f32
    %add3A_569 = vector.broadcast %add3A_568 : f32 to vector<256x1xf32>
    %add3A_570 = arith.addf %div3A_567, %add3A_569 : vector<256x1xf32>
    %rsqrt3A_571 = math.rsqrt %add3A_570 : vector<256x1xf32>
    %mul3A_572 = vector.broadcast %rsqrt3A_571 : vector<256x1xf32> to vector<256x128xf32>
    %mul3A_573 = arith.mulf %get3A_557, %mul3A_572 : vector<256x128xf32>
    %mul3A_574 = vector.broadcast %get3A_560 : vector<1x128xf32> to vector<256x128xf32>
    %mul3A_575 = arith.mulf %mul3A_573, %mul3A_574 : vector<256x128xf32>
    %slice3A_576 = vector.extract_strided_slice %mul3A_575 {offsets = [0, 0], sizes = [256, 64], strides = [1, 1]} : vector<256x128xf32> to vector<256x64xf32>
    %slice3A_577 = vector.extract_strided_slice %mul3A_575 {offsets = [0, 64], sizes = [256, 64], strides = [1, 1]} : vector<256x128xf32> to vector<256x64xf32>
    %mul3A_578 = arith.mulf %slice3A_576, %get3A_1 : vector<256x64xf32>
    %mul3A_579 = arith.mulf %slice3A_577, %get3A_4 : vector<256x64xf32>
    %sub3A_580 = arith.subf %mul3A_578, %mul3A_579 : vector<256x64xf32>
    %mul3A_581 = arith.mulf %slice3A_577, %get3A_1 : vector<256x64xf32>
    %mul3A_582 = arith.mulf %slice3A_576, %get3A_4 : vector<256x64xf32>
    %add3A_583 = arith.addf %mul3A_581, %mul3A_582 : vector<256x64xf32>
    %concatenate3A_584 = tpu.concatenate %sub3A_580, %add3A_583 in 1 : vector<256x64xf32>, vector<256x64xf32> -> vector<256x128xf32>
    %swap3A_585 = arith.constant 0 : index
    %swap3A_586 = arith.constant 128 : index
    %swap3A_587 = vector.load %arg6[%swap3A_585, %swap3A_586] : memref<256x512xf32, #tpu.memory_space<vmem>>, vector<256x128xf32>
    tpu.vector_store %arg6[%swap3A_585, %swap3A_586], %concatenate3A_584 {strides = array<i32>} : memref<256x512xf32, #tpu.memory_space<vmem>>, vector<256x128xf32>,
    %get3A_588 = arith.constant 0 : index
    %get3A_589 = arith.constant 2304 : index
    %get3A_590 = vector.load %arg1[%get3A_588, %get3A_589] : memref<256x3072xf32, #tpu.memory_space<vmem>>, vector<256x128xf32>
    %get3A_591 = arith.constant 0 : index
    %get3A_592 = arith.constant 0 : index
    %get3A_593 = vector.load %arg3[%get3A_591, %get3A_592] : memref<1x128xf32, #tpu.memory_space<vmem>>, vector<1x128xf32>
    %square3A_594 = arith.mulf %get3A_590, %get3A_590 : vector<256x128xf32>
    %reduce_sum3A_595 = arith.constant dense<0.000000e+00> : vector<256xf32>
    %reduce_sum3A_596 = vector.multi_reduction <add>, %square3A_594, %reduce_sum3A_595 [1] : vector<256x128xf32> to vector<256xf32>
    %broadcast_in_dim3A_597 = vector.shape_cast %reduce_sum3A_596 : vector<256xf32> to vector<256x1xf32>
    %div3A_598 = arith.constant 1.280000e+02 : f32
    %div3A_599 = vector.broadcast %div3A_598 : f32 to vector<256x1xf32>
    %div3A_600 = arith.divf %broadcast_in_dim3A_597, %div3A_599 : vector<256x1xf32>
    %add3A_601 = arith.constant 9.99999997E-7 : f32
    %add3A_602 = vector.broadcast %add3A_601 : f32 to vector<256x1xf32>
    %add3A_603 = arith.addf %div3A_600, %add3A_602 : vector<256x1xf32>
    %rsqrt3A_604 = math.rsqrt %add3A_603 : vector<256x1xf32>
    %mul3A_605 = vector.broadcast %rsqrt3A_604 : vector<256x1xf32> to vector<256x128xf32>
    %mul3A_606 = arith.mulf %get3A_590, %mul3A_605 : vector<256x128xf32>
    %mul3A_607 = vector.broadcast %get3A_593 : vector<1x128xf32> to vector<256x128xf32>
    %mul3A_608 = arith.mulf %mul3A_606, %mul3A_607 : vector<256x128xf32>
    %slice3A_609 = vector.extract_strided_slice %mul3A_608 {offsets = [0, 0], sizes = [256, 64], strides = [1, 1]} : vector<256x128xf32> to vector<256x64xf32>
    %slice3A_610 = vector.extract_strided_slice %mul3A_608 {offsets = [0, 64], sizes = [256, 64], strides = [1, 1]} : vector<256x128xf32> to vector<256x64xf32>
    %mul3A_611 = arith.mulf %slice3A_609, %get3A_1 : vector<256x64xf32>
    %mul3A_612 = arith.mulf %slice3A_610, %get3A_4 : vector<256x64xf32>
    %sub3A_613 = arith.subf %mul3A_611, %mul3A_612 : vector<256x64xf32>
    %mul3A_614 = arith.mulf %slice3A_610, %get3A_1 : vector<256x64xf32>
    %mul3A_615 = arith.mulf %slice3A_609, %get3A_4 : vector<256x64xf32>
    %add3A_616 = arith.addf %mul3A_614, %mul3A_615 : vector<256x64xf32>
    %concatenate3A_617 = tpu.concatenate %sub3A_613, %add3A_616 in 1 : vector<256x64xf32>, vector<256x64xf32> -> vector<256x128xf32>
    %swap3A_618 = arith.constant 0 : index
    %swap3A_619 = arith.constant 256 : index
    %swap3A_620 = vector.load %arg6[%swap3A_618, %swap3A_619] : memref<256x512xf32, #tpu.memory_space<vmem>>, vector<256x128xf32>
    tpu.vector_store %arg6[%swap3A_618, %swap3A_619], %concatenate3A_617 {strides = array<i32>} : memref<256x512xf32, #tpu.memory_space<vmem>>, vector<256x128xf32>,
    %get3A_621 = arith.constant 0 : index
    %get3A_622 = arith.constant 2432 : index
    %get3A_623 = vector.load %arg1[%get3A_621, %get3A_622] : memref<256x3072xf32, #tpu.memory_space<vmem>>, vector<256x128xf32>
    %get3A_624 = arith.constant 0 : index
    %get3A_625 = arith.constant 0 : index
    %get3A_626 = vector.load %arg3[%get3A_624, %get3A_625] : memref<1x128xf32, #tpu.memory_space<vmem>>, vector<1x128xf32>
    %square3A_627 = arith.mulf %get3A_623, %get3A_623 : vector<256x128xf32>
    %reduce_sum3A_628 = arith.constant dense<0.000000e+00> : vector<256xf32>
    %reduce_sum3A_629 = vector.multi_reduction <add>, %square3A_627, %reduce_sum3A_628 [1] : vector<256x128xf32> to vector<256xf32>
    %broadcast_in_dim3A_630 = vector.shape_cast %reduce_sum3A_629 : vector<256xf32> to vector<256x1xf32>
    %div3A_631 = arith.constant 1.280000e+02 : f32
    %div3A_632 = vector.broadcast %div3A_631 : f32 to vector<256x1xf32>
    %div3A_633 = arith.divf %broadcast_in_dim3A_630, %div3A_632 : vector<256x1xf32>
    %add3A_634 = arith.constant 9.99999997E-7 : f32
    %add3A_635 = vector.broadcast %add3A_634 : f32 to vector<256x1xf32>
    %add3A_636 = arith.addf %div3A_633, %add3A_635 : vector<256x1xf32>
    %rsqrt3A_637 = math.rsqrt %add3A_636 : vector<256x1xf32>
    %mul3A_638 = vector.broadcast %rsqrt3A_637 : vector<256x1xf32> to vector<256x128xf32>
    %mul3A_639 = arith.mulf %get3A_623, %mul3A_638 : vector<256x128xf32>
    %mul3A_640 = vector.broadcast %get3A_626 : vector<1x128xf32> to vector<256x128xf32>
    %mul3A_641 = arith.mulf %mul3A_639, %mul3A_640 : vector<256x128xf32>
    %slice3A_642 = vector.extract_strided_slice %mul3A_641 {offsets = [0, 0], sizes = [256, 64], strides = [1, 1]} : vector<256x128xf32> to vector<256x64xf32>
    %slice3A_643 = vector.extract_strided_slice %mul3A_641 {offsets = [0, 64], sizes = [256, 64], strides = [1, 1]} : vector<256x128xf32> to vector<256x64xf32>
    %mul3A_644 = arith.mulf %slice3A_642, %get3A_1 : vector<256x64xf32>
    %mul3A_645 = arith.mulf %slice3A_643, %get3A_4 : vector<256x64xf32>
    %sub3A_646 = arith.subf %mul3A_644, %mul3A_645 : vector<256x64xf32>
    %mul3A_647 = arith.mulf %slice3A_643, %get3A_1 : vector<256x64xf32>
    %mul3A_648 = arith.mulf %slice3A_642, %get3A_4 : vector<256x64xf32>
    %add3A_649 = arith.addf %mul3A_647, %mul3A_648 : vector<256x64xf32>
    %concatenate3A_650 = tpu.concatenate %sub3A_646, %add3A_649 in 1 : vector<256x64xf32>, vector<256x64xf32> -> vector<256x128xf32>
    %swap3A_651 = arith.constant 0 : index
    %swap3A_652 = arith.constant 384 : index
    %swap3A_653 = vector.load %arg6[%swap3A_651, %swap3A_652] : memref<256x512xf32, #tpu.memory_space<vmem>>, vector<256x128xf32>
    tpu.vector_store %arg6[%swap3A_651, %swap3A_652], %concatenate3A_650 {strides = array<i32>} : memref<256x512xf32, #tpu.memory_space<vmem>>, vector<256x128xf32>,
    %get3A_654 = arith.constant 0 : index
    %get3A_655 = arith.constant 2560 : index
    %get3A_656 = vector.load %arg1[%get3A_654, %get3A_655] : memref<256x3072xf32, #tpu.memory_space<vmem>>, vector<256x128xf32>
    %swap3A_657 = arith.constant 0 : index
    %swap3A_658 = arith.constant 0 : index
    %swap3A_659 = vector.load %arg7[%swap3A_657, %swap3A_658] : memref<256x512xf32, #tpu.memory_space<vmem>>, vector<256x128xf32>
    tpu.vector_store %arg7[%swap3A_657, %swap3A_658], %get3A_656 {strides = array<i32>} : memref<256x512xf32, #tpu.memory_space<vmem>>, vector<256x128xf32>,
    %get3A_660 = arith.constant 0 : index
    %get3A_661 = arith.constant 2688 : index
    %get3A_662 = vector.load %arg1[%get3A_660, %get3A_661] : memref<256x3072xf32, #tpu.memory_space<vmem>>, vector<256x128xf32>
    %swap3A_663 = arith.constant 0 : index
    %swap3A_664 = arith.constant 128 : index
    %swap3A_665 = vector.load %arg7[%swap3A_663, %swap3A_664] : memref<256x512xf32, #tpu.memory_space<vmem>>, vector<256x128xf32>
    tpu.vector_store %arg7[%swap3A_663, %swap3A_664], %get3A_662 {strides = array<i32>} : memref<256x512xf32, #tpu.memory_space<vmem>>, vector<256x128xf32>,
    %get3A_666 = arith.constant 0 : index
    %get3A_667 = arith.constant 2816 : index
    %get3A_668 = vector.load %arg1[%get3A_666, %get3A_667] : memref<256x3072xf32, #tpu.memory_space<vmem>>, vector<256x128xf32>
    %swap3A_669 = arith.constant 0 : index
    %swap3A_670 = arith.constant 256 : index
    %swap3A_671 = vector.load %arg7[%swap3A_669, %swap3A_670] : memref<256x512xf32, #tpu.memory_space<vmem>>, vector<256x128xf32>
    tpu.vector_store %arg7[%swap3A_669, %swap3A_670], %get3A_668 {strides = array<i32>} : memref<256x512xf32, #tpu.memory_space<vmem>>, vector<256x128xf32>,
    %get3A_672 = arith.constant 0 : index
    %get3A_673 = arith.constant 2944 : index
    %get3A_674 = vector.load %arg1[%get3A_672, %get3A_673] : memref<256x3072xf32, #tpu.memory_space<vmem>>, vector<256x128xf32>
    %swap3A_675 = arith.constant 0 : index
    %swap3A_676 = arith.constant 384 : index
    %swap3A_677 = vector.load %arg7[%swap3A_675, %swap3A_676] : memref<256x512xf32, #tpu.memory_space<vmem>>, vector<256x128xf32>
    tpu.vector_store %arg7[%swap3A_675, %swap3A_676], %get3A_674 {strides = array<i32>} : memref<256x512xf32, #tpu.memory_space<vmem>>, vector<256x128xf32>,
    return
  }
  func.func @transform_0(%arg0: i32) -> (i32, i32) {
    %c0_i32 = arith.constant 0 : i32
    %c0_i32_0 = arith.constant 0 : i32
    return %arg0, %c0_i32 : i32, i32
  }
  func.func @transform_1(%arg0: i32) -> (i32, i32) {
    %c0_i32 = arith.constant 0 : i32
    %c0_i32_0 = arith.constant 0 : i32
    %c0_i32_1 = arith.constant 0 : i32
    return %c0_i32, %c0_i32_0 : i32, i32
  }
  func.func @transform_2(%arg0: i32) -> (i32, i32) {
    %c0_i32 = arith.constant 0 : i32
    %c0_i32_0 = arith.constant 0 : i32
    %c0_i32_1 = arith.constant 0 : i32
    return %c0_i32, %c0_i32_0 : i32, i32
  }
  func.func @transform_3(%arg0: i32) -> (i32, i32) {
    %c0_i32 = arith.constant 0 : i32
    %c0_i32_0 = arith.constant 0 : i32
    return %arg0, %c0_i32 : i32, i32
  }
  func.func @transform_4(%arg0: i32) -> (i32, i32) {
    %c0_i32 = arith.constant 0 : i32
    %c0_i32_0 = arith.constant 0 : i32
    return %arg0, %c0_i32 : i32, i32
  }
  func.func @transform_5(%arg0: i32) -> (i32, i32) {
    %c0_i32 = arith.constant 0 : i32
    %c0_i32_0 = arith.constant 0 : i32
    return %arg0, %c0_i32 : i32, i32
  }
  func.func @transform_6(%arg0: i32) -> (i32, i32) {
    %c0_i32 = arith.constant 0 : i32
    %c0_i32_0 = arith.constant 0 : i32
    return %arg0, %c0_i32 : i32, i32
  }
}

module attributes {stable_mosaic.version = 14 : i64} {
  func.func @_attn_body(%arg0: i32, %arg1: i32, %arg2: memref<256x128xf32, #tpu.memory_space<vmem>>, %arg3: memref<2048x128xf32, #tpu.memory_space<vmem>>, %arg4: memref<2048x128xf32, #tpu.memory_space<vmem>>, %arg5: memref<256x128xf32, #tpu.memory_space<vmem>>, %arg6: memref<256x2048xf32, #tpu.memory_space<vmem>>) attributes {dimension_semantics = [#tpu.dimension_semantics<arbitrary>, #tpu.dimension_semantics<arbitrary>], iteration_bounds = array<i64: 16, 8>, scalar_prefetch = 0 : i64, scratch_operands = 1 : i64, tpu.core_type = #tpu.core_type<tc>, window_params = [{transform_indices = @transform_0, window_bounds = array<i64: 256, 128>}, {transform_indices = @transform_1, window_bounds = array<i64: 2048, 128>}, {transform_indices = @transform_2, window_bounds = array<i64: 2048, 128>}, {transform_indices = @transform_3, window_bounds = array<i64: 256, 128>}]} {
    %get3A = arith.constant 0 : index
    %get3A_0 = arith.constant 0 : index
    %get3A_1 = vector.load %arg2[%get3A, %get3A_0] : memref<256x128xf32, #tpu.memory_space<vmem>>, vector<256x128xf32>
    %iota3A = tpu.iota {dimensions = array<i32: 0>} : vector<256x256xi32>
    %iota3A_2 = tpu.iota {dimensions = array<i32: 1>} : vector<256x256xi32>
    %le3A = arith.cmpi sle, %iota3A_2, %iota3A : vector<256x256xi32>
    %add3A = arith.constant 1 : i32
    %add3A_3 = arith.addi %arg1, %add3A : i32
    %broadcast_in_dim3A = arith.constant -1.000000e+30 : f32
    %broadcast_in_dim3A_4 = vector.broadcast %broadcast_in_dim3A : f32 to vector<256x1xf32>
    %while3A = arith.constant 0 : i32
    %while3A_5 = arith.subi %add3A_3, %while3A : i32
    %while3A_6 = arith.addi %while3A, %while3A_5 : i32
    %while3A_7 = arith.constant 1 : i32
    %while3A_8 = arith.divsi %while3A_5, %while3A_7 : i32
    %while3A_9 = arith.muli %while3A_8, %while3A_7 : i32
    %while3A_10 = arith.addi %while3A, %while3A_9 : i32
    %while3A_11 = arith.constant 1 : i32
    %while3A_12 = scf.for %while3A_35 = %while3A to %while3A_10 step %while3A_11 iter_args(%while3A_36 = %broadcast_in_dim3A_4) -> (vector<256x1xf32>)  : i32 {
      %mul3A = arith.constant 256 : i32
      %mul3A_37 = arith.muli %while3A_35, %mul3A : i32
      %get3A_38 = arith.index_cast %mul3A_37 : i32 to index
      %get3A_39 = arith.constant 0 : index
      %get3A_40 = vector.load %arg3[%get3A_38, %get3A_39] : memref<2048x128xf32, #tpu.memory_space<vmem>>, vector<256x128xf32>
      %convert_element_type3A = arith.truncf %get3A_1 : vector<256x128xf32> to vector<256x128xbf16>
      %convert_element_type3A_41 = arith.truncf %get3A_40 : vector<256x128xf32> to vector<256x128xbf16>
      %dot_general3A = arith.constant dense<0.000000e+00> : vector<256x256xf32>
      %dot_general3A_42 = tpu.matmul %convert_element_type3A, %convert_element_type3A_41, %dot_general3A {dimension_numbers = #tpu.dot_dimension_numbers<[1], [1], [0], [0], [0, 0, 1, 0], [], []>, transpose_lhs_hint = false} : vector<256x128xbf16>, vector<256x128xbf16>, vector<256x256xf32> -> vector<256x256xf32>
      %mul3A_43 = arith.constant 0.0883883461 : f32
      %mul3A_44 = vector.broadcast %mul3A_43 : f32 to vector<256x256xf32>
      %mul3A_45 = arith.mulf %dot_general3A_42, %mul3A_44 : vector<256x256xf32>
      %eq3A = arith.cmpi eq, %while3A_35, %arg1 : i32
      %not3A = arith.constant dense<true> : vector<256x256xi1>
      %not3A_46 = arith.xori %le3A, %not3A : vector<256x256xi1>
      %and3A = vector.broadcast %eq3A : i1 to vector<256x256xi1>
      %and3A_47 = arith.andi %and3A, %not3A_46 : vector<256x256xi1>
      %jit3A = arith.constant -1.000000e+30 : f32
      %broadcast_in_dim3A_48 = vector.broadcast %jit3A : f32 to vector<256x256xf32>
      %select_n3A = arith.select %and3A_47, %broadcast_in_dim3A_48, %mul3A_45 : vector<256x256xi1>, vector<256x256xf32>
      %mul3A_49 = arith.constant 256 : i32
      %mul3A_50 = arith.muli %while3A_35, %mul3A_49 : i32
      %swap3A_51 = arith.constant 0 : index
      %swap3A_52 = arith.index_cast %mul3A_50 : i32 to index
      %swap3A_53 = vector.load %arg6[%swap3A_51, %swap3A_52] : memref<256x2048xf32, #tpu.memory_space<vmem>>, vector<256x256xf32>
      tpu.vector_store %arg6[%swap3A_51, %swap3A_52], %select_n3A {strides = array<i32>} : memref<256x2048xf32, #tpu.memory_space<vmem>>, vector<256x256xf32>,
      %reduce_max3A = arith.constant dense<0xFF800000> : vector<256xf32>
      %reduce_max3A_54 = vector.multi_reduction <maximumf>, %select_n3A, %reduce_max3A [1] : vector<256x256xf32> to vector<256xf32>
      %broadcast_in_dim3A_55 = vector.shape_cast %reduce_max3A_54 : vector<256xf32> to vector<256x1xf32>
      %max3A = arith.maximumf %while3A_36, %broadcast_in_dim3A_55 : vector<256x1xf32>
      scf.yield %max3A : vector<256x1xf32>
    }
    %while3A_13 = arith.constant 1 : i32
    %while3A_14 = scf.for %while3A_35 = %while3A_10 to %while3A_6 step %while3A_13 iter_args(%while3A_36 = %while3A_12) -> (vector<256x1xf32>)  : i32 {
      %mul3A = arith.constant 256 : i32
      %mul3A_37 = arith.muli %while3A_35, %mul3A : i32
      %get3A_38 = arith.index_cast %mul3A_37 : i32 to index
      %get3A_39 = arith.constant 0 : index
      %get3A_40 = vector.load %arg3[%get3A_38, %get3A_39] : memref<2048x128xf32, #tpu.memory_space<vmem>>, vector<256x128xf32>
      %convert_element_type3A = arith.truncf %get3A_1 : vector<256x128xf32> to vector<256x128xbf16>
      %convert_element_type3A_41 = arith.truncf %get3A_40 : vector<256x128xf32> to vector<256x128xbf16>
      %dot_general3A = arith.constant dense<0.000000e+00> : vector<256x256xf32>
      %dot_general3A_42 = tpu.matmul %convert_element_type3A, %convert_element_type3A_41, %dot_general3A {dimension_numbers = #tpu.dot_dimension_numbers<[1], [1], [0], [0], [0, 0, 1, 0], [], []>, transpose_lhs_hint = false} : vector<256x128xbf16>, vector<256x128xbf16>, vector<256x256xf32> -> vector<256x256xf32>
      %mul3A_43 = arith.constant 0.0883883461 : f32
      %mul3A_44 = vector.broadcast %mul3A_43 : f32 to vector<256x256xf32>
      %mul3A_45 = arith.mulf %dot_general3A_42, %mul3A_44 : vector<256x256xf32>
      %eq3A = arith.cmpi eq, %while3A_35, %arg1 : i32
      %not3A = arith.constant dense<true> : vector<256x256xi1>
      %not3A_46 = arith.xori %le3A, %not3A : vector<256x256xi1>
      %and3A = vector.broadcast %eq3A : i1 to vector<256x256xi1>
      %and3A_47 = arith.andi %and3A, %not3A_46 : vector<256x256xi1>
      %jit3A = arith.constant -1.000000e+30 : f32
      %broadcast_in_dim3A_48 = vector.broadcast %jit3A : f32 to vector<256x256xf32>
      %select_n3A = arith.select %and3A_47, %broadcast_in_dim3A_48, %mul3A_45 : vector<256x256xi1>, vector<256x256xf32>
      %mul3A_49 = arith.constant 256 : i32
      %mul3A_50 = arith.muli %while3A_35, %mul3A_49 : i32
      %swap3A_51 = arith.constant 0 : index
      %swap3A_52 = arith.index_cast %mul3A_50 : i32 to index
      %swap3A_53 = vector.load %arg6[%swap3A_51, %swap3A_52] : memref<256x2048xf32, #tpu.memory_space<vmem>>, vector<256x256xf32>
      tpu.vector_store %arg6[%swap3A_51, %swap3A_52], %select_n3A {strides = array<i32>} : memref<256x2048xf32, #tpu.memory_space<vmem>>, vector<256x256xf32>,
      %reduce_max3A = arith.constant dense<0xFF800000> : vector<256xf32>
      %reduce_max3A_54 = vector.multi_reduction <maximumf>, %select_n3A, %reduce_max3A [1] : vector<256x256xf32> to vector<256xf32>
      %broadcast_in_dim3A_55 = vector.shape_cast %reduce_max3A_54 : vector<256xf32> to vector<256x1xf32>
      %max3A = arith.maximumf %while3A_36, %broadcast_in_dim3A_55 : vector<256x1xf32>
      scf.yield %max3A : vector<256x1xf32>
    }
    %add3A_15 = arith.constant 1 : i32
    %add3A_16 = arith.addi %arg1, %add3A_15 : i32
    %broadcast_in_dim3A_17 = arith.constant 0.000000e+00 : f32
    %broadcast_in_dim3A_18 = vector.broadcast %broadcast_in_dim3A_17 : f32 to vector<256x1xf32>
    %broadcast_in_dim3A_19 = arith.constant 0.000000e+00 : f32
    %broadcast_in_dim3A_20 = vector.broadcast %broadcast_in_dim3A_19 : f32 to vector<256x128xf32>
    %while3A_21 = arith.constant 0 : i32
    %while3A_22 = arith.subi %add3A_16, %while3A_21 : i32
    %while3A_23 = arith.addi %while3A_21, %while3A_22 : i32
    %while3A_24 = arith.constant 1 : i32
    %while3A_25 = arith.divsi %while3A_22, %while3A_24 : i32
    %while3A_26 = arith.muli %while3A_25, %while3A_24 : i32
    %while3A_27 = arith.addi %while3A_21, %while3A_26 : i32
    %while3A_28 = arith.constant 1 : i32
    %while3A_29:2 = scf.for %while3A_35 = %while3A_21 to %while3A_27 step %while3A_28 iter_args(%while3A_36 = %broadcast_in_dim3A_18, %while3A_37 = %broadcast_in_dim3A_20) -> (vector<256x1xf32>, vector<256x128xf32>)  : i32 {
      %mul3A = arith.constant 256 : i32
      %mul3A_38 = arith.muli %while3A_35, %mul3A : i32
      %get3A_39 = arith.constant 0 : index
      %get3A_40 = arith.index_cast %mul3A_38 : i32 to index
      %get3A_41 = vector.load %arg6[%get3A_39, %get3A_40] : memref<256x2048xf32, #tpu.memory_space<vmem>>, vector<256x256xf32>
      %sub3A = vector.broadcast %while3A_14 : vector<256x1xf32> to vector<256x256xf32>
      %sub3A_42 = arith.subf %get3A_41, %sub3A : vector<256x256xf32>
      %exp3A = math.exp %sub3A_42 : vector<256x256xf32>
      %mul3A_43 = arith.constant 256 : i32
      %mul3A_44 = arith.muli %while3A_35, %mul3A_43 : i32
      %get3A_45 = arith.index_cast %mul3A_44 : i32 to index
      %get3A_46 = arith.constant 0 : index
      %get3A_47 = vector.load %arg4[%get3A_45, %get3A_46] : memref<2048x128xf32, #tpu.memory_space<vmem>>, vector<256x128xf32>
      %convert_element_type3A = arith.truncf %exp3A : vector<256x256xf32> to vector<256x256xbf16>
      %convert_element_type3A_48 = arith.truncf %get3A_47 : vector<256x128xf32> to vector<256x128xbf16>
      %dot_general3A = arith.constant dense<0.000000e+00> : vector<256x128xf32>
      %dot_general3A_49 = tpu.matmul %convert_element_type3A, %convert_element_type3A_48, %dot_general3A {dimension_numbers = #tpu.dot_dimension_numbers<[1], [0], [0], [1], [0, 0, 1, 1], [], []>, transpose_lhs_hint = false} : vector<256x256xbf16>, vector<256x128xbf16>, vector<256x128xf32> -> vector<256x128xf32>
      %reduce_sum3A = arith.constant dense<0.000000e+00> : vector<256xf32>
      %reduce_sum3A_50 = vector.multi_reduction <add>, %exp3A, %reduce_sum3A [1] : vector<256x256xf32> to vector<256xf32>
      %broadcast_in_dim3A_51 = vector.shape_cast %reduce_sum3A_50 : vector<256xf32> to vector<256x1xf32>
      %add3A_52 = arith.addf %while3A_36, %broadcast_in_dim3A_51 : vector<256x1xf32>
      %add3A_53 = arith.addf %while3A_37, %dot_general3A_49 : vector<256x128xf32>
      scf.yield %add3A_52, %add3A_53 : vector<256x1xf32>, vector<256x128xf32>
    }
    %while3A_30 = arith.constant 1 : i32
    %while3A_31:2 = scf.for %while3A_35 = %while3A_27 to %while3A_23 step %while3A_30 iter_args(%while3A_36 = %while3A_29#0, %while3A_37 = %while3A_29#1) -> (vector<256x1xf32>, vector<256x128xf32>)  : i32 {
      %mul3A = arith.constant 256 : i32
      %mul3A_38 = arith.muli %while3A_35, %mul3A : i32
      %get3A_39 = arith.constant 0 : index
      %get3A_40 = arith.index_cast %mul3A_38 : i32 to index
      %get3A_41 = vector.load %arg6[%get3A_39, %get3A_40] : memref<256x2048xf32, #tpu.memory_space<vmem>>, vector<256x256xf32>
      %sub3A = vector.broadcast %while3A_14 : vector<256x1xf32> to vector<256x256xf32>
      %sub3A_42 = arith.subf %get3A_41, %sub3A : vector<256x256xf32>
      %exp3A = math.exp %sub3A_42 : vector<256x256xf32>
      %mul3A_43 = arith.constant 256 : i32
      %mul3A_44 = arith.muli %while3A_35, %mul3A_43 : i32
      %get3A_45 = arith.index_cast %mul3A_44 : i32 to index
      %get3A_46 = arith.constant 0 : index
      %get3A_47 = vector.load %arg4[%get3A_45, %get3A_46] : memref<2048x128xf32, #tpu.memory_space<vmem>>, vector<256x128xf32>
      %convert_element_type3A = arith.truncf %exp3A : vector<256x256xf32> to vector<256x256xbf16>
      %convert_element_type3A_48 = arith.truncf %get3A_47 : vector<256x128xf32> to vector<256x128xbf16>
      %dot_general3A = arith.constant dense<0.000000e+00> : vector<256x128xf32>
      %dot_general3A_49 = tpu.matmul %convert_element_type3A, %convert_element_type3A_48, %dot_general3A {dimension_numbers = #tpu.dot_dimension_numbers<[1], [0], [0], [1], [0, 0, 1, 1], [], []>, transpose_lhs_hint = false} : vector<256x256xbf16>, vector<256x128xbf16>, vector<256x128xf32> -> vector<256x128xf32>
      %reduce_sum3A = arith.constant dense<0.000000e+00> : vector<256xf32>
      %reduce_sum3A_50 = vector.multi_reduction <add>, %exp3A, %reduce_sum3A [1] : vector<256x256xf32> to vector<256xf32>
      %broadcast_in_dim3A_51 = vector.shape_cast %reduce_sum3A_50 : vector<256xf32> to vector<256x1xf32>
      %add3A_52 = arith.addf %while3A_36, %broadcast_in_dim3A_51 : vector<256x1xf32>
      %add3A_53 = arith.addf %while3A_37, %dot_general3A_49 : vector<256x128xf32>
      scf.yield %add3A_52, %add3A_53 : vector<256x1xf32>, vector<256x128xf32>
    }
    %div3A = vector.broadcast %while3A_31#0 : vector<256x1xf32> to vector<256x128xf32>
    %div3A_32 = arith.divf %while3A_31#1, %div3A : vector<256x128xf32>
    %swap3A = arith.constant 0 : index
    %swap3A_33 = arith.constant 0 : index
    %swap3A_34 = vector.load %arg5[%swap3A, %swap3A_33] : memref<256x128xf32, #tpu.memory_space<vmem>>, vector<256x128xf32>
    tpu.vector_store %arg5[%swap3A, %swap3A_33], %div3A_32 {strides = array<i32>} : memref<256x128xf32, #tpu.memory_space<vmem>>, vector<256x128xf32>,
    return
  }
  func.func @transform_0(%arg0: i32, %arg1: i32) -> (i32, i32) {
    %c0_i32 = arith.constant 0 : i32
    return %arg1, %arg0 : i32, i32
  }
  func.func @transform_1(%arg0: i32, %arg1: i32) -> (i32, i32) {
    %jit3A = arith.constant 4 : i32
    %div3A = arith.divsi %arg0, %jit3A : i32
    %sign3A = arith.constant 0 : i32
    %sign3A_0 = arith.cmpi sgt, %arg0, %sign3A : i32
    %sign3A_1 = arith.extui %sign3A_0 : i1 to i32
    %sign3A_2 = arith.constant 0 : i32
    %sign3A_3 = arith.cmpi slt, %arg0, %sign3A_2 : i32
    %sign3A_4 = arith.extui %sign3A_3 : i1 to i32
    %sign3A_5 = arith.subi %sign3A_1, %sign3A_4 : i32
    %sign3A_6 = arith.constant 0 : i32
    %sign3A_7 = arith.cmpi sgt, %jit3A, %sign3A_6 : i32
    %sign3A_8 = arith.extui %sign3A_7 : i1 to i32
    %sign3A_9 = arith.constant 0 : i32
    %sign3A_10 = arith.cmpi slt, %jit3A, %sign3A_9 : i32
    %sign3A_11 = arith.extui %sign3A_10 : i1 to i32
    %sign3A_12 = arith.subi %sign3A_8, %sign3A_11 : i32
    %ne3A = arith.cmpi ne, %sign3A_5, %sign3A_12 : i32
    %rem3A = arith.remsi %arg0, %jit3A : i32
    %ne3A_13 = arith.constant 0 : i32
    %ne3A_14 = arith.cmpi ne, %rem3A, %ne3A_13 : i32
    %and3A = arith.andi %ne3A, %ne3A_14 : i1
    %sub3A = arith.constant 1 : i32
    %sub3A_15 = arith.subi %div3A, %sub3A : i32
    %select_n3A = arith.select %and3A, %sub3A_15, %div3A : i32
    %c0_i32 = arith.constant 0 : i32
    %c0_i32_16 = arith.constant 0 : i32
    return %c0_i32, %select_n3A : i32, i32
  }
  func.func @transform_2(%arg0: i32, %arg1: i32) -> (i32, i32) {
    %jit3A = arith.constant 4 : i32
    %div3A = arith.divsi %arg0, %jit3A : i32
    %sign3A = arith.constant 0 : i32
    %sign3A_0 = arith.cmpi sgt, %arg0, %sign3A : i32
    %sign3A_1 = arith.extui %sign3A_0 : i1 to i32
    %sign3A_2 = arith.constant 0 : i32
    %sign3A_3 = arith.cmpi slt, %arg0, %sign3A_2 : i32
    %sign3A_4 = arith.extui %sign3A_3 : i1 to i32
    %sign3A_5 = arith.subi %sign3A_1, %sign3A_4 : i32
    %sign3A_6 = arith.constant 0 : i32
    %sign3A_7 = arith.cmpi sgt, %jit3A, %sign3A_6 : i32
    %sign3A_8 = arith.extui %sign3A_7 : i1 to i32
    %sign3A_9 = arith.constant 0 : i32
    %sign3A_10 = arith.cmpi slt, %jit3A, %sign3A_9 : i32
    %sign3A_11 = arith.extui %sign3A_10 : i1 to i32
    %sign3A_12 = arith.subi %sign3A_8, %sign3A_11 : i32
    %ne3A = arith.cmpi ne, %sign3A_5, %sign3A_12 : i32
    %rem3A = arith.remsi %arg0, %jit3A : i32
    %ne3A_13 = arith.constant 0 : i32
    %ne3A_14 = arith.cmpi ne, %rem3A, %ne3A_13 : i32
    %and3A = arith.andi %ne3A, %ne3A_14 : i1
    %sub3A = arith.constant 1 : i32
    %sub3A_15 = arith.subi %div3A, %sub3A : i32
    %select_n3A = arith.select %and3A, %sub3A_15, %div3A : i32
    %c0_i32 = arith.constant 0 : i32
    %c0_i32_16 = arith.constant 0 : i32
    return %c0_i32, %select_n3A : i32, i32
  }
  func.func @transform_3(%arg0: i32, %arg1: i32) -> (i32, i32) {
    %c0_i32 = arith.constant 0 : i32
    return %arg1, %arg0 : i32, i32
  }
}

module attributes {stable_mosaic.version = 14 : i64} {
  func.func @_oproj_body(%arg0: i32, %arg1: i32, %arg2: memref<256x2048xf32, #tpu.memory_space<vmem>>, %arg3: memref<1024x2048xf32, #tpu.memory_space<vmem>>, %arg4: memref<256x1024xf32, #tpu.memory_space<vmem>>, %arg5: memref<256x1024xf32, #tpu.memory_space<vmem>>) attributes {dimension_semantics = [#tpu.dimension_semantics<arbitrary>, #tpu.dimension_semantics<arbitrary>], iteration_bounds = array<i64: 2, 8>, scalar_prefetch = 0 : i64, scratch_operands = 0 : i64, tpu.core_type = #tpu.core_type<tc>, window_params = [{transform_indices = @transform_0, window_bounds = array<i64: 256, 2048>}, {transform_indices = @transform_1, window_bounds = array<i64: 1024, 2048>}, {transform_indices = @transform_2, window_bounds = array<i64: 256, 1024>}, {transform_indices = @transform_3, window_bounds = array<i64: 256, 1024>}]} {
    %get3A = arith.constant 0 : index
    %get3A_0 = arith.constant 0 : index
    %get3A_1 = vector.load %arg2[%get3A, %get3A_0] : memref<256x2048xf32, #tpu.memory_space<vmem>>, vector<256x2048xf32>
    %get3A_2 = arith.constant 0 : index
    %get3A_3 = arith.constant 0 : index
    %get3A_4 = vector.load %arg3[%get3A_2, %get3A_3] : memref<1024x2048xf32, #tpu.memory_space<vmem>>, vector<1024x2048xf32>
    %convert_element_type3A = arith.truncf %get3A_1 : vector<256x2048xf32> to vector<256x2048xbf16>
    %convert_element_type3A_5 = arith.truncf %get3A_4 : vector<1024x2048xf32> to vector<1024x2048xbf16>
    %dot_general3A = arith.constant dense<0.000000e+00> : vector<256x1024xf32>
    %dot_general3A_6 = tpu.matmul %convert_element_type3A, %convert_element_type3A_5, %dot_general3A {dimension_numbers = #tpu.dot_dimension_numbers<[1], [1], [0], [0], [0, 0, 1, 0], [], []>, transpose_lhs_hint = false} : vector<256x2048xbf16>, vector<1024x2048xbf16>, vector<256x1024xf32> -> vector<256x1024xf32>
    %get3A_7 = arith.constant 0 : index
    %get3A_8 = arith.constant 0 : index
    %get3A_9 = vector.load %arg4[%get3A_7, %get3A_8] : memref<256x1024xf32, #tpu.memory_space<vmem>>, vector<256x1024xf32>
    %add3A = arith.addf %dot_general3A_6, %get3A_9 : vector<256x1024xf32>
    %swap3A = arith.constant 0 : index
    %swap3A_10 = arith.constant 0 : index
    %swap3A_11 = vector.load %arg5[%swap3A, %swap3A_10] : memref<256x1024xf32, #tpu.memory_space<vmem>>, vector<256x1024xf32>
    tpu.vector_store %arg5[%swap3A, %swap3A_10], %add3A {strides = array<i32>} : memref<256x1024xf32, #tpu.memory_space<vmem>>, vector<256x1024xf32>,
    return
  }
  func.func @transform_0(%arg0: i32, %arg1: i32) -> (i32, i32) {
    %c0_i32 = arith.constant 0 : i32
    %c0_i32_0 = arith.constant 0 : i32
    return %arg1, %c0_i32 : i32, i32
  }
  func.func @transform_1(%arg0: i32, %arg1: i32) -> (i32, i32) {
    %c0_i32 = arith.constant 0 : i32
    %c0_i32_0 = arith.constant 0 : i32
    return %arg0, %c0_i32 : i32, i32
  }
  func.func @transform_2(%arg0: i32, %arg1: i32) -> (i32, i32) {
    %c0_i32 = arith.constant 0 : i32
    return %arg1, %arg0 : i32, i32
  }
  func.func @transform_3(%arg0: i32, %arg1: i32) -> (i32, i32) {
    %c0_i32 = arith.constant 0 : i32
    return %arg1, %arg0 : i32, i32
  }
}

module attributes {stable_mosaic.version = 14 : i64} {
  func.func @_route_body(%arg0: i32, %arg1: memref<256x2048xf32, #tpu.memory_space<vmem>>, %arg2: memref<1x2048xf32, #tpu.memory_space<vmem>>, %arg3: memref<8x2048xf32, #tpu.memory_space<vmem>>, %arg4: memref<1x8xf32, #tpu.memory_space<vmem>>, %arg5: memref<256x2048xf32, #tpu.memory_space<vmem>>, %arg6: memref<256x4xf32, #tpu.memory_space<vmem>>) attributes {dimension_semantics = [#tpu.dimension_semantics<arbitrary>], iteration_bounds = array<i64: 8>, scalar_prefetch = 0 : i64, scratch_operands = 0 : i64, tpu.core_type = #tpu.core_type<tc>, window_params = [{transform_indices = @transform_0, window_bounds = array<i64: 256, 2048>}, {pipeline_mode = #tpu.pipeline_mode<synchronous>, transform_indices = @transform_1, window_bounds = array<i64: 1, 2048>}, {pipeline_mode = #tpu.pipeline_mode<synchronous>, transform_indices = @transform_2, window_bounds = array<i64: 8, 2048>}, {pipeline_mode = #tpu.pipeline_mode<synchronous>, transform_indices = @transform_3, window_bounds = array<i64: 1, 8>}, {transform_indices = @transform_4, window_bounds = array<i64: 256, 2048>}, {transform_indices = @transform_5, window_bounds = array<i64: 256, 4>}]} {
    %get3A = arith.constant 0 : index
    %get3A_0 = arith.constant 0 : index
    %get3A_1 = vector.load %arg1[%get3A, %get3A_0] : memref<256x2048xf32, #tpu.memory_space<vmem>>, vector<256x2048xf32>
    %get3A_2 = arith.constant 0 : index
    %get3A_3 = arith.constant 0 : index
    %get3A_4 = vector.load %arg2[%get3A_2, %get3A_3] : memref<1x2048xf32, #tpu.memory_space<vmem>>, vector<1x2048xf32>
    %square3A = arith.mulf %get3A_1, %get3A_1 : vector<256x2048xf32>
    %reduce_sum3A = arith.constant dense<0.000000e+00> : vector<256xf32>
    %reduce_sum3A_5 = vector.multi_reduction <add>, %square3A, %reduce_sum3A [1] : vector<256x2048xf32> to vector<256xf32>
    %broadcast_in_dim3A = vector.shape_cast %reduce_sum3A_5 : vector<256xf32> to vector<256x1xf32>
    %div3A = arith.constant 2.048000e+03 : f32
    %div3A_6 = vector.broadcast %div3A : f32 to vector<256x1xf32>
    %div3A_7 = arith.divf %broadcast_in_dim3A, %div3A_6 : vector<256x1xf32>
    %add3A = arith.constant 9.99999997E-7 : f32
    %add3A_8 = vector.broadcast %add3A : f32 to vector<256x1xf32>
    %add3A_9 = arith.addf %div3A_7, %add3A_8 : vector<256x1xf32>
    %rsqrt3A = math.rsqrt %add3A_9 : vector<256x1xf32>
    %mul3A = vector.broadcast %rsqrt3A : vector<256x1xf32> to vector<256x2048xf32>
    %mul3A_10 = arith.mulf %get3A_1, %mul3A : vector<256x2048xf32>
    %mul3A_11 = vector.broadcast %get3A_4 : vector<1x2048xf32> to vector<256x2048xf32>
    %mul3A_12 = arith.mulf %mul3A_10, %mul3A_11 : vector<256x2048xf32>
    %swap3A = arith.constant 0 : index
    %swap3A_13 = arith.constant 0 : index
    %swap3A_14 = vector.load %arg5[%swap3A, %swap3A_13] : memref<256x2048xf32, #tpu.memory_space<vmem>>, vector<256x2048xf32>
    tpu.vector_store %arg5[%swap3A, %swap3A_13], %mul3A_12 {strides = array<i32>} : memref<256x2048xf32, #tpu.memory_space<vmem>>, vector<256x2048xf32>,
    %convert_element_type3A = arith.truncf %mul3A_12 : vector<256x2048xf32> to vector<256x2048xbf16>
    %convert_element_type3A_15 = arith.extf %convert_element_type3A : vector<256x2048xbf16> to vector<256x2048xf32>
    %get3A_16 = arith.constant 0 : index
    %get3A_17 = arith.constant 0 : index
    %get3A_18 = vector.load %arg3[%get3A_16, %get3A_17] : memref<8x2048xf32, #tpu.memory_space<vmem>>, vector<1x2048xf32>
    %convert_element_type3A_19 = arith.truncf %get3A_18 : vector<1x2048xf32> to vector<1x2048xbf16>
    %convert_element_type3A_20 = arith.extf %convert_element_type3A_19 : vector<1x2048xbf16> to vector<1x2048xf32>
    %mul3A_21 = vector.broadcast %convert_element_type3A_20 : vector<1x2048xf32> to vector<256x2048xf32>
    %mul3A_22 = arith.mulf %convert_element_type3A_15, %mul3A_21 : vector<256x2048xf32>
    %reduce_sum3A_23 = arith.constant dense<0.000000e+00> : vector<256xf32>
    %reduce_sum3A_24 = vector.multi_reduction <add>, %mul3A_22, %reduce_sum3A_23 [1] : vector<256x2048xf32> to vector<256xf32>
    %broadcast_in_dim3A_25 = vector.shape_cast %reduce_sum3A_24 : vector<256xf32> to vector<256x1xf32>
    %logistic3A = arith.negf %broadcast_in_dim3A_25 : vector<256x1xf32>
    %logistic3A_26 = math.exp %logistic3A : vector<256x1xf32>
    %logistic3A_27 = arith.constant 1.000000e+00 : f32
    %logistic3A_28 = vector.broadcast %logistic3A_27 : f32 to vector<256x1xf32>
    %logistic3A_29 = arith.addf %logistic3A_28, %logistic3A_26 : vector<256x1xf32>
    %logistic3A_30 = arith.divf %logistic3A_28, %logistic3A_29 : vector<256x1xf32>
    %get3A_31 = arith.constant 0 : index
    %get3A_32 = arith.constant 0 : index
    %get3A_33 = vector.load %arg4[%get3A_31, %get3A_32] : memref<1x8xf32, #tpu.memory_space<vmem>>, vector<1x1xf32>
    %add3A_34 = vector.broadcast %get3A_33 : vector<1x1xf32> to vector<256x1xf32>
    %add3A_35 = arith.addf %logistic3A_30, %add3A_34 : vector<256x1xf32>
    %get3A_36 = arith.constant 1 : index
    %get3A_37 = arith.constant 0 : index
    %get3A_38 = vector.load %arg3[%get3A_36, %get3A_37] : memref<8x2048xf32, #tpu.memory_space<vmem>>, vector<1x2048xf32>
    %convert_element_type3A_39 = arith.truncf %get3A_38 : vector<1x2048xf32> to vector<1x2048xbf16>
    %convert_element_type3A_40 = arith.extf %convert_element_type3A_39 : vector<1x2048xbf16> to vector<1x2048xf32>
    %mul3A_41 = vector.broadcast %convert_element_type3A_40 : vector<1x2048xf32> to vector<256x2048xf32>
    %mul3A_42 = arith.mulf %convert_element_type3A_15, %mul3A_41 : vector<256x2048xf32>
    %reduce_sum3A_43 = arith.constant dense<0.000000e+00> : vector<256xf32>
    %reduce_sum3A_44 = vector.multi_reduction <add>, %mul3A_42, %reduce_sum3A_43 [1] : vector<256x2048xf32> to vector<256xf32>
    %broadcast_in_dim3A_45 = vector.shape_cast %reduce_sum3A_44 : vector<256xf32> to vector<256x1xf32>
    %logistic3A_46 = arith.negf %broadcast_in_dim3A_45 : vector<256x1xf32>
    %logistic3A_47 = math.exp %logistic3A_46 : vector<256x1xf32>
    %logistic3A_48 = arith.constant 1.000000e+00 : f32
    %logistic3A_49 = vector.broadcast %logistic3A_48 : f32 to vector<256x1xf32>
    %logistic3A_50 = arith.addf %logistic3A_49, %logistic3A_47 : vector<256x1xf32>
    %logistic3A_51 = arith.divf %logistic3A_49, %logistic3A_50 : vector<256x1xf32>
    %get3A_52 = arith.constant 0 : index
    %get3A_53 = arith.constant 1 : index
    %get3A_54 = vector.load %arg4[%get3A_52, %get3A_53] : memref<1x8xf32, #tpu.memory_space<vmem>>, vector<1x1xf32>
    %add3A_55 = vector.broadcast %get3A_54 : vector<1x1xf32> to vector<256x1xf32>
    %add3A_56 = arith.addf %logistic3A_51, %add3A_55 : vector<256x1xf32>
    %get3A_57 = arith.constant 2 : index
    %get3A_58 = arith.constant 0 : index
    %get3A_59 = vector.load %arg3[%get3A_57, %get3A_58] : memref<8x2048xf32, #tpu.memory_space<vmem>>, vector<1x2048xf32>
    %convert_element_type3A_60 = arith.truncf %get3A_59 : vector<1x2048xf32> to vector<1x2048xbf16>
    %convert_element_type3A_61 = arith.extf %convert_element_type3A_60 : vector<1x2048xbf16> to vector<1x2048xf32>
    %mul3A_62 = vector.broadcast %convert_element_type3A_61 : vector<1x2048xf32> to vector<256x2048xf32>
    %mul3A_63 = arith.mulf %convert_element_type3A_15, %mul3A_62 : vector<256x2048xf32>
    %reduce_sum3A_64 = arith.constant dense<0.000000e+00> : vector<256xf32>
    %reduce_sum3A_65 = vector.multi_reduction <add>, %mul3A_63, %reduce_sum3A_64 [1] : vector<256x2048xf32> to vector<256xf32>
    %broadcast_in_dim3A_66 = vector.shape_cast %reduce_sum3A_65 : vector<256xf32> to vector<256x1xf32>
    %logistic3A_67 = arith.negf %broadcast_in_dim3A_66 : vector<256x1xf32>
    %logistic3A_68 = math.exp %logistic3A_67 : vector<256x1xf32>
    %logistic3A_69 = arith.constant 1.000000e+00 : f32
    %logistic3A_70 = vector.broadcast %logistic3A_69 : f32 to vector<256x1xf32>
    %logistic3A_71 = arith.addf %logistic3A_70, %logistic3A_68 : vector<256x1xf32>
    %logistic3A_72 = arith.divf %logistic3A_70, %logistic3A_71 : vector<256x1xf32>
    %get3A_73 = arith.constant 0 : index
    %get3A_74 = arith.constant 2 : index
    %get3A_75 = vector.load %arg4[%get3A_73, %get3A_74] : memref<1x8xf32, #tpu.memory_space<vmem>>, vector<1x1xf32>
    %add3A_76 = vector.broadcast %get3A_75 : vector<1x1xf32> to vector<256x1xf32>
    %add3A_77 = arith.addf %logistic3A_72, %add3A_76 : vector<256x1xf32>
    %get3A_78 = arith.constant 3 : index
    %get3A_79 = arith.constant 0 : index
    %get3A_80 = vector.load %arg3[%get3A_78, %get3A_79] : memref<8x2048xf32, #tpu.memory_space<vmem>>, vector<1x2048xf32>
    %convert_element_type3A_81 = arith.truncf %get3A_80 : vector<1x2048xf32> to vector<1x2048xbf16>
    %convert_element_type3A_82 = arith.extf %convert_element_type3A_81 : vector<1x2048xbf16> to vector<1x2048xf32>
    %mul3A_83 = vector.broadcast %convert_element_type3A_82 : vector<1x2048xf32> to vector<256x2048xf32>
    %mul3A_84 = arith.mulf %convert_element_type3A_15, %mul3A_83 : vector<256x2048xf32>
    %reduce_sum3A_85 = arith.constant dense<0.000000e+00> : vector<256xf32>
    %reduce_sum3A_86 = vector.multi_reduction <add>, %mul3A_84, %reduce_sum3A_85 [1] : vector<256x2048xf32> to vector<256xf32>
    %broadcast_in_dim3A_87 = vector.shape_cast %reduce_sum3A_86 : vector<256xf32> to vector<256x1xf32>
    %logistic3A_88 = arith.negf %broadcast_in_dim3A_87 : vector<256x1xf32>
    %logistic3A_89 = math.exp %logistic3A_88 : vector<256x1xf32>
    %logistic3A_90 = arith.constant 1.000000e+00 : f32
    %logistic3A_91 = vector.broadcast %logistic3A_90 : f32 to vector<256x1xf32>
    %logistic3A_92 = arith.addf %logistic3A_91, %logistic3A_89 : vector<256x1xf32>
    %logistic3A_93 = arith.divf %logistic3A_91, %logistic3A_92 : vector<256x1xf32>
    %get3A_94 = arith.constant 0 : index
    %get3A_95 = arith.constant 3 : index
    %get3A_96 = vector.load %arg4[%get3A_94, %get3A_95] : memref<1x8xf32, #tpu.memory_space<vmem>>, vector<1x1xf32>
    %add3A_97 = vector.broadcast %get3A_96 : vector<1x1xf32> to vector<256x1xf32>
    %add3A_98 = arith.addf %logistic3A_93, %add3A_97 : vector<256x1xf32>
    %get3A_99 = arith.constant 4 : index
    %get3A_100 = arith.constant 0 : index
    %get3A_101 = vector.load %arg3[%get3A_99, %get3A_100] : memref<8x2048xf32, #tpu.memory_space<vmem>>, vector<1x2048xf32>
    %convert_element_type3A_102 = arith.truncf %get3A_101 : vector<1x2048xf32> to vector<1x2048xbf16>
    %convert_element_type3A_103 = arith.extf %convert_element_type3A_102 : vector<1x2048xbf16> to vector<1x2048xf32>
    %mul3A_104 = vector.broadcast %convert_element_type3A_103 : vector<1x2048xf32> to vector<256x2048xf32>
    %mul3A_105 = arith.mulf %convert_element_type3A_15, %mul3A_104 : vector<256x2048xf32>
    %reduce_sum3A_106 = arith.constant dense<0.000000e+00> : vector<256xf32>
    %reduce_sum3A_107 = vector.multi_reduction <add>, %mul3A_105, %reduce_sum3A_106 [1] : vector<256x2048xf32> to vector<256xf32>
    %broadcast_in_dim3A_108 = vector.shape_cast %reduce_sum3A_107 : vector<256xf32> to vector<256x1xf32>
    %logistic3A_109 = arith.negf %broadcast_in_dim3A_108 : vector<256x1xf32>
    %logistic3A_110 = math.exp %logistic3A_109 : vector<256x1xf32>
    %logistic3A_111 = arith.constant 1.000000e+00 : f32
    %logistic3A_112 = vector.broadcast %logistic3A_111 : f32 to vector<256x1xf32>
    %logistic3A_113 = arith.addf %logistic3A_112, %logistic3A_110 : vector<256x1xf32>
    %logistic3A_114 = arith.divf %logistic3A_112, %logistic3A_113 : vector<256x1xf32>
    %get3A_115 = arith.constant 0 : index
    %get3A_116 = arith.constant 4 : index
    %get3A_117 = vector.load %arg4[%get3A_115, %get3A_116] : memref<1x8xf32, #tpu.memory_space<vmem>>, vector<1x1xf32>
    %add3A_118 = vector.broadcast %get3A_117 : vector<1x1xf32> to vector<256x1xf32>
    %add3A_119 = arith.addf %logistic3A_114, %add3A_118 : vector<256x1xf32>
    %get3A_120 = arith.constant 5 : index
    %get3A_121 = arith.constant 0 : index
    %get3A_122 = vector.load %arg3[%get3A_120, %get3A_121] : memref<8x2048xf32, #tpu.memory_space<vmem>>, vector<1x2048xf32>
    %convert_element_type3A_123 = arith.truncf %get3A_122 : vector<1x2048xf32> to vector<1x2048xbf16>
    %convert_element_type3A_124 = arith.extf %convert_element_type3A_123 : vector<1x2048xbf16> to vector<1x2048xf32>
    %mul3A_125 = vector.broadcast %convert_element_type3A_124 : vector<1x2048xf32> to vector<256x2048xf32>
    %mul3A_126 = arith.mulf %convert_element_type3A_15, %mul3A_125 : vector<256x2048xf32>
    %reduce_sum3A_127 = arith.constant dense<0.000000e+00> : vector<256xf32>
    %reduce_sum3A_128 = vector.multi_reduction <add>, %mul3A_126, %reduce_sum3A_127 [1] : vector<256x2048xf32> to vector<256xf32>
    %broadcast_in_dim3A_129 = vector.shape_cast %reduce_sum3A_128 : vector<256xf32> to vector<256x1xf32>
    %logistic3A_130 = arith.negf %broadcast_in_dim3A_129 : vector<256x1xf32>
    %logistic3A_131 = math.exp %logistic3A_130 : vector<256x1xf32>
    %logistic3A_132 = arith.constant 1.000000e+00 : f32
    %logistic3A_133 = vector.broadcast %logistic3A_132 : f32 to vector<256x1xf32>
    %logistic3A_134 = arith.addf %logistic3A_133, %logistic3A_131 : vector<256x1xf32>
    %logistic3A_135 = arith.divf %logistic3A_133, %logistic3A_134 : vector<256x1xf32>
    %get3A_136 = arith.constant 0 : index
    %get3A_137 = arith.constant 5 : index
    %get3A_138 = vector.load %arg4[%get3A_136, %get3A_137] : memref<1x8xf32, #tpu.memory_space<vmem>>, vector<1x1xf32>
    %add3A_139 = vector.broadcast %get3A_138 : vector<1x1xf32> to vector<256x1xf32>
    %add3A_140 = arith.addf %logistic3A_135, %add3A_139 : vector<256x1xf32>
    %get3A_141 = arith.constant 6 : index
    %get3A_142 = arith.constant 0 : index
    %get3A_143 = vector.load %arg3[%get3A_141, %get3A_142] : memref<8x2048xf32, #tpu.memory_space<vmem>>, vector<1x2048xf32>
    %convert_element_type3A_144 = arith.truncf %get3A_143 : vector<1x2048xf32> to vector<1x2048xbf16>
    %convert_element_type3A_145 = arith.extf %convert_element_type3A_144 : vector<1x2048xbf16> to vector<1x2048xf32>
    %mul3A_146 = vector.broadcast %convert_element_type3A_145 : vector<1x2048xf32> to vector<256x2048xf32>
    %mul3A_147 = arith.mulf %convert_element_type3A_15, %mul3A_146 : vector<256x2048xf32>
    %reduce_sum3A_148 = arith.constant dense<0.000000e+00> : vector<256xf32>
    %reduce_sum3A_149 = vector.multi_reduction <add>, %mul3A_147, %reduce_sum3A_148 [1] : vector<256x2048xf32> to vector<256xf32>
    %broadcast_in_dim3A_150 = vector.shape_cast %reduce_sum3A_149 : vector<256xf32> to vector<256x1xf32>
    %logistic3A_151 = arith.negf %broadcast_in_dim3A_150 : vector<256x1xf32>
    %logistic3A_152 = math.exp %logistic3A_151 : vector<256x1xf32>
    %logistic3A_153 = arith.constant 1.000000e+00 : f32
    %logistic3A_154 = vector.broadcast %logistic3A_153 : f32 to vector<256x1xf32>
    %logistic3A_155 = arith.addf %logistic3A_154, %logistic3A_152 : vector<256x1xf32>
    %logistic3A_156 = arith.divf %logistic3A_154, %logistic3A_155 : vector<256x1xf32>
    %get3A_157 = arith.constant 0 : index
    %get3A_158 = arith.constant 6 : index
    %get3A_159 = vector.load %arg4[%get3A_157, %get3A_158] : memref<1x8xf32, #tpu.memory_space<vmem>>, vector<1x1xf32>
    %add3A_160 = vector.broadcast %get3A_159 : vector<1x1xf32> to vector<256x1xf32>
    %add3A_161 = arith.addf %logistic3A_156, %add3A_160 : vector<256x1xf32>
    %get3A_162 = arith.constant 7 : index
    %get3A_163 = arith.constant 0 : index
    %get3A_164 = vector.load %arg3[%get3A_162, %get3A_163] : memref<8x2048xf32, #tpu.memory_space<vmem>>, vector<1x2048xf32>
    %convert_element_type3A_165 = arith.truncf %get3A_164 : vector<1x2048xf32> to vector<1x2048xbf16>
    %convert_element_type3A_166 = arith.extf %convert_element_type3A_165 : vector<1x2048xbf16> to vector<1x2048xf32>
    %mul3A_167 = vector.broadcast %convert_element_type3A_166 : vector<1x2048xf32> to vector<256x2048xf32>
    %mul3A_168 = arith.mulf %convert_element_type3A_15, %mul3A_167 : vector<256x2048xf32>
    %reduce_sum3A_169 = arith.constant dense<0.000000e+00> : vector<256xf32>
    %reduce_sum3A_170 = vector.multi_reduction <add>, %mul3A_168, %reduce_sum3A_169 [1] : vector<256x2048xf32> to vector<256xf32>
    %broadcast_in_dim3A_171 = vector.shape_cast %reduce_sum3A_170 : vector<256xf32> to vector<256x1xf32>
    %logistic3A_172 = arith.negf %broadcast_in_dim3A_171 : vector<256x1xf32>
    %logistic3A_173 = math.exp %logistic3A_172 : vector<256x1xf32>
    %logistic3A_174 = arith.constant 1.000000e+00 : f32
    %logistic3A_175 = vector.broadcast %logistic3A_174 : f32 to vector<256x1xf32>
    %logistic3A_176 = arith.addf %logistic3A_175, %logistic3A_173 : vector<256x1xf32>
    %logistic3A_177 = arith.divf %logistic3A_175, %logistic3A_176 : vector<256x1xf32>
    %get3A_178 = arith.constant 0 : index
    %get3A_179 = arith.constant 7 : index
    %get3A_180 = vector.load %arg4[%get3A_178, %get3A_179] : memref<1x8xf32, #tpu.memory_space<vmem>>, vector<1x1xf32>
    %add3A_181 = vector.broadcast %get3A_180 : vector<1x1xf32> to vector<256x1xf32>
    %add3A_182 = arith.addf %logistic3A_177, %add3A_181 : vector<256x1xf32>
    %add3A_183 = arith.addf %add3A_35, %add3A_56 : vector<256x1xf32>
    %add3A_184 = arith.addf %add3A_77, %add3A_98 : vector<256x1xf32>
    %add3A_185 = arith.addf %add3A_119, %add3A_140 : vector<256x1xf32>
    %add3A_186 = arith.addf %add3A_161, %add3A_182 : vector<256x1xf32>
    %broadcast_in_dim3A_187 = arith.constant 0 : i32
    %broadcast_in_dim3A_188 = vector.broadcast %broadcast_in_dim3A_187 : i32 to vector<256x1xi32>
    %gt3A = arith.cmpf ogt, %add3A_184, %add3A_183 : vector<256x1xf32>
    %convert_element_type3A_189 = arith.extui %gt3A : vector<256x1xi1> to vector<256x1xi32>
    %add3A_190 = arith.addi %broadcast_in_dim3A_188, %convert_element_type3A_189 : vector<256x1xi32>
    %gt3A_191 = arith.cmpf ogt, %add3A_185, %add3A_183 : vector<256x1xf32>
    %convert_element_type3A_192 = arith.extui %gt3A_191 : vector<256x1xi1> to vector<256x1xi32>
    %add3A_193 = arith.addi %add3A_190, %convert_element_type3A_192 : vector<256x1xi32>
    %gt3A_194 = arith.cmpf ogt, %add3A_186, %add3A_183 : vector<256x1xf32>
    %convert_element_type3A_195 = arith.extui %gt3A_194 : vector<256x1xi1> to vector<256x1xi32>
    %add3A_196 = arith.addi %add3A_193, %convert_element_type3A_195 : vector<256x1xi32>
    %lt3A = arith.constant 2 : i32
    %lt3A_197 = vector.broadcast %lt3A : i32 to vector<256x1xi32>
    %lt3A_198 = arith.cmpi slt, %add3A_196, %lt3A_197 : vector<256x1xi32>
    %broadcast_in_dim3A_199 = arith.constant 0 : i32
    %broadcast_in_dim3A_200 = vector.broadcast %broadcast_in_dim3A_199 : i32 to vector<256x1xi32>
    %ge3A = arith.cmpf oge, %add3A_183, %add3A_184 : vector<256x1xf32>
    %convert_element_type3A_201 = arith.extui %ge3A : vector<256x1xi1> to vector<256x1xi32>
    %add3A_202 = arith.addi %broadcast_in_dim3A_200, %convert_element_type3A_201 : vector<256x1xi32>
    %gt3A_203 = arith.cmpf ogt, %add3A_185, %add3A_184 : vector<256x1xf32>
    %convert_element_type3A_204 = arith.extui %gt3A_203 : vector<256x1xi1> to vector<256x1xi32>
    %add3A_205 = arith.addi %add3A_202, %convert_element_type3A_204 : vector<256x1xi32>
    %gt3A_206 = arith.cmpf ogt, %add3A_186, %add3A_184 : vector<256x1xf32>
    %convert_element_type3A_207 = arith.extui %gt3A_206 : vector<256x1xi1> to vector<256x1xi32>
    %add3A_208 = arith.addi %add3A_205, %convert_element_type3A_207 : vector<256x1xi32>
    %lt3A_209 = arith.constant 2 : i32
    %lt3A_210 = vector.broadcast %lt3A_209 : i32 to vector<256x1xi32>
    %lt3A_211 = arith.cmpi slt, %add3A_208, %lt3A_210 : vector<256x1xi32>
    %broadcast_in_dim3A_212 = arith.constant 0 : i32
    %broadcast_in_dim3A_213 = vector.broadcast %broadcast_in_dim3A_212 : i32 to vector<256x1xi32>
    %ge3A_214 = arith.cmpf oge, %add3A_183, %add3A_185 : vector<256x1xf32>
    %convert_element_type3A_215 = arith.extui %ge3A_214 : vector<256x1xi1> to vector<256x1xi32>
    %add3A_216 = arith.addi %broadcast_in_dim3A_213, %convert_element_type3A_215 : vector<256x1xi32>
    %ge3A_217 = arith.cmpf oge, %add3A_184, %add3A_185 : vector<256x1xf32>
    %convert_element_type3A_218 = arith.extui %ge3A_217 : vector<256x1xi1> to vector<256x1xi32>
    %add3A_219 = arith.addi %add3A_216, %convert_element_type3A_218 : vector<256x1xi32>
    %gt3A_220 = arith.cmpf ogt, %add3A_186, %add3A_185 : vector<256x1xf32>
    %convert_element_type3A_221 = arith.extui %gt3A_220 : vector<256x1xi1> to vector<256x1xi32>
    %add3A_222 = arith.addi %add3A_219, %convert_element_type3A_221 : vector<256x1xi32>
    %lt3A_223 = arith.constant 2 : i32
    %lt3A_224 = vector.broadcast %lt3A_223 : i32 to vector<256x1xi32>
    %lt3A_225 = arith.cmpi slt, %add3A_222, %lt3A_224 : vector<256x1xi32>
    %broadcast_in_dim3A_226 = arith.constant 0 : i32
    %broadcast_in_dim3A_227 = vector.broadcast %broadcast_in_dim3A_226 : i32 to vector<256x1xi32>
    %ge3A_228 = arith.cmpf oge, %add3A_183, %add3A_186 : vector<256x1xf32>
    %convert_element_type3A_229 = arith.extui %ge3A_228 : vector<256x1xi1> to vector<256x1xi32>
    %add3A_230 = arith.addi %broadcast_in_dim3A_227, %convert_element_type3A_229 : vector<256x1xi32>
    %ge3A_231 = arith.cmpf oge, %add3A_184, %add3A_186 : vector<256x1xf32>
    %convert_element_type3A_232 = arith.extui %ge3A_231 : vector<256x1xi1> to vector<256x1xi32>
    %add3A_233 = arith.addi %add3A_230, %convert_element_type3A_232 : vector<256x1xi32>
    %ge3A_234 = arith.cmpf oge, %add3A_185, %add3A_186 : vector<256x1xf32>
    %convert_element_type3A_235 = arith.extui %ge3A_234 : vector<256x1xi1> to vector<256x1xi32>
    %add3A_236 = arith.addi %add3A_233, %convert_element_type3A_235 : vector<256x1xi32>
    %lt3A_237 = arith.constant 2 : i32
    %lt3A_238 = vector.broadcast %lt3A_237 : i32 to vector<256x1xi32>
    %lt3A_239 = arith.cmpi slt, %add3A_236, %lt3A_238 : vector<256x1xi32>
    %jit3A = arith.constant -1.000000e+30 : f32
    %broadcast_in_dim3A_240 = vector.broadcast %jit3A : f32 to vector<256x1xf32>
    %select_n3A = arith.select %lt3A_198, %add3A_35, %broadcast_in_dim3A_240 : vector<256x1xi1>, vector<256x1xf32>
    %jit3A_241 = arith.constant -1.000000e+30 : f32
    %broadcast_in_dim3A_242 = vector.broadcast %jit3A_241 : f32 to vector<256x1xf32>
    %select_n3A_243 = arith.select %lt3A_198, %add3A_56, %broadcast_in_dim3A_242 : vector<256x1xi1>, vector<256x1xf32>
    %jit3A_244 = arith.constant -1.000000e+30 : f32
    %broadcast_in_dim3A_245 = vector.broadcast %jit3A_244 : f32 to vector<256x1xf32>
    %select_n3A_246 = arith.select %lt3A_211, %add3A_77, %broadcast_in_dim3A_245 : vector<256x1xi1>, vector<256x1xf32>
    %jit3A_247 = arith.constant -1.000000e+30 : f32
    %broadcast_in_dim3A_248 = vector.broadcast %jit3A_247 : f32 to vector<256x1xf32>
    %select_n3A_249 = arith.select %lt3A_211, %add3A_98, %broadcast_in_dim3A_248 : vector<256x1xi1>, vector<256x1xf32>
    %jit3A_250 = arith.constant -1.000000e+30 : f32
    %broadcast_in_dim3A_251 = vector.broadcast %jit3A_250 : f32 to vector<256x1xf32>
    %select_n3A_252 = arith.select %lt3A_225, %add3A_119, %broadcast_in_dim3A_251 : vector<256x1xi1>, vector<256x1xf32>
    %jit3A_253 = arith.constant -1.000000e+30 : f32
    %broadcast_in_dim3A_254 = vector.broadcast %jit3A_253 : f32 to vector<256x1xf32>
    %select_n3A_255 = arith.select %lt3A_225, %add3A_140, %broadcast_in_dim3A_254 : vector<256x1xi1>, vector<256x1xf32>
    %jit3A_256 = arith.constant -1.000000e+30 : f32
    %broadcast_in_dim3A_257 = vector.broadcast %jit3A_256 : f32 to vector<256x1xf32>
    %select_n3A_258 = arith.select %lt3A_239, %add3A_161, %broadcast_in_dim3A_257 : vector<256x1xi1>, vector<256x1xf32>
    %jit3A_259 = arith.constant -1.000000e+30 : f32
    %broadcast_in_dim3A_260 = vector.broadcast %jit3A_259 : f32 to vector<256x1xf32>
    %select_n3A_261 = arith.select %lt3A_239, %add3A_182, %broadcast_in_dim3A_260 : vector<256x1xi1>, vector<256x1xf32>
    %broadcast_in_dim3A_262 = arith.constant 0 : i32
    %broadcast_in_dim3A_263 = vector.broadcast %broadcast_in_dim3A_262 : i32 to vector<256x1xi32>
    %gt3A_264 = arith.cmpf ogt, %select_n3A_243, %select_n3A : vector<256x1xf32>
    %convert_element_type3A_265 = arith.extui %gt3A_264 : vector<256x1xi1> to vector<256x1xi32>
    %add3A_266 = arith.addi %broadcast_in_dim3A_263, %convert_element_type3A_265 : vector<256x1xi32>
    %gt3A_267 = arith.cmpf ogt, %select_n3A_246, %select_n3A : vector<256x1xf32>
    %convert_element_type3A_268 = arith.extui %gt3A_267 : vector<256x1xi1> to vector<256x1xi32>
    %add3A_269 = arith.addi %add3A_266, %convert_element_type3A_268 : vector<256x1xi32>
    %gt3A_270 = arith.cmpf ogt, %select_n3A_249, %select_n3A : vector<256x1xf32>
    %convert_element_type3A_271 = arith.extui %gt3A_270 : vector<256x1xi1> to vector<256x1xi32>
    %add3A_272 = arith.addi %add3A_269, %convert_element_type3A_271 : vector<256x1xi32>
    %gt3A_273 = arith.cmpf ogt, %select_n3A_252, %select_n3A : vector<256x1xf32>
    %convert_element_type3A_274 = arith.extui %gt3A_273 : vector<256x1xi1> to vector<256x1xi32>
    %add3A_275 = arith.addi %add3A_272, %convert_element_type3A_274 : vector<256x1xi32>
    %gt3A_276 = arith.cmpf ogt, %select_n3A_255, %select_n3A : vector<256x1xf32>
    %convert_element_type3A_277 = arith.extui %gt3A_276 : vector<256x1xi1> to vector<256x1xi32>
    %add3A_278 = arith.addi %add3A_275, %convert_element_type3A_277 : vector<256x1xi32>
    %gt3A_279 = arith.cmpf ogt, %select_n3A_258, %select_n3A : vector<256x1xf32>
    %convert_element_type3A_280 = arith.extui %gt3A_279 : vector<256x1xi1> to vector<256x1xi32>
    %add3A_281 = arith.addi %add3A_278, %convert_element_type3A_280 : vector<256x1xi32>
    %gt3A_282 = arith.cmpf ogt, %select_n3A_261, %select_n3A : vector<256x1xf32>
    %convert_element_type3A_283 = arith.extui %gt3A_282 : vector<256x1xi1> to vector<256x1xi32>
    %add3A_284 = arith.addi %add3A_281, %convert_element_type3A_283 : vector<256x1xi32>
    %broadcast_in_dim3A_285 = arith.constant 0 : i32
    %broadcast_in_dim3A_286 = vector.broadcast %broadcast_in_dim3A_285 : i32 to vector<256x1xi32>
    %ge3A_287 = arith.cmpf oge, %select_n3A, %select_n3A_243 : vector<256x1xf32>
    %convert_element_type3A_288 = arith.extui %ge3A_287 : vector<256x1xi1> to vector<256x1xi32>
    %add3A_289 = arith.addi %broadcast_in_dim3A_286, %convert_element_type3A_288 : vector<256x1xi32>
    %gt3A_290 = arith.cmpf ogt, %select_n3A_246, %select_n3A_243 : vector<256x1xf32>
    %convert_element_type3A_291 = arith.extui %gt3A_290 : vector<256x1xi1> to vector<256x1xi32>
    %add3A_292 = arith.addi %add3A_289, %convert_element_type3A_291 : vector<256x1xi32>
    %gt3A_293 = arith.cmpf ogt, %select_n3A_249, %select_n3A_243 : vector<256x1xf32>
    %convert_element_type3A_294 = arith.extui %gt3A_293 : vector<256x1xi1> to vector<256x1xi32>
    %add3A_295 = arith.addi %add3A_292, %convert_element_type3A_294 : vector<256x1xi32>
    %gt3A_296 = arith.cmpf ogt, %select_n3A_252, %select_n3A_243 : vector<256x1xf32>
    %convert_element_type3A_297 = arith.extui %gt3A_296 : vector<256x1xi1> to vector<256x1xi32>
    %add3A_298 = arith.addi %add3A_295, %convert_element_type3A_297 : vector<256x1xi32>
    %gt3A_299 = arith.cmpf ogt, %select_n3A_255, %select_n3A_243 : vector<256x1xf32>
    %convert_element_type3A_300 = arith.extui %gt3A_299 : vector<256x1xi1> to vector<256x1xi32>
    %add3A_301 = arith.addi %add3A_298, %convert_element_type3A_300 : vector<256x1xi32>
    %gt3A_302 = arith.cmpf ogt, %select_n3A_258, %select_n3A_243 : vector<256x1xf32>
    %convert_element_type3A_303 = arith.extui %gt3A_302 : vector<256x1xi1> to vector<256x1xi32>
    %add3A_304 = arith.addi %add3A_301, %convert_element_type3A_303 : vector<256x1xi32>
    %gt3A_305 = arith.cmpf ogt, %select_n3A_261, %select_n3A_243 : vector<256x1xf32>
    %convert_element_type3A_306 = arith.extui %gt3A_305 : vector<256x1xi1> to vector<256x1xi32>
    %add3A_307 = arith.addi %add3A_304, %convert_element_type3A_306 : vector<256x1xi32>
    %broadcast_in_dim3A_308 = arith.constant 0 : i32
    %broadcast_in_dim3A_309 = vector.broadcast %broadcast_in_dim3A_308 : i32 to vector<256x1xi32>
    %ge3A_310 = arith.cmpf oge, %select_n3A, %select_n3A_246 : vector<256x1xf32>
    %convert_element_type3A_311 = arith.extui %ge3A_310 : vector<256x1xi1> to vector<256x1xi32>
    %add3A_312 = arith.addi %broadcast_in_dim3A_309, %convert_element_type3A_311 : vector<256x1xi32>
    %ge3A_313 = arith.cmpf oge, %select_n3A_243, %select_n3A_246 : vector<256x1xf32>
    %convert_element_type3A_314 = arith.extui %ge3A_313 : vector<256x1xi1> to vector<256x1xi32>
    %add3A_315 = arith.addi %add3A_312, %convert_element_type3A_314 : vector<256x1xi32>
    %gt3A_316 = arith.cmpf ogt, %select_n3A_249, %select_n3A_246 : vector<256x1xf32>
    %convert_element_type3A_317 = arith.extui %gt3A_316 : vector<256x1xi1> to vector<256x1xi32>
    %add3A_318 = arith.addi %add3A_315, %convert_element_type3A_317 : vector<256x1xi32>
    %gt3A_319 = arith.cmpf ogt, %select_n3A_252, %select_n3A_246 : vector<256x1xf32>
    %convert_element_type3A_320 = arith.extui %gt3A_319 : vector<256x1xi1> to vector<256x1xi32>
    %add3A_321 = arith.addi %add3A_318, %convert_element_type3A_320 : vector<256x1xi32>
    %gt3A_322 = arith.cmpf ogt, %select_n3A_255, %select_n3A_246 : vector<256x1xf32>
    %convert_element_type3A_323 = arith.extui %gt3A_322 : vector<256x1xi1> to vector<256x1xi32>
    %add3A_324 = arith.addi %add3A_321, %convert_element_type3A_323 : vector<256x1xi32>
    %gt3A_325 = arith.cmpf ogt, %select_n3A_258, %select_n3A_246 : vector<256x1xf32>
    %convert_element_type3A_326 = arith.extui %gt3A_325 : vector<256x1xi1> to vector<256x1xi32>
    %add3A_327 = arith.addi %add3A_324, %convert_element_type3A_326 : vector<256x1xi32>
    %gt3A_328 = arith.cmpf ogt, %select_n3A_261, %select_n3A_246 : vector<256x1xf32>
    %convert_element_type3A_329 = arith.extui %gt3A_328 : vector<256x1xi1> to vector<256x1xi32>
    %add3A_330 = arith.addi %add3A_327, %convert_element_type3A_329 : vector<256x1xi32>
    %broadcast_in_dim3A_331 = arith.constant 0 : i32
    %broadcast_in_dim3A_332 = vector.broadcast %broadcast_in_dim3A_331 : i32 to vector<256x1xi32>
    %ge3A_333 = arith.cmpf oge, %select_n3A, %select_n3A_249 : vector<256x1xf32>
    %convert_element_type3A_334 = arith.extui %ge3A_333 : vector<256x1xi1> to vector<256x1xi32>
    %add3A_335 = arith.addi %broadcast_in_dim3A_332, %convert_element_type3A_334 : vector<256x1xi32>
    %ge3A_336 = arith.cmpf oge, %select_n3A_243, %select_n3A_249 : vector<256x1xf32>
    %convert_element_type3A_337 = arith.extui %ge3A_336 : vector<256x1xi1> to vector<256x1xi32>
    %add3A_338 = arith.addi %add3A_335, %convert_element_type3A_337 : vector<256x1xi32>
    %ge3A_339 = arith.cmpf oge, %select_n3A_246, %select_n3A_249 : vector<256x1xf32>
    %convert_element_type3A_340 = arith.extui %ge3A_339 : vector<256x1xi1> to vector<256x1xi32>
    %add3A_341 = arith.addi %add3A_338, %convert_element_type3A_340 : vector<256x1xi32>
    %gt3A_342 = arith.cmpf ogt, %select_n3A_252, %select_n3A_249 : vector<256x1xf32>
    %convert_element_type3A_343 = arith.extui %gt3A_342 : vector<256x1xi1> to vector<256x1xi32>
    %add3A_344 = arith.addi %add3A_341, %convert_element_type3A_343 : vector<256x1xi32>
    %gt3A_345 = arith.cmpf ogt, %select_n3A_255, %select_n3A_249 : vector<256x1xf32>
    %convert_element_type3A_346 = arith.extui %gt3A_345 : vector<256x1xi1> to vector<256x1xi32>
    %add3A_347 = arith.addi %add3A_344, %convert_element_type3A_346 : vector<256x1xi32>
    %gt3A_348 = arith.cmpf ogt, %select_n3A_258, %select_n3A_249 : vector<256x1xf32>
    %convert_element_type3A_349 = arith.extui %gt3A_348 : vector<256x1xi1> to vector<256x1xi32>
    %add3A_350 = arith.addi %add3A_347, %convert_element_type3A_349 : vector<256x1xi32>
    %gt3A_351 = arith.cmpf ogt, %select_n3A_261, %select_n3A_249 : vector<256x1xf32>
    %convert_element_type3A_352 = arith.extui %gt3A_351 : vector<256x1xi1> to vector<256x1xi32>
    %add3A_353 = arith.addi %add3A_350, %convert_element_type3A_352 : vector<256x1xi32>
    %broadcast_in_dim3A_354 = arith.constant 0 : i32
    %broadcast_in_dim3A_355 = vector.broadcast %broadcast_in_dim3A_354 : i32 to vector<256x1xi32>
    %ge3A_356 = arith.cmpf oge, %select_n3A, %select_n3A_252 : vector<256x1xf32>
    %convert_element_type3A_357 = arith.extui %ge3A_356 : vector<256x1xi1> to vector<256x1xi32>
    %add3A_358 = arith.addi %broadcast_in_dim3A_355, %convert_element_type3A_357 : vector<256x1xi32>
    %ge3A_359 = arith.cmpf oge, %select_n3A_243, %select_n3A_252 : vector<256x1xf32>
    %convert_element_type3A_360 = arith.extui %ge3A_359 : vector<256x1xi1> to vector<256x1xi32>
    %add3A_361 = arith.addi %add3A_358, %convert_element_type3A_360 : vector<256x1xi32>
    %ge3A_362 = arith.cmpf oge, %select_n3A_246, %select_n3A_252 : vector<256x1xf32>
    %convert_element_type3A_363 = arith.extui %ge3A_362 : vector<256x1xi1> to vector<256x1xi32>
    %add3A_364 = arith.addi %add3A_361, %convert_element_type3A_363 : vector<256x1xi32>
    %ge3A_365 = arith.cmpf oge, %select_n3A_249, %select_n3A_252 : vector<256x1xf32>
    %convert_element_type3A_366 = arith.extui %ge3A_365 : vector<256x1xi1> to vector<256x1xi32>
    %add3A_367 = arith.addi %add3A_364, %convert_element_type3A_366 : vector<256x1xi32>
    %gt3A_368 = arith.cmpf ogt, %select_n3A_255, %select_n3A_252 : vector<256x1xf32>
    %convert_element_type3A_369 = arith.extui %gt3A_368 : vector<256x1xi1> to vector<256x1xi32>
    %add3A_370 = arith.addi %add3A_367, %convert_element_type3A_369 : vector<256x1xi32>
    %gt3A_371 = arith.cmpf ogt, %select_n3A_258, %select_n3A_252 : vector<256x1xf32>
    %convert_element_type3A_372 = arith.extui %gt3A_371 : vector<256x1xi1> to vector<256x1xi32>
    %add3A_373 = arith.addi %add3A_370, %convert_element_type3A_372 : vector<256x1xi32>
    %gt3A_374 = arith.cmpf ogt, %select_n3A_261, %select_n3A_252 : vector<256x1xf32>
    %convert_element_type3A_375 = arith.extui %gt3A_374 : vector<256x1xi1> to vector<256x1xi32>
    %add3A_376 = arith.addi %add3A_373, %convert_element_type3A_375 : vector<256x1xi32>
    %broadcast_in_dim3A_377 = arith.constant 0 : i32
    %broadcast_in_dim3A_378 = vector.broadcast %broadcast_in_dim3A_377 : i32 to vector<256x1xi32>
    %ge3A_379 = arith.cmpf oge, %select_n3A, %select_n3A_255 : vector<256x1xf32>
    %convert_element_type3A_380 = arith.extui %ge3A_379 : vector<256x1xi1> to vector<256x1xi32>
    %add3A_381 = arith.addi %broadcast_in_dim3A_378, %convert_element_type3A_380 : vector<256x1xi32>
    %ge3A_382 = arith.cmpf oge, %select_n3A_243, %select_n3A_255 : vector<256x1xf32>
    %convert_element_type3A_383 = arith.extui %ge3A_382 : vector<256x1xi1> to vector<256x1xi32>
    %add3A_384 = arith.addi %add3A_381, %convert_element_type3A_383 : vector<256x1xi32>
    %ge3A_385 = arith.cmpf oge, %select_n3A_246, %select_n3A_255 : vector<256x1xf32>
    %convert_element_type3A_386 = arith.extui %ge3A_385 : vector<256x1xi1> to vector<256x1xi32>
    %add3A_387 = arith.addi %add3A_384, %convert_element_type3A_386 : vector<256x1xi32>
    %ge3A_388 = arith.cmpf oge, %select_n3A_249, %select_n3A_255 : vector<256x1xf32>
    %convert_element_type3A_389 = arith.extui %ge3A_388 : vector<256x1xi1> to vector<256x1xi32>
    %add3A_390 = arith.addi %add3A_387, %convert_element_type3A_389 : vector<256x1xi32>
    %ge3A_391 = arith.cmpf oge, %select_n3A_252, %select_n3A_255 : vector<256x1xf32>
    %convert_element_type3A_392 = arith.extui %ge3A_391 : vector<256x1xi1> to vector<256x1xi32>
    %add3A_393 = arith.addi %add3A_390, %convert_element_type3A_392 : vector<256x1xi32>
    %gt3A_394 = arith.cmpf ogt, %select_n3A_258, %select_n3A_255 : vector<256x1xf32>
    %convert_element_type3A_395 = arith.extui %gt3A_394 : vector<256x1xi1> to vector<256x1xi32>
    %add3A_396 = arith.addi %add3A_393, %convert_element_type3A_395 : vector<256x1xi32>
    %gt3A_397 = arith.cmpf ogt, %select_n3A_261, %select_n3A_255 : vector<256x1xf32>
    %convert_element_type3A_398 = arith.extui %gt3A_397 : vector<256x1xi1> to vector<256x1xi32>
    %add3A_399 = arith.addi %add3A_396, %convert_element_type3A_398 : vector<256x1xi32>
    %broadcast_in_dim3A_400 = arith.constant 0 : i32
    %broadcast_in_dim3A_401 = vector.broadcast %broadcast_in_dim3A_400 : i32 to vector<256x1xi32>
    %ge3A_402 = arith.cmpf oge, %select_n3A, %select_n3A_258 : vector<256x1xf32>
    %convert_element_type3A_403 = arith.extui %ge3A_402 : vector<256x1xi1> to vector<256x1xi32>
    %add3A_404 = arith.addi %broadcast_in_dim3A_401, %convert_element_type3A_403 : vector<256x1xi32>
    %ge3A_405 = arith.cmpf oge, %select_n3A_243, %select_n3A_258 : vector<256x1xf32>
    %convert_element_type3A_406 = arith.extui %ge3A_405 : vector<256x1xi1> to vector<256x1xi32>
    %add3A_407 = arith.addi %add3A_404, %convert_element_type3A_406 : vector<256x1xi32>
    %ge3A_408 = arith.cmpf oge, %select_n3A_246, %select_n3A_258 : vector<256x1xf32>
    %convert_element_type3A_409 = arith.extui %ge3A_408 : vector<256x1xi1> to vector<256x1xi32>
    %add3A_410 = arith.addi %add3A_407, %convert_element_type3A_409 : vector<256x1xi32>
    %ge3A_411 = arith.cmpf oge, %select_n3A_249, %select_n3A_258 : vector<256x1xf32>
    %convert_element_type3A_412 = arith.extui %ge3A_411 : vector<256x1xi1> to vector<256x1xi32>
    %add3A_413 = arith.addi %add3A_410, %convert_element_type3A_412 : vector<256x1xi32>
    %ge3A_414 = arith.cmpf oge, %select_n3A_252, %select_n3A_258 : vector<256x1xf32>
    %convert_element_type3A_415 = arith.extui %ge3A_414 : vector<256x1xi1> to vector<256x1xi32>
    %add3A_416 = arith.addi %add3A_413, %convert_element_type3A_415 : vector<256x1xi32>
    %ge3A_417 = arith.cmpf oge, %select_n3A_255, %select_n3A_258 : vector<256x1xf32>
    %convert_element_type3A_418 = arith.extui %ge3A_417 : vector<256x1xi1> to vector<256x1xi32>
    %add3A_419 = arith.addi %add3A_416, %convert_element_type3A_418 : vector<256x1xi32>
    %gt3A_420 = arith.cmpf ogt, %select_n3A_261, %select_n3A_258 : vector<256x1xf32>
    %convert_element_type3A_421 = arith.extui %gt3A_420 : vector<256x1xi1> to vector<256x1xi32>
    %add3A_422 = arith.addi %add3A_419, %convert_element_type3A_421 : vector<256x1xi32>
    %broadcast_in_dim3A_423 = arith.constant 0 : i32
    %broadcast_in_dim3A_424 = vector.broadcast %broadcast_in_dim3A_423 : i32 to vector<256x1xi32>
    %ge3A_425 = arith.cmpf oge, %select_n3A, %select_n3A_261 : vector<256x1xf32>
    %convert_element_type3A_426 = arith.extui %ge3A_425 : vector<256x1xi1> to vector<256x1xi32>
    %add3A_427 = arith.addi %broadcast_in_dim3A_424, %convert_element_type3A_426 : vector<256x1xi32>
    %ge3A_428 = arith.cmpf oge, %select_n3A_243, %select_n3A_261 : vector<256x1xf32>
    %convert_element_type3A_429 = arith.extui %ge3A_428 : vector<256x1xi1> to vector<256x1xi32>
    %add3A_430 = arith.addi %add3A_427, %convert_element_type3A_429 : vector<256x1xi32>
    %ge3A_431 = arith.cmpf oge, %select_n3A_246, %select_n3A_261 : vector<256x1xf32>
    %convert_element_type3A_432 = arith.extui %ge3A_431 : vector<256x1xi1> to vector<256x1xi32>
    %add3A_433 = arith.addi %add3A_430, %convert_element_type3A_432 : vector<256x1xi32>
    %ge3A_434 = arith.cmpf oge, %select_n3A_249, %select_n3A_261 : vector<256x1xf32>
    %convert_element_type3A_435 = arith.extui %ge3A_434 : vector<256x1xi1> to vector<256x1xi32>
    %add3A_436 = arith.addi %add3A_433, %convert_element_type3A_435 : vector<256x1xi32>
    %ge3A_437 = arith.cmpf oge, %select_n3A_252, %select_n3A_261 : vector<256x1xf32>
    %convert_element_type3A_438 = arith.extui %ge3A_437 : vector<256x1xi1> to vector<256x1xi32>
    %add3A_439 = arith.addi %add3A_436, %convert_element_type3A_438 : vector<256x1xi32>
    %ge3A_440 = arith.cmpf oge, %select_n3A_255, %select_n3A_261 : vector<256x1xf32>
    %convert_element_type3A_441 = arith.extui %ge3A_440 : vector<256x1xi1> to vector<256x1xi32>
    %add3A_442 = arith.addi %add3A_439, %convert_element_type3A_441 : vector<256x1xi32>
    %ge3A_443 = arith.cmpf oge, %select_n3A_258, %select_n3A_261 : vector<256x1xf32>
    %convert_element_type3A_444 = arith.extui %ge3A_443 : vector<256x1xi1> to vector<256x1xi32>
    %add3A_445 = arith.addi %add3A_442, %convert_element_type3A_444 : vector<256x1xi32>
    %broadcast_in_dim3A_446 = arith.constant 0.000000e+00 : f32
    %broadcast_in_dim3A_447 = vector.broadcast %broadcast_in_dim3A_446 : f32 to vector<256x1xf32>
    %eq3A = arith.constant 0 : i32
    %eq3A_448 = vector.broadcast %eq3A : i32 to vector<256x1xi32>
    %eq3A_449 = arith.cmpi eq, %add3A_284, %eq3A_448 : vector<256x1xi32>
    %convert_element_type3A_450 = arith.extui %eq3A_449 : vector<256x1xi1> to vector<256x1xi32>
    %convert_element_type3A_451 = arith.sitofp %convert_element_type3A_450 : vector<256x1xi32> to vector<256x1xf32>
    %eq3A_452 = arith.constant 1 : i32
    %eq3A_453 = vector.broadcast %eq3A_452 : i32 to vector<256x1xi32>
    %eq3A_454 = arith.cmpi eq, %add3A_284, %eq3A_453 : vector<256x1xi32>
    %convert_element_type3A_455 = arith.extui %eq3A_454 : vector<256x1xi1> to vector<256x1xi32>
    %convert_element_type3A_456 = arith.sitofp %convert_element_type3A_455 : vector<256x1xi32> to vector<256x1xf32>
    %mul3A_457 = arith.constant 0.000000e+00 : f32
    %mul3A_458 = vector.broadcast %mul3A_457 : f32 to vector<256x1xf32>
    %mul3A_459 = arith.mulf %convert_element_type3A_451, %mul3A_458 : vector<256x1xf32>
    %add3A_460 = arith.addf %broadcast_in_dim3A_447, %mul3A_459 : vector<256x1xf32>
    %mul3A_461 = arith.constant 0.000000e+00 : f32
    %mul3A_462 = vector.broadcast %mul3A_461 : f32 to vector<256x1xf32>
    %mul3A_463 = arith.mulf %convert_element_type3A_456, %mul3A_462 : vector<256x1xf32>
    %add3A_464 = arith.addf %broadcast_in_dim3A_447, %mul3A_463 : vector<256x1xf32>
    %mul3A_465 = arith.mulf %convert_element_type3A_451, %logistic3A_30 : vector<256x1xf32>
    %add3A_466 = arith.addf %broadcast_in_dim3A_447, %mul3A_465 : vector<256x1xf32>
    %mul3A_467 = arith.mulf %convert_element_type3A_456, %logistic3A_30 : vector<256x1xf32>
    %add3A_468 = arith.addf %broadcast_in_dim3A_447, %mul3A_467 : vector<256x1xf32>
    %eq3A_469 = arith.constant 0 : i32
    %eq3A_470 = vector.broadcast %eq3A_469 : i32 to vector<256x1xi32>
    %eq3A_471 = arith.cmpi eq, %add3A_307, %eq3A_470 : vector<256x1xi32>
    %convert_element_type3A_472 = arith.extui %eq3A_471 : vector<256x1xi1> to vector<256x1xi32>
    %convert_element_type3A_473 = arith.sitofp %convert_element_type3A_472 : vector<256x1xi32> to vector<256x1xf32>
    %eq3A_474 = arith.constant 1 : i32
    %eq3A_475 = vector.broadcast %eq3A_474 : i32 to vector<256x1xi32>
    %eq3A_476 = arith.cmpi eq, %add3A_307, %eq3A_475 : vector<256x1xi32>
    %convert_element_type3A_477 = arith.extui %eq3A_476 : vector<256x1xi1> to vector<256x1xi32>
    %convert_element_type3A_478 = arith.sitofp %convert_element_type3A_477 : vector<256x1xi32> to vector<256x1xf32>
    %mul3A_479 = arith.constant 1.000000e+00 : f32
    %mul3A_480 = vector.broadcast %mul3A_479 : f32 to vector<256x1xf32>
    %mul3A_481 = arith.mulf %convert_element_type3A_473, %mul3A_480 : vector<256x1xf32>
    %add3A_482 = arith.addf %add3A_460, %mul3A_481 : vector<256x1xf32>
    %mul3A_483 = arith.constant 1.000000e+00 : f32
    %mul3A_484 = vector.broadcast %mul3A_483 : f32 to vector<256x1xf32>
    %mul3A_485 = arith.mulf %convert_element_type3A_478, %mul3A_484 : vector<256x1xf32>
    %add3A_486 = arith.addf %add3A_464, %mul3A_485 : vector<256x1xf32>
    %mul3A_487 = arith.mulf %convert_element_type3A_473, %logistic3A_51 : vector<256x1xf32>
    %add3A_488 = arith.addf %add3A_466, %mul3A_487 : vector<256x1xf32>
    %mul3A_489 = arith.mulf %convert_element_type3A_478, %logistic3A_51 : vector<256x1xf32>
    %add3A_490 = arith.addf %add3A_468, %mul3A_489 : vector<256x1xf32>
    %eq3A_491 = arith.constant 0 : i32
    %eq3A_492 = vector.broadcast %eq3A_491 : i32 to vector<256x1xi32>
    %eq3A_493 = arith.cmpi eq, %add3A_330, %eq3A_492 : vector<256x1xi32>
    %convert_element_type3A_494 = arith.extui %eq3A_493 : vector<256x1xi1> to vector<256x1xi32>
    %convert_element_type3A_495 = arith.sitofp %convert_element_type3A_494 : vector<256x1xi32> to vector<256x1xf32>
    %eq3A_496 = arith.constant 1 : i32
    %eq3A_497 = vector.broadcast %eq3A_496 : i32 to vector<256x1xi32>
    %eq3A_498 = arith.cmpi eq, %add3A_330, %eq3A_497 : vector<256x1xi32>
    %convert_element_type3A_499 = arith.extui %eq3A_498 : vector<256x1xi1> to vector<256x1xi32>
    %convert_element_type3A_500 = arith.sitofp %convert_element_type3A_499 : vector<256x1xi32> to vector<256x1xf32>
    %mul3A_501 = arith.constant 2.000000e+00 : f32
    %mul3A_502 = vector.broadcast %mul3A_501 : f32 to vector<256x1xf32>
    %mul3A_503 = arith.mulf %convert_element_type3A_495, %mul3A_502 : vector<256x1xf32>
    %add3A_504 = arith.addf %add3A_482, %mul3A_503 : vector<256x1xf32>
    %mul3A_505 = arith.constant 2.000000e+00 : f32
    %mul3A_506 = vector.broadcast %mul3A_505 : f32 to vector<256x1xf32>
    %mul3A_507 = arith.mulf %convert_element_type3A_500, %mul3A_506 : vector<256x1xf32>
    %add3A_508 = arith.addf %add3A_486, %mul3A_507 : vector<256x1xf32>
    %mul3A_509 = arith.mulf %convert_element_type3A_495, %logistic3A_72 : vector<256x1xf32>
    %add3A_510 = arith.addf %add3A_488, %mul3A_509 : vector<256x1xf32>
    %mul3A_511 = arith.mulf %convert_element_type3A_500, %logistic3A_72 : vector<256x1xf32>
    %add3A_512 = arith.addf %add3A_490, %mul3A_511 : vector<256x1xf32>
    %eq3A_513 = arith.constant 0 : i32
    %eq3A_514 = vector.broadcast %eq3A_513 : i32 to vector<256x1xi32>
    %eq3A_515 = arith.cmpi eq, %add3A_353, %eq3A_514 : vector<256x1xi32>
    %convert_element_type3A_516 = arith.extui %eq3A_515 : vector<256x1xi1> to vector<256x1xi32>
    %convert_element_type3A_517 = arith.sitofp %convert_element_type3A_516 : vector<256x1xi32> to vector<256x1xf32>
    %eq3A_518 = arith.constant 1 : i32
    %eq3A_519 = vector.broadcast %eq3A_518 : i32 to vector<256x1xi32>
    %eq3A_520 = arith.cmpi eq, %add3A_353, %eq3A_519 : vector<256x1xi32>
    %convert_element_type3A_521 = arith.extui %eq3A_520 : vector<256x1xi1> to vector<256x1xi32>
    %convert_element_type3A_522 = arith.sitofp %convert_element_type3A_521 : vector<256x1xi32> to vector<256x1xf32>
    %mul3A_523 = arith.constant 3.000000e+00 : f32
    %mul3A_524 = vector.broadcast %mul3A_523 : f32 to vector<256x1xf32>
    %mul3A_525 = arith.mulf %convert_element_type3A_517, %mul3A_524 : vector<256x1xf32>
    %add3A_526 = arith.addf %add3A_504, %mul3A_525 : vector<256x1xf32>
    %mul3A_527 = arith.constant 3.000000e+00 : f32
    %mul3A_528 = vector.broadcast %mul3A_527 : f32 to vector<256x1xf32>
    %mul3A_529 = arith.mulf %convert_element_type3A_522, %mul3A_528 : vector<256x1xf32>
    %add3A_530 = arith.addf %add3A_508, %mul3A_529 : vector<256x1xf32>
    %mul3A_531 = arith.mulf %convert_element_type3A_517, %logistic3A_93 : vector<256x1xf32>
    %add3A_532 = arith.addf %add3A_510, %mul3A_531 : vector<256x1xf32>
    %mul3A_533 = arith.mulf %convert_element_type3A_522, %logistic3A_93 : vector<256x1xf32>
    %add3A_534 = arith.addf %add3A_512, %mul3A_533 : vector<256x1xf32>
    %eq3A_535 = arith.constant 0 : i32
    %eq3A_536 = vector.broadcast %eq3A_535 : i32 to vector<256x1xi32>
    %eq3A_537 = arith.cmpi eq, %add3A_376, %eq3A_536 : vector<256x1xi32>
    %convert_element_type3A_538 = arith.extui %eq3A_537 : vector<256x1xi1> to vector<256x1xi32>
    %convert_element_type3A_539 = arith.sitofp %convert_element_type3A_538 : vector<256x1xi32> to vector<256x1xf32>
    %eq3A_540 = arith.constant 1 : i32
    %eq3A_541 = vector.broadcast %eq3A_540 : i32 to vector<256x1xi32>
    %eq3A_542 = arith.cmpi eq, %add3A_376, %eq3A_541 : vector<256x1xi32>
    %convert_element_type3A_543 = arith.extui %eq3A_542 : vector<256x1xi1> to vector<256x1xi32>
    %convert_element_type3A_544 = arith.sitofp %convert_element_type3A_543 : vector<256x1xi32> to vector<256x1xf32>
    %mul3A_545 = arith.constant 4.000000e+00 : f32
    %mul3A_546 = vector.broadcast %mul3A_545 : f32 to vector<256x1xf32>
    %mul3A_547 = arith.mulf %convert_element_type3A_539, %mul3A_546 : vector<256x1xf32>
    %add3A_548 = arith.addf %add3A_526, %mul3A_547 : vector<256x1xf32>
    %mul3A_549 = arith.constant 4.000000e+00 : f32
    %mul3A_550 = vector.broadcast %mul3A_549 : f32 to vector<256x1xf32>
    %mul3A_551 = arith.mulf %convert_element_type3A_544, %mul3A_550 : vector<256x1xf32>
    %add3A_552 = arith.addf %add3A_530, %mul3A_551 : vector<256x1xf32>
    %mul3A_553 = arith.mulf %convert_element_type3A_539, %logistic3A_114 : vector<256x1xf32>
    %add3A_554 = arith.addf %add3A_532, %mul3A_553 : vector<256x1xf32>
    %mul3A_555 = arith.mulf %convert_element_type3A_544, %logistic3A_114 : vector<256x1xf32>
    %add3A_556 = arith.addf %add3A_534, %mul3A_555 : vector<256x1xf32>
    %eq3A_557 = arith.constant 0 : i32
    %eq3A_558 = vector.broadcast %eq3A_557 : i32 to vector<256x1xi32>
    %eq3A_559 = arith.cmpi eq, %add3A_399, %eq3A_558 : vector<256x1xi32>
    %convert_element_type3A_560 = arith.extui %eq3A_559 : vector<256x1xi1> to vector<256x1xi32>
    %convert_element_type3A_561 = arith.sitofp %convert_element_type3A_560 : vector<256x1xi32> to vector<256x1xf32>
    %eq3A_562 = arith.constant 1 : i32
    %eq3A_563 = vector.broadcast %eq3A_562 : i32 to vector<256x1xi32>
    %eq3A_564 = arith.cmpi eq, %add3A_399, %eq3A_563 : vector<256x1xi32>
    %convert_element_type3A_565 = arith.extui %eq3A_564 : vector<256x1xi1> to vector<256x1xi32>
    %convert_element_type3A_566 = arith.sitofp %convert_element_type3A_565 : vector<256x1xi32> to vector<256x1xf32>
    %mul3A_567 = arith.constant 5.000000e+00 : f32
    %mul3A_568 = vector.broadcast %mul3A_567 : f32 to vector<256x1xf32>
    %mul3A_569 = arith.mulf %convert_element_type3A_561, %mul3A_568 : vector<256x1xf32>
    %add3A_570 = arith.addf %add3A_548, %mul3A_569 : vector<256x1xf32>
    %mul3A_571 = arith.constant 5.000000e+00 : f32
    %mul3A_572 = vector.broadcast %mul3A_571 : f32 to vector<256x1xf32>
    %mul3A_573 = arith.mulf %convert_element_type3A_566, %mul3A_572 : vector<256x1xf32>
    %add3A_574 = arith.addf %add3A_552, %mul3A_573 : vector<256x1xf32>
    %mul3A_575 = arith.mulf %convert_element_type3A_561, %logistic3A_135 : vector<256x1xf32>
    %add3A_576 = arith.addf %add3A_554, %mul3A_575 : vector<256x1xf32>
    %mul3A_577 = arith.mulf %convert_element_type3A_566, %logistic3A_135 : vector<256x1xf32>
    %add3A_578 = arith.addf %add3A_556, %mul3A_577 : vector<256x1xf32>
    %eq3A_579 = arith.constant 0 : i32
    %eq3A_580 = vector.broadcast %eq3A_579 : i32 to vector<256x1xi32>
    %eq3A_581 = arith.cmpi eq, %add3A_422, %eq3A_580 : vector<256x1xi32>
    %convert_element_type3A_582 = arith.extui %eq3A_581 : vector<256x1xi1> to vector<256x1xi32>
    %convert_element_type3A_583 = arith.sitofp %convert_element_type3A_582 : vector<256x1xi32> to vector<256x1xf32>
    %eq3A_584 = arith.constant 1 : i32
    %eq3A_585 = vector.broadcast %eq3A_584 : i32 to vector<256x1xi32>
    %eq3A_586 = arith.cmpi eq, %add3A_422, %eq3A_585 : vector<256x1xi32>
    %convert_element_type3A_587 = arith.extui %eq3A_586 : vector<256x1xi1> to vector<256x1xi32>
    %convert_element_type3A_588 = arith.sitofp %convert_element_type3A_587 : vector<256x1xi32> to vector<256x1xf32>
    %mul3A_589 = arith.constant 6.000000e+00 : f32
    %mul3A_590 = vector.broadcast %mul3A_589 : f32 to vector<256x1xf32>
    %mul3A_591 = arith.mulf %convert_element_type3A_583, %mul3A_590 : vector<256x1xf32>
    %add3A_592 = arith.addf %add3A_570, %mul3A_591 : vector<256x1xf32>
    %mul3A_593 = arith.constant 6.000000e+00 : f32
    %mul3A_594 = vector.broadcast %mul3A_593 : f32 to vector<256x1xf32>
    %mul3A_595 = arith.mulf %convert_element_type3A_588, %mul3A_594 : vector<256x1xf32>
    %add3A_596 = arith.addf %add3A_574, %mul3A_595 : vector<256x1xf32>
    %mul3A_597 = arith.mulf %convert_element_type3A_583, %logistic3A_156 : vector<256x1xf32>
    %add3A_598 = arith.addf %add3A_576, %mul3A_597 : vector<256x1xf32>
    %mul3A_599 = arith.mulf %convert_element_type3A_588, %logistic3A_156 : vector<256x1xf32>
    %add3A_600 = arith.addf %add3A_578, %mul3A_599 : vector<256x1xf32>
    %eq3A_601 = arith.constant 0 : i32
    %eq3A_602 = vector.broadcast %eq3A_601 : i32 to vector<256x1xi32>
    %eq3A_603 = arith.cmpi eq, %add3A_445, %eq3A_602 : vector<256x1xi32>
    %convert_element_type3A_604 = arith.extui %eq3A_603 : vector<256x1xi1> to vector<256x1xi32>
    %convert_element_type3A_605 = arith.sitofp %convert_element_type3A_604 : vector<256x1xi32> to vector<256x1xf32>
    %eq3A_606 = arith.constant 1 : i32
    %eq3A_607 = vector.broadcast %eq3A_606 : i32 to vector<256x1xi32>
    %eq3A_608 = arith.cmpi eq, %add3A_445, %eq3A_607 : vector<256x1xi32>
    %convert_element_type3A_609 = arith.extui %eq3A_608 : vector<256x1xi1> to vector<256x1xi32>
    %convert_element_type3A_610 = arith.sitofp %convert_element_type3A_609 : vector<256x1xi32> to vector<256x1xf32>
    %mul3A_611 = arith.constant 7.000000e+00 : f32
    %mul3A_612 = vector.broadcast %mul3A_611 : f32 to vector<256x1xf32>
    %mul3A_613 = arith.mulf %convert_element_type3A_605, %mul3A_612 : vector<256x1xf32>
    %add3A_614 = arith.addf %add3A_592, %mul3A_613 : vector<256x1xf32>
    %mul3A_615 = arith.constant 7.000000e+00 : f32
    %mul3A_616 = vector.broadcast %mul3A_615 : f32 to vector<256x1xf32>
    %mul3A_617 = arith.mulf %convert_element_type3A_610, %mul3A_616 : vector<256x1xf32>
    %add3A_618 = arith.addf %add3A_596, %mul3A_617 : vector<256x1xf32>
    %mul3A_619 = arith.mulf %convert_element_type3A_605, %logistic3A_177 : vector<256x1xf32>
    %add3A_620 = arith.addf %add3A_598, %mul3A_619 : vector<256x1xf32>
    %mul3A_621 = arith.mulf %convert_element_type3A_610, %logistic3A_177 : vector<256x1xf32>
    %add3A_622 = arith.addf %add3A_600, %mul3A_621 : vector<256x1xf32>
    %add3A_623 = arith.addf %add3A_620, %add3A_622 : vector<256x1xf32>
    %add3A_624 = arith.constant 9.99999968E-21 : f32
    %add3A_625 = vector.broadcast %add3A_624 : f32 to vector<256x1xf32>
    %add3A_626 = arith.addf %add3A_623, %add3A_625 : vector<256x1xf32>
    %div3A_627 = arith.divf %add3A_620, %add3A_626 : vector<256x1xf32>
    %mul3A_628 = arith.constant 1.000000e+00 : f32
    %mul3A_629 = vector.broadcast %mul3A_628 : f32 to vector<256x1xf32>
    %mul3A_630 = arith.mulf %div3A_627, %mul3A_629 : vector<256x1xf32>
    %div3A_631 = arith.divf %add3A_622, %add3A_626 : vector<256x1xf32>
    %mul3A_632 = arith.constant 1.000000e+00 : f32
    %mul3A_633 = vector.broadcast %mul3A_632 : f32 to vector<256x1xf32>
    %mul3A_634 = arith.mulf %div3A_631, %mul3A_633 : vector<256x1xf32>
    %concatenate3A = tpu.concatenate %add3A_614, %add3A_618, %mul3A_630, %mul3A_634 in 1 : vector<256x1xf32>, vector<256x1xf32>, vector<256x1xf32>, vector<256x1xf32> -> vector<256x4xf32>
    %swap3A_635 = arith.constant 0 : index
    %swap3A_636 = arith.constant 0 : index
    %swap3A_637 = vector.load %arg6[%swap3A_635, %swap3A_636] : memref<256x4xf32, #tpu.memory_space<vmem>>, vector<256x4xf32>
    tpu.vector_store %arg6[%swap3A_635, %swap3A_636], %concatenate3A {strides = array<i32>} : memref<256x4xf32, #tpu.memory_space<vmem>>, vector<256x4xf32>,
    return
  }
  func.func @transform_0(%arg0: i32) -> (i32, i32) {
    %c0_i32 = arith.constant 0 : i32
    %c0_i32_0 = arith.constant 0 : i32
    return %arg0, %c0_i32 : i32, i32
  }
  func.func @transform_1(%arg0: i32) -> (i32, i32) {
    %c0_i32 = arith.constant 0 : i32
    %c0_i32_0 = arith.constant 0 : i32
    %c0_i32_1 = arith.constant 0 : i32
    return %c0_i32, %c0_i32_0 : i32, i32
  }
  func.func @transform_2(%arg0: i32) -> (i32, i32) {
    %c0_i32 = arith.constant 0 : i32
    %c0_i32_0 = arith.constant 0 : i32
    %c0_i32_1 = arith.constant 0 : i32
    return %c0_i32, %c0_i32_0 : i32, i32
  }
  func.func @transform_3(%arg0: i32) -> (i32, i32) {
    %c0_i32 = arith.constant 0 : i32
    %c0_i32_0 = arith.constant 0 : i32
    %c0_i32_1 = arith.constant 0 : i32
    return %c0_i32, %c0_i32_0 : i32, i32
  }
  func.func @transform_4(%arg0: i32) -> (i32, i32) {
    %c0_i32 = arith.constant 0 : i32
    %c0_i32_0 = arith.constant 0 : i32
    return %arg0, %c0_i32 : i32, i32
  }
  func.func @transform_5(%arg0: i32) -> (i32, i32) {
    %c0_i32 = arith.constant 0 : i32
    %c0_i32_0 = arith.constant 0 : i32
    return %arg0, %c0_i32 : i32, i32
  }
}

module attributes {stable_mosaic.version = 14 : i64} {
  func.func @_eact_body(%arg0: i32, %arg1: i32, %arg2: memref<24xi32, #tpu.memory_space<smem>>, %arg3: memref<256x2048xf32, #tpu.memory_space<vmem>>, %arg4: memref<1x1x512x2048xf32, #tpu.memory_space<vmem>>, %arg5: memref<1x1x512x2048xf32, #tpu.memory_space<vmem>>, %arg6: memref<256x512xf32, #tpu.memory_space<vmem>>) attributes {dimension_semantics = [#tpu.dimension_semantics<arbitrary>, #tpu.dimension_semantics<arbitrary>], iteration_bounds = array<i64: 2, 24>, scalar_prefetch = 1 : i64, scratch_operands = 0 : i64, tpu.core_type = #tpu.core_type<tc>, window_params = [{transform_indices = @transform_0, window_bounds = array<i64: 256, 2048>}, {transform_indices = @transform_1, window_bounds = array<i64: 1, 1, 512, 2048>}, {transform_indices = @transform_2, window_bounds = array<i64: 1, 1, 512, 2048>}, {transform_indices = @transform_3, window_bounds = array<i64: 256, 512>}]} {
    %get3A = arith.constant 0 : index
    %get3A_0 = arith.constant 0 : index
    %get3A_1 = vector.load %arg3[%get3A, %get3A_0] : memref<256x2048xf32, #tpu.memory_space<vmem>>, vector<256x2048xf32>
    %get3A_2 = arith.constant 0 : index
    %get3A_3 = arith.constant 0 : index
    %get3A_4 = arith.constant 0 : index
    %get3A_5 = arith.constant 0 : index
    %get3A_6 = vector.load %arg4[%get3A_2, %get3A_3, %get3A_4, %get3A_5] : memref<1x1x512x2048xf32, #tpu.memory_space<vmem>>, vector<1x1x512x2048xf32>
    %get3A_7 = vector.shape_cast %get3A_6 : vector<1x1x512x2048xf32> to vector<512x2048xf32>
    %convert_element_type3A = arith.truncf %get3A_1 : vector<256x2048xf32> to vector<256x2048xbf16>
    %convert_element_type3A_8 = arith.truncf %get3A_7 : vector<512x2048xf32> to vector<512x2048xbf16>
    %dot_general3A = arith.constant dense<0.000000e+00> : vector<256x512xf32>
    %dot_general3A_9 = tpu.matmul %convert_element_type3A, %convert_element_type3A_8, %dot_general3A {dimension_numbers = #tpu.dot_dimension_numbers<[1], [1], [0], [0], [0, 0, 1, 0], [], []>, transpose_lhs_hint = false} : vector<256x2048xbf16>, vector<512x2048xbf16>, vector<256x512xf32> -> vector<256x512xf32>
    %get3A_10 = arith.constant 0 : index
    %get3A_11 = arith.constant 0 : index
    %get3A_12 = arith.constant 0 : index
    %get3A_13 = arith.constant 0 : index
    %get3A_14 = vector.load %arg5[%get3A_10, %get3A_11, %get3A_12, %get3A_13] : memref<1x1x512x2048xf32, #tpu.memory_space<vmem>>, vector<1x1x512x2048xf32>
    %get3A_15 = vector.shape_cast %get3A_14 : vector<1x1x512x2048xf32> to vector<512x2048xf32>
    %convert_element_type3A_16 = arith.truncf %get3A_1 : vector<256x2048xf32> to vector<256x2048xbf16>
    %convert_element_type3A_17 = arith.truncf %get3A_15 : vector<512x2048xf32> to vector<512x2048xbf16>
    %dot_general3A_18 = arith.constant dense<0.000000e+00> : vector<256x512xf32>
    %dot_general3A_19 = tpu.matmul %convert_element_type3A_16, %convert_element_type3A_17, %dot_general3A_18 {dimension_numbers = #tpu.dot_dimension_numbers<[1], [1], [0], [0], [0, 0, 1, 0], [], []>, transpose_lhs_hint = false} : vector<256x2048xbf16>, vector<512x2048xbf16>, vector<256x512xf32> -> vector<256x512xf32>
    %logistic3A = arith.negf %dot_general3A_9 : vector<256x512xf32>
    %logistic3A_20 = math.exp %logistic3A : vector<256x512xf32>
    %logistic3A_21 = arith.constant 1.000000e+00 : f32
    %logistic3A_22 = vector.broadcast %logistic3A_21 : f32 to vector<256x512xf32>
    %logistic3A_23 = arith.addf %logistic3A_22, %logistic3A_20 : vector<256x512xf32>
    %logistic3A_24 = arith.divf %logistic3A_22, %logistic3A_23 : vector<256x512xf32>
    %mul3A = arith.mulf %dot_general3A_9, %logistic3A_24 : vector<256x512xf32>
    %mul3A_25 = arith.mulf %mul3A, %dot_general3A_19 : vector<256x512xf32>
    %swap3A = arith.constant 0 : index
    %swap3A_26 = arith.constant 0 : index
    %swap3A_27 = vector.load %arg6[%swap3A, %swap3A_26] : memref<256x512xf32, #tpu.memory_space<vmem>>, vector<256x512xf32>
    tpu.vector_store %arg6[%swap3A, %swap3A_26], %mul3A_25 {strides = array<i32>} : memref<256x512xf32, #tpu.memory_space<vmem>>, vector<256x512xf32>,
    return
  }
  func.func @transform_0(%arg0: i32, %arg1: i32, %arg2: memref<24xi32, #tpu.memory_space<smem>>) -> (i32, i32) {
    %c0_i32 = arith.constant 0 : i32
    %c0_i32_0 = arith.constant 0 : i32
    return %arg1, %c0_i32 : i32, i32
  }
  func.func @transform_1(%arg0: i32, %arg1: i32, %arg2: memref<24xi32, #tpu.memory_space<smem>>) -> (i32, i32, i32, i32) {
    %get3A = arith.index_cast %arg1 : i32 to index
    %get3A_0 = memref.load %arg2[%get3A] : memref<24xi32, #tpu.memory_space<smem>>
    %c0_i32 = arith.constant 0 : i32
    %c0_i32_1 = arith.constant 0 : i32
    %c0_i32_2 = arith.constant 0 : i32
    return %get3A_0, %arg0, %c0_i32, %c0_i32_1 : i32, i32, i32, i32
  }
  func.func @transform_2(%arg0: i32, %arg1: i32, %arg2: memref<24xi32, #tpu.memory_space<smem>>) -> (i32, i32, i32, i32) {
    %get3A = arith.index_cast %arg1 : i32 to index
    %get3A_0 = memref.load %arg2[%get3A] : memref<24xi32, #tpu.memory_space<smem>>
    %add3A = arith.constant 2 : i32
    %add3A_1 = arith.addi %arg0, %add3A : i32
    %c0_i32 = arith.constant 0 : i32
    %c0_i32_2 = arith.constant 0 : i32
    %c0_i32_3 = arith.constant 0 : i32
    return %get3A_0, %add3A_1, %c0_i32, %c0_i32_2 : i32, i32, i32, i32
  }
  func.func @transform_3(%arg0: i32, %arg1: i32, %arg2: memref<24xi32, #tpu.memory_space<smem>>) -> (i32, i32) {
    %c0_i32 = arith.constant 0 : i32
    return %arg1, %arg0 : i32, i32
  }
}

module attributes {stable_mosaic.version = 14 : i64} {
  func.func @_edown_body(%arg0: i32, %arg1: memref<24xi32, #tpu.memory_space<smem>>, %arg2: memref<256x1024xf32, #tpu.memory_space<vmem>>, %arg3: memref<1x2048x1024xf32, #tpu.memory_space<vmem>>, %arg4: memref<256x2048xf32, #tpu.memory_space<vmem>>) attributes {dimension_semantics = [#tpu.dimension_semantics<arbitrary>], iteration_bounds = array<i64: 24>, scalar_prefetch = 1 : i64, scratch_operands = 0 : i64, tpu.core_type = #tpu.core_type<tc>, window_params = [{transform_indices = @transform_0, window_bounds = array<i64: 256, 1024>}, {transform_indices = @transform_1, window_bounds = array<i64: 1, 2048, 1024>}, {transform_indices = @transform_2, window_bounds = array<i64: 256, 2048>}]} {
    %get3A = arith.constant 0 : index
    %get3A_0 = arith.constant 0 : index
    %get3A_1 = vector.load %arg2[%get3A, %get3A_0] : memref<256x1024xf32, #tpu.memory_space<vmem>>, vector<256x1024xf32>
    %get3A_2 = arith.constant 0 : index
    %get3A_3 = arith.constant 0 : index
    %get3A_4 = arith.constant 0 : index
    %get3A_5 = vector.load %arg3[%get3A_2, %get3A_3, %get3A_4] : memref<1x2048x1024xf32, #tpu.memory_space<vmem>>, vector<1x2048x1024xf32>
    %get3A_6 = vector.shape_cast %get3A_5 : vector<1x2048x1024xf32> to vector<2048x1024xf32>
    %convert_element_type3A = arith.truncf %get3A_1 : vector<256x1024xf32> to vector<256x1024xbf16>
    %convert_element_type3A_7 = arith.truncf %get3A_6 : vector<2048x1024xf32> to vector<2048x1024xbf16>
    %dot_general3A = arith.constant dense<0.000000e+00> : vector<256x2048xf32>
    %dot_general3A_8 = tpu.matmul %convert_element_type3A, %convert_element_type3A_7, %dot_general3A {dimension_numbers = #tpu.dot_dimension_numbers<[1], [1], [0], [0], [0, 0, 1, 0], [], []>, transpose_lhs_hint = false} : vector<256x1024xbf16>, vector<2048x1024xbf16>, vector<256x2048xf32> -> vector<256x2048xf32>
    %swap3A = arith.constant 0 : index
    %swap3A_9 = arith.constant 0 : index
    %swap3A_10 = vector.load %arg4[%swap3A, %swap3A_9] : memref<256x2048xf32, #tpu.memory_space<vmem>>, vector<256x2048xf32>
    tpu.vector_store %arg4[%swap3A, %swap3A_9], %dot_general3A_8 {strides = array<i32>} : memref<256x2048xf32, #tpu.memory_space<vmem>>, vector<256x2048xf32>,
    return
  }
  func.func @transform_0(%arg0: i32, %arg1: memref<24xi32, #tpu.memory_space<smem>>) -> (i32, i32) {
    %c0_i32 = arith.constant 0 : i32
    %c0_i32_0 = arith.constant 0 : i32
    return %arg0, %c0_i32 : i32, i32
  }
  func.func @transform_1(%arg0: i32, %arg1: memref<24xi32, #tpu.memory_space<smem>>) -> (i32, i32, i32) {
    %get3A = arith.index_cast %arg0 : i32 to index
    %get3A_0 = memref.load %arg1[%get3A] : memref<24xi32, #tpu.memory_space<smem>>
    %c0_i32 = arith.constant 0 : i32
    %c0_i32_1 = arith.constant 0 : i32
    %c0_i32_2 = arith.constant 0 : i32
    return %get3A_0, %c0_i32, %c0_i32_1 : i32, i32, i32
  }
  func.func @transform_2(%arg0: i32, %arg1: memref<24xi32, #tpu.memory_space<smem>>) -> (i32, i32) {
    %c0_i32 = arith.constant 0 : i32
    %c0_i32_0 = arith.constant 0 : i32
    return %arg0, %c0_i32 : i32, i32
  }
}

module attributes {stable_mosaic.version = 14 : i64} {
  func.func @_shact_body(%arg0: i32, %arg1: i32, %arg2: memref<256x2048xf32, #tpu.memory_space<vmem>>, %arg3: memref<512x2048xf32, #tpu.memory_space<vmem>>, %arg4: memref<512x2048xf32, #tpu.memory_space<vmem>>, %arg5: memref<256x512xf32, #tpu.memory_space<vmem>>) attributes {dimension_semantics = [#tpu.dimension_semantics<arbitrary>, #tpu.dimension_semantics<arbitrary>], iteration_bounds = array<i64: 2, 8>, scalar_prefetch = 0 : i64, scratch_operands = 0 : i64, tpu.core_type = #tpu.core_type<tc>, window_params = [{transform_indices = @transform_0, window_bounds = array<i64: 256, 2048>}, {transform_indices = @transform_1, window_bounds = array<i64: 512, 2048>}, {transform_indices = @transform_2, window_bounds = array<i64: 512, 2048>}, {transform_indices = @transform_3, window_bounds = array<i64: 256, 512>}]} {
    %get3A = arith.constant 0 : index
    %get3A_0 = arith.constant 0 : index
    %get3A_1 = vector.load %arg2[%get3A, %get3A_0] : memref<256x2048xf32, #tpu.memory_space<vmem>>, vector<256x2048xf32>
    %get3A_2 = arith.constant 0 : index
    %get3A_3 = arith.constant 0 : index
    %get3A_4 = vector.load %arg3[%get3A_2, %get3A_3] : memref<512x2048xf32, #tpu.memory_space<vmem>>, vector<512x2048xf32>
    %convert_element_type3A = arith.truncf %get3A_1 : vector<256x2048xf32> to vector<256x2048xbf16>
    %convert_element_type3A_5 = arith.truncf %get3A_4 : vector<512x2048xf32> to vector<512x2048xbf16>
    %dot_general3A = arith.constant dense<0.000000e+00> : vector<256x512xf32>
    %dot_general3A_6 = tpu.matmul %convert_element_type3A, %convert_element_type3A_5, %dot_general3A {dimension_numbers = #tpu.dot_dimension_numbers<[1], [1], [0], [0], [0, 0, 1, 0], [], []>, transpose_lhs_hint = false} : vector<256x2048xbf16>, vector<512x2048xbf16>, vector<256x512xf32> -> vector<256x512xf32>
    %get3A_7 = arith.constant 0 : index
    %get3A_8 = arith.constant 0 : index
    %get3A_9 = vector.load %arg4[%get3A_7, %get3A_8] : memref<512x2048xf32, #tpu.memory_space<vmem>>, vector<512x2048xf32>
    %convert_element_type3A_10 = arith.truncf %get3A_1 : vector<256x2048xf32> to vector<256x2048xbf16>
    %convert_element_type3A_11 = arith.truncf %get3A_9 : vector<512x2048xf32> to vector<512x2048xbf16>
    %dot_general3A_12 = arith.constant dense<0.000000e+00> : vector<256x512xf32>
    %dot_general3A_13 = tpu.matmul %convert_element_type3A_10, %convert_element_type3A_11, %dot_general3A_12 {dimension_numbers = #tpu.dot_dimension_numbers<[1], [1], [0], [0], [0, 0, 1, 0], [], []>, transpose_lhs_hint = false} : vector<256x2048xbf16>, vector<512x2048xbf16>, vector<256x512xf32> -> vector<256x512xf32>
    %logistic3A = arith.negf %dot_general3A_6 : vector<256x512xf32>
    %logistic3A_14 = math.exp %logistic3A : vector<256x512xf32>
    %logistic3A_15 = arith.constant 1.000000e+00 : f32
    %logistic3A_16 = vector.broadcast %logistic3A_15 : f32 to vector<256x512xf32>
    %logistic3A_17 = arith.addf %logistic3A_16, %logistic3A_14 : vector<256x512xf32>
    %logistic3A_18 = arith.divf %logistic3A_16, %logistic3A_17 : vector<256x512xf32>
    %mul3A = arith.mulf %dot_general3A_6, %logistic3A_18 : vector<256x512xf32>
    %mul3A_19 = arith.mulf %mul3A, %dot_general3A_13 : vector<256x512xf32>
    %swap3A = arith.constant 0 : index
    %swap3A_20 = arith.constant 0 : index
    %swap3A_21 = vector.load %arg5[%swap3A, %swap3A_20] : memref<256x512xf32, #tpu.memory_space<vmem>>, vector<256x512xf32>
    tpu.vector_store %arg5[%swap3A, %swap3A_20], %mul3A_19 {strides = array<i32>} : memref<256x512xf32, #tpu.memory_space<vmem>>, vector<256x512xf32>,
    return
  }
  func.func @transform_0(%arg0: i32, %arg1: i32) -> (i32, i32) {
    %c0_i32 = arith.constant 0 : i32
    %c0_i32_0 = arith.constant 0 : i32
    return %arg1, %c0_i32 : i32, i32
  }
  func.func @transform_1(%arg0: i32, %arg1: i32) -> (i32, i32) {
    %c0_i32 = arith.constant 0 : i32
    %c0_i32_0 = arith.constant 0 : i32
    return %arg0, %c0_i32 : i32, i32
  }
  func.func @transform_2(%arg0: i32, %arg1: i32) -> (i32, i32) {
    %add3A = arith.constant 2 : i32
    %add3A_0 = arith.addi %arg0, %add3A : i32
    %c0_i32 = arith.constant 0 : i32
    %c0_i32_1 = arith.constant 0 : i32
    return %add3A_0, %c0_i32 : i32, i32
  }
  func.func @transform_3(%arg0: i32, %arg1: i32) -> (i32, i32) {
    %c0_i32 = arith.constant 0 : i32
    return %arg1, %arg0 : i32, i32
  }
}

module attributes {stable_mosaic.version = 14 : i64} {
  func.func @_comb_body(%arg0: i32, %arg1: memref<256x2048xf32, #tpu.memory_space<vmem>>, %arg2: memref<256x1024xf32, #tpu.memory_space<vmem>>, %arg3: memref<2048x1024xf32, #tpu.memory_space<vmem>>, %arg4: memref<256x4xf32, #tpu.memory_space<vmem>>, %arg5: memref<256x2048xf32, #tpu.memory_space<vmem>>, %arg6: memref<256x2048xf32, #tpu.memory_space<vmem>>, %arg7: memref<256x2048xf32, #tpu.memory_space<vmem>>) attributes {dimension_semantics = [#tpu.dimension_semantics<arbitrary>], iteration_bounds = array<i64: 8>, scalar_prefetch = 0 : i64, scratch_operands = 0 : i64, tpu.core_type = #tpu.core_type<tc>, window_params = [{transform_indices = @transform_0, window_bounds = array<i64: 256, 2048>}, {transform_indices = @transform_1, window_bounds = array<i64: 256, 1024>}, {pipeline_mode = #tpu.pipeline_mode<synchronous>, transform_indices = @transform_2, window_bounds = array<i64: 2048, 1024>}, {transform_indices = @transform_3, window_bounds = array<i64: 256, 4>}, {transform_indices = @transform_4, window_bounds = array<i64: 256, 2048>}, {transform_indices = @transform_5, window_bounds = array<i64: 256, 2048>}, {transform_indices = @transform_6, window_bounds = array<i64: 256, 2048>}]} {
    %get3A = arith.constant 0 : index
    %get3A_0 = arith.constant 0 : index
    %get3A_1 = vector.load %arg2[%get3A, %get3A_0] : memref<256x1024xf32, #tpu.memory_space<vmem>>, vector<256x1024xf32>
    %get3A_2 = arith.constant 0 : index
    %get3A_3 = arith.constant 0 : index
    %get3A_4 = vector.load %arg3[%get3A_2, %get3A_3] : memref<2048x1024xf32, #tpu.memory_space<vmem>>, vector<2048x1024xf32>
    %convert_element_type3A = arith.truncf %get3A_1 : vector<256x1024xf32> to vector<256x1024xbf16>
    %convert_element_type3A_5 = arith.truncf %get3A_4 : vector<2048x1024xf32> to vector<2048x1024xbf16>
    %dot_general3A = arith.constant dense<0.000000e+00> : vector<256x2048xf32>
    %dot_general3A_6 = tpu.matmul %convert_element_type3A, %convert_element_type3A_5, %dot_general3A {dimension_numbers = #tpu.dot_dimension_numbers<[1], [1], [0], [0], [0, 0, 1, 0], [], []>, transpose_lhs_hint = false} : vector<256x1024xbf16>, vector<2048x1024xbf16>, vector<256x2048xf32> -> vector<256x2048xf32>
    %get3A_7 = arith.constant 0 : index
    %get3A_8 = arith.constant 2 : index
    %get3A_9 = vector.load %arg4[%get3A_7, %get3A_8] : memref<256x4xf32, #tpu.memory_space<vmem>>, vector<256x1xf32>
    %get3A_10 = arith.constant 0 : index
    %get3A_11 = arith.constant 3 : index
    %get3A_12 = vector.load %arg4[%get3A_10, %get3A_11] : memref<256x4xf32, #tpu.memory_space<vmem>>, vector<256x1xf32>
    %get3A_13 = arith.constant 0 : index
    %get3A_14 = arith.constant 0 : index
    %get3A_15 = vector.load %arg1[%get3A_13, %get3A_14] : memref<256x2048xf32, #tpu.memory_space<vmem>>, vector<256x2048xf32>
    %add3A = arith.addf %get3A_15, %dot_general3A_6 : vector<256x2048xf32>
    %get3A_16 = arith.constant 0 : index
    %get3A_17 = arith.constant 0 : index
    %get3A_18 = vector.load %arg5[%get3A_16, %get3A_17] : memref<256x2048xf32, #tpu.memory_space<vmem>>, vector<256x2048xf32>
    %mul3A = vector.broadcast %get3A_9 : vector<256x1xf32> to vector<256x2048xf32>
    %mul3A_19 = arith.mulf %mul3A, %get3A_18 : vector<256x2048xf32>
    %add3A_20 = arith.addf %add3A, %mul3A_19 : vector<256x2048xf32>
    %get3A_21 = arith.constant 0 : index
    %get3A_22 = arith.constant 0 : index
    %get3A_23 = vector.load %arg6[%get3A_21, %get3A_22] : memref<256x2048xf32, #tpu.memory_space<vmem>>, vector<256x2048xf32>
    %mul3A_24 = vector.broadcast %get3A_12 : vector<256x1xf32> to vector<256x2048xf32>
    %mul3A_25 = arith.mulf %mul3A_24, %get3A_23 : vector<256x2048xf32>
    %add3A_26 = arith.addf %add3A_20, %mul3A_25 : vector<256x2048xf32>
    %swap3A = arith.constant 0 : index
    %swap3A_27 = arith.constant 0 : index
    %swap3A_28 = vector.load %arg7[%swap3A, %swap3A_27] : memref<256x2048xf32, #tpu.memory_space<vmem>>, vector<256x2048xf32>
    tpu.vector_store %arg7[%swap3A, %swap3A_27], %add3A_26 {strides = array<i32>} : memref<256x2048xf32, #tpu.memory_space<vmem>>, vector<256x2048xf32>,
    return
  }
  func.func @transform_0(%arg0: i32) -> (i32, i32) {
    %c0_i32 = arith.constant 0 : i32
    %c0_i32_0 = arith.constant 0 : i32
    return %arg0, %c0_i32 : i32, i32
  }
  func.func @transform_1(%arg0: i32) -> (i32, i32) {
    %c0_i32 = arith.constant 0 : i32
    %c0_i32_0 = arith.constant 0 : i32
    return %arg0, %c0_i32 : i32, i32
  }
  func.func @transform_2(%arg0: i32) -> (i32, i32) {
    %c0_i32 = arith.constant 0 : i32
    %c0_i32_0 = arith.constant 0 : i32
    %c0_i32_1 = arith.constant 0 : i32
    return %c0_i32, %c0_i32_0 : i32, i32
  }
  func.func @transform_3(%arg0: i32) -> (i32, i32) {
    %c0_i32 = arith.constant 0 : i32
    %c0_i32_0 = arith.constant 0 : i32
    return %arg0, %c0_i32 : i32, i32
  }
  func.func @transform_4(%arg0: i32) -> (i32, i32) {
    %c0_i32 = arith.constant 0 : i32
    %c0_i32_0 = arith.constant 0 : i32
    return %arg0, %c0_i32 : i32, i32
  }
  func.func @transform_5(%arg0: i32) -> (i32, i32) {
    %add3A = arith.constant 8 : i32
    %add3A_0 = arith.addi %arg0, %add3A : i32
    %c0_i32 = arith.constant 0 : i32
    %c0_i32_1 = arith.constant 0 : i32
    return %add3A_0, %c0_i32 : i32, i32
  }
  func.func @transform_6(%arg0: i32) -> (i32, i32) {
    %c0_i32 = arith.constant 0 : i32
    %c0_i32_0 = arith.constant 0 : i32
    return %arg0, %c0_i32 : i32, i32
  }
}

</mosaic_0001>

<sc_bundles>
// kernel: gather_offload_async_start
scs
__scs_entry_jumppad:
0x0: {  	(pc) =	sbr.rel $0x88, $3  }
0x1: {  	(tag) =	ssettag $0x0;
	lr =	simm.s32 $0x1  }
0x2: {  	[smem:$0x3F93] =	sst lr;
	_ =	strace $0xD0000000  }
0x3: {  	_ = 	snop  }
0x4: {  	_ = 	snop  }
0x5: {  	_ = 	snop  }
0x6: {  	_ = 	snop  }
0x7: {  	_ = 	snop  }
__scs_overlays_trampoline_lowered:
0x8: {  	[smem:$0x3FA2] =	sst s0  }
0x9: {  	[smem:$0x3FA3] =	sst s1  }
0xa: {  	[smem:$0x3FA4] =	sst s2  }
0xb: {  	[smem:$0x3FA5] =	sst s3  }
0xc: {  	[smem:$0x3FA6] =	sst s4  }
0xd: {  	[smem:$0x3FA7] =	sst s5  }
0xe: {  	[smem:$0x3FA8] =	sst s6  }
0xf: {  	[smem:$0x3FA9] =	sst s7  }
0x10: {  	[smem:$0x3FAA] =	sst s8  }
0x11: {  	[smem:$0x3FAB] =	sst s9;
	s0 =	simm.s32 @!p0 $0x0  }
0x12: {  	s1 =	sld [smem:$0x3F91];
	s0 =	simm.s32 @p0 $0x1  }
0x13: {  	[smem:$0x3FAC] =	sst s0;
	s0 =	simm.s32 @!p1 $0x0  }
0x14: {  	s2 =	sld [smem:$0x3F90];
	s0 =	simm.s32 @p1 $0x1  }
0x15: {  	[smem:$0x3FAD] =	sst s0;
	s0 =	simm.s32 @!p2 $0x0  }
0x16: {  	s3 =	sld [smem:$0x3FDB];
	s0 =	simm.s32 @p2 $0x1  }
0x17: {  	s4 =	simm.s32 $0x1BF5;
	[smem:$0x3FAF] =	sst s0  }
0x18: {  	s0 =	sld [smem:$0x3F92];
	_ =	swait.ge [sflag:s4], $0x0  }
0x19: {  	s7 =	sld [smem:$0x3F93]  }
0x1a: {  	s8 =	sadd.s32 $0xFFFFE003, lr  }
0x1b: {  	s9 =	sadd.s32 $0xFFFFFEF7, lr;
	s5 =	simm.s32 $0xFFFFFFFF;
	p2 =	slt.u32 s8, $0xFFFFF086  }
0x1c: {  	p1 =	slt.u32 s9, $0xF7A;
	s5 =	simm.s32 @!p2 $0x0  }
0x1d: {  	s5 =	simm.s32 @p1 $0x1;
	p0 =	seq.s32 s7, s2  }
0x1e: {  	s7 =	smul.u32 @!p0 $0xF7A, s2;
	p2 =	seq.s32 @!p0 s5, $0x0  }
0x1f: {  	s9 =	smul.u32 $0xF7A, s1;
	s8 =	simm.s32 @!p0 $0x1BF5;
	p2 =	por !p2, p0  }
0x20: {  	[sflag:s8] =	ssyncset.s32 @!p0 $0xFFFFF086;
	s6 =	sadd.s32 @!p0 s3, s7;
	s7 =	simm.s32 @!p0 $0x108  }
0x21: {  	s3 =	sadd.s32 s3, s9;
	s6 =	sadd.s32 @!p0 $0x88, s6;
	s7 =	simm.s32 @p2 $0x1082  }
0x22: {  	[simem:s7], [sflag:s8] =	dma.local @!p0 [hbm:s6], $0xF7A  }
0x23: {  	s9 =	sor.u32 $0xD0000000, s2;
	s6 =	simm.s32 $0x108;
	_ =	swait.ge @!p0 [sflag:s8], $0x0  }
0x24: {  	s3 =	sadd.s32 $0x88, s3;
	s6 =	simm.s32 @!p1 $0x1082;
	[sflag:s4] =	ssyncset.s32 $0xFFFFF086  }
0x25: {  	[simem:s6], [sflag:s4] =	dma.local [hbm:s3], $0xF7A  }
0x26: {  	[smem:$0x3F93] =	sst s1;
	(tag) =	ssettag s2;
	_ =	strace s9  }
0x27: {  	s1 =	sld [smem:$0x3FA3]  }
0x28: {  	s2 =	sld [smem:$0x3FA4]  }
0x29: {  	s4 =	sld [smem:$0x3FA6]  }
0x2a: {  	p0 =	seq.s32 s5, $0x0;
	s5 =	sld [smem:$0x3FA7]  }
0x2b: {  	s6 =	sld [smem:$0x3FA8]  }
0x2c: {  	s7 =	sld [smem:$0x3FA9]  }
0x2d: {  	s3 =	simm.s32 $0x108;
	s8 =	sld [smem:$0x3FAA]  }
0x2e: {  	s3 =	simm.s32 @!p0 $0x1082;
	s9 =	sld [smem:$0x3FAB]  }
0x2f: {  	lr =	sadd.s32 s0, s3;
	s0 =	sld [smem:$0x3FA2]  }
0x30: {  	s3 =	sld [smem:$0x3FA5]  }
0x31: {  	[smem:$0x3FAE] =	sst s10  }
0x32: {  	s10 =	sld [smem:$0x3FAC];
	_ =	sdelay $0x3  }
0x33: {  	p0 =	seq.s32 s10, $0x1;
	s10 =	sld [smem:$0x3FAE];
	_ =	sdelay $0x3  }
0x34: {  	[smem:$0x3FAE] =	sst s10  }
0x35: {  	s10 =	sld [smem:$0x3FAD];
	_ =	sdelay $0x3  }
0x36: {  	p1 =	seq.s32 s10, $0x1;
	s10 =	sld [smem:$0x3FAE];
	_ =	sdelay $0x3  }
0x37: {  	[smem:$0x3FAE] =	sst s10  }
0x38: {  	s10 =	sld [smem:$0x3FAF]  }
0x39: {  	_ = 	snop;
	(pc) =	sbr.ind lr, $3  }
0x3a: {  	_ = 	snop  }
0x3b: {  	_ = 	snop  }
0x3c: {  	p2 =	seq.s32 s10, $0x1;
	s10 =	sld [smem:$0x3FAE]  }
0x3d: {  	_ =	shalt  }
0x3e: {  	_ =	shalt  }
0x3f: {  	_ =	shalt  }
0x40: {  	_ =	shalt  }
0x41: {  	_ =	shalt  }
0x42: {  	_ =	shalt  }
0x43: {  	_ =	shalt  }
0x44: {  	_ =	shalt  }
0x45: {  	_ =	shalt  }
0x46: {  	_ =	shalt  }
0x47: {  	_ =	shalt  }
0x48: {  	_ =	shalt  }
0x49: {  	_ =	shalt  }
0x4a: {  	_ =	shalt  }
0x4b: {  	_ =	shalt  }
0x4c: {  	_ =	shalt  }
0x4d: {  	_ =	shalt  }
0x4e: {  	_ =	shalt  }
0x4f: {  	_ =	shalt  }
0x50: {  	_ =	shalt  }
0x51: {  	_ =	shalt  }
0x52: {  	_ =	shalt  }
0x53: {  	_ =	shalt  }
0x54: {  	_ =	shalt  }
0x55: {  	_ =	shalt  }
0x56: {  	_ =	shalt  }
0x57: {  	_ =	shalt  }
0x58: {  	_ =	shalt  }
0x59: {  	_ =	shalt  }
0x5a: {  	_ =	shalt  }
0x5b: {  	_ =	shalt  }
0x5c: {  	_ =	shalt  }
0x5d: {  	_ =	shalt  }
0x5e: {  	_ =	shalt  }
0x5f: {  	_ =	shalt  }
0x60: {  	_ =	shalt  }
0x61: {  	_ =	shalt  }
0x62: {  	_ =	shalt  }
0x63: {  	_ =	shalt  }
0x64: {  	_ =	shalt  }
0x65: {  	_ =	shalt  }
0x66: {  	_ =	shalt  }
0x67: {  	_ =	shalt  }
0x68: {  	_ =	shalt  }
0x69: {  	_ =	shalt  }
0x6a: {  	_ =	shalt  }
0x6b: {  	_ =	shalt  }
0x6c: {  	_ =	shalt  }
0x6d: {  	_ =	shalt  }
0x6e: {  	_ =	shalt  }
0x6f: {  	_ =	shalt  }
0x70: {  	_ =	shalt  }
0x71: {  	_ =	shalt  }
0x72: {  	_ =	shalt  }
0x73: {  	_ =	shalt  }
0x74: {  	_ =	shalt  }
0x75: {  	_ =	shalt  }
0x76: {  	_ =	shalt  }
0x77: {  	_ =	shalt  }
0x78: {  	_ =	shalt  }
0x79: {  	_ =	shalt  }
0x7a: {  	_ =	shalt  }
0x7b: {  	_ =	shalt  }
0x7c: {  	_ =	shalt  }
0x7d: {  	_ =	shalt  }
0x7e: {  	_ =	shalt  }
0x7f: {  	_ =	shalt  }
0x80: {  	_ =	shalt  }
0x81: {  	_ =	shalt  }
0x82: {  	_ =	shalt  }
0x83: {  	_ =	shalt  }
0x84: {  	_ =	shalt  }
0x85: {  	_ =	shalt  }
0x86: {  	_ =	shalt  }
0x87: {  	_ =	shalt  }
.Lfunc_end0:
.L_simem_size_0:
called_computation_lowered:
.L_overlay_start_0:
0x88: {  	s2 =	sld [smem:$0x3FD9]  }
0x89: {  	s3 =	sld [smem:$0x3FFE];
	_ =	sdelay $0x1  }
0x8a: {  	s1 =	srdreg.scid  }
0x8b: {  	s0 =	sand.u32 $0x1, s1  }
0x8c: {  	s16 =	sshll.u32 s0, $0xA;
	s2 =	sadd.s32 s3, s2  }
0x8d: {  	s2 =	sadd.s32 s2, s16  }
0x8e: {  	[smem:$0x3FBA] =	sst s2  }
0x8f: {  	_ = 	snop  }
0x90: {  	(tm) =	ssettm $0x1  }
0x91: {  	s17 =	sld [smem:$0x3FFB];
	_ =	sdelay $0x3  }
0x92: {  	_ =	strace s17  }
0x93: {  	s2 =	sld [smem:$0x3FFC];
	_ =	sdelay $0x3  }
0x94: {  	_ =	strace s2  }
0x95: {  	s2 =	sld [smem:$0x3FFD];
	_ =	sdelay $0x3  }
0x96: {  	_ =	strace s2  }
0x97: {  	_ =	strace $0x8FFFFFFF  }
0x98: {  	s18 =	sld [smem:$0x3FDB];
	_ =	sdelay $0x1  }
0x99: {  	s19 =	simm.s32 $_scs_section_size  }
0x9a: {  	s4 =	simm.s32 $_size__tile_overlayer_lowered;
	s5 =	simm.s32 $_tile_overlayer_lowered  }
0x9b: {  	s22 =	simm.s32 $0x1BFF;
	s21 =	sshll.u32 s5, $0x1;
	s2 =	sadd.s32 s19, s18  }
0x9c: {  	s6 =	simm.s32 $0x0;
	s20 =	sshll.u32 s4, $0x1;
	s4 =	sadd.s32 s21, s2  }
0x9d: {  	[timem:s6], [sflag:s22] =	dma.local [hbm:s4], s20  }
0x9e: {  	_ =	swait.ge [sflag:s22], s20  }
0x9f: {  	s3 =	ssub.s32 $0x0, s20;
	[sflag:s22] =	ssyncset.done $0x0  }
0xa0: {  	[sflag:s22] =	ssyncadd.s32 s3;
	_ =	sdelay $0x1  }
0xa1: {  	s23 =	simm.s32 $0x1B8B  }
0xa2: {  	_ =	swait.ge [sflag:s23], $0x1  }
0xa3: {  	[sflag:s23] =	ssyncset.done $0x0  }
0xa4: {  	s25 =	simm.s32 $0x1B8E;
	s24 =	sld [smem:$0x3FFE];
	[sflag:s23] =	ssyncadd.s32 $0xFFFFFFFF  }
0xa5: {  	s26 =	simm.s32 $execute0_lowered;
	[smem:$0x3FD2] =	sst s25  }
0xa6: {  	s4 =	sshll.u32 s26, $0x1;
	_ =	strace $0x80000046;
	[dreg:$0x1] =	wrdreg $0xFFFFFFFF  }
0xa7: {  	s28 =	simm.s32 $_size_execute0_lowered;
	s2 =	sadd.s32 s2, s4;
	[dreg:$0x0] =	wrdreg $0x0  }
0xa8: {  	s4 =	sshll.u32 s28, $0x1;
	[dreg:$0x2] =	wrdreg s2  }
0xa9: {  	[dreg:$0x3] =	wrdreg s4  }
0xaa: {  	[dreg:$0x4] =	wrdreg $0xC0  }
0xab: {  	_ =	task [dreg:s6], $0x5FFFF  }
0xac: {  	[dreg:$0x1] =	wrdreg $0xFFFFFFFF  }
0xad: {  	[dreg:$0x0] =	wrdreg $0x60  }
0xae: {  	[dreg:$0x2] =	wrdreg s24  }
0xaf: {  	[dreg:$0x3] =	wrdreg $0x9  }
0xb0: {  	_ =	task.clear_ibuf [dreg:s6], $0x4FFFF;
	_ =	strace $0x90000046  }
0xb1: {  	s29 =	simm.s32 $0x9;
	_ =	strace $0x80000048  }
0xb2: {  	_ =	swait.ge [sflag:s29], $0x1  }
0xb3: {  	[sflag:s29] =	ssyncadd.s32 $0xFFFFFFFF  }
0xb4: {  	_ =	strace $0x90000048  }
0xb5: {  	_ =	sfence  }
0xb6: {  	s30 =	sld [smem:$0x0];
	_ =	sdelay $0x2  }
0xb7: {  	s31 =	sshll.u32 s1, $0xD;
	s1 =	sshrl.u32 s1, $0x2  }
0xb8: {  	s3 =	sand.u32 $0x4000, s31;
	s1 =	sadd.s32 s1, s30  }
0xb9: {  	s0 =	sor.u32 s3, s0;
	s1 =	sshll.u32 s1, $0x11  }
0xba: {  	s0 =	sor.u32 s1, s0  }
0xbb: {  	s0 =	sadd.s32 $0x8F2B, s0  }
0xbc: {  	[sflag:s0] =	ssyncadd.remote.s32 $0x1  }
0xbd: {  	_ =	sfence.sel $0xFFFF  }
0xbe: {  	[dreg:$0x0] =	wrdreg $0xFFFFFFFF;
	(pc) =	sbr.abs _section_cstart, $3  }
0xbf: {  	[dreg:$0x1] =	wrdreg $0xFFFFFFFF  }
0xc0: {  	_ =	task.clear_ibuf [dreg:s6], $0x2FFFF;
	_ =	strace $0x9FFFFFFF  }
0xc1: {  	(tm) =	ssettm $0x7FFFFFFF  }
tec
execute0_lowered:
.L_overlay_start_1:
0x0: {  	(tag) =	ssettag $0x1  }
0x1: {  	s0 =	srdreg.scid;
	s5 =	rddreg [dreg:$0x0]  }
0x2: {  	s1 =	stileid.u32;
	s6 =	simm.s32 $0x1;
	s9 =	simm.s32 $0x1  }
0x3: {  	s10 =	simm.s32 $0x3;
	s13 =	simm.s32 $0x0;
	s2 =	sshll.u32 s0, $0x6  }
0x4: {  	s12 =	simm.s32 $0x0;
	s3 =	sshll.u32 s1, $0x7;
	s2 =	sand.u32 $0x40, s2  }
0x5: {  	s0 =	rddreg [dreg:$0x1];
	_ =	strace $0x80000047;
	s2 =	sor.u32 s3, s2  }
0x6: {  	s4 =	sadd.s32 $0x108A00, s5;
	[sflag:s6] =	ssyncpa.u1 $0x0;
	s8 =	ssub.s32 $0x1000, s2  }
.Ltmp0:
0x7: {  	s3 =	sadd.s32 $0x88800, s5;
	s7 =	sand.u32 $0x7C0, s8;
	(pc) =	sbr.rel .LBB2_1-.Ltmp0, $4  }
0x8: {  	s5 =	sadd.s32 $0x108C00, s5;
	s11 =	smov.u32 s2;
	p0 =	sne.s32 s7, $0x0  }
0x9: {  	s8 =	sshrl.u32 s8, $0xB;
	s7 =	simm.s32 $0x2;
	s9 =	simm.s32 @!p0 $0x0  }
0xa: {  	[sflag:s7] =	ssyncpa.u1 $0x0;
	p0 =	por $0x0, $0x0;
	s8 =	sadd.s32 s9, s8  }
0xb: {  	vm0 =	vmmov $0xffff;
	[sflag:s10] =	ssyncpa.u1 $0x0;
	s10 =	simm.s32 $0x0;
	s9 =	sadd.s32 $0x1, s8  }
.LBB2_4:
0xc: {  	v2 =	vnsel vm1, $0x0, v2  }
0xd: {  	vm1 =	vgt.s32 v0, $0x0;
	v2 =	vmin.u32 v2, $0xFFF  }
0xe: {  	v0 =	vnsel vm1, $0x0, v0  }
0xf: {  	v0 =	vmin.u32 v0, $0xFFF  }
0x10: {  	[tilespmem:s15], [sflag:$0x1] =	stream.indirect_vreg.gather [hbm4b:s3+s10], $0x1, v1, vm0, $0x4038;
	[tilespmem:$0x100] =	vst v63  }
0x11: {  	(ifvalue) =	ssetifvalue $0x7FFFFFFF  }
0x12: {  	[tilespmem:s16], [sflag:$0x1] =	stream.indirect_vreg.gather [hbm4b:s3+s10], $0x1, v2, vm0, $0x4038;
	[tilespmem:$0x100] =	vst v63  }
0x13: {  	s29 =	sadd.s32 $0x10, s16;
	(ifvalue) =	ssetifvalue $0x7FFFFFFF  }
0x14: {  	[tilespmem:s29], [sflag:$0x1] =	stream.indirect_vreg.gather [hbm4b:s3+s10], $0x1, v0, vm0, $0x4038;
	[tilespmem:$0x100] =	vst v63  }
0x15: {  	_ =	swait.ge [sflag:s6], $0x40  }
0x16: {  	s30 =	sshrl.u32 s13, $0x3;
	[sflag:s6] =	ssyncset.done $0x0  }
0x17: {  	s31 =	sand.u32 $0x7, s13;
	s15 =	sadd.s32 s5, s30;
	[sflag:s6] =	ssyncadd.s32 $0xFFFFFFC0  }
0x18: {  	[hbm4b:s15+s31] =	stream.linear.scatter [tilespmem:s14], [sflag:$0x3], $0x40, $0x38;
	[tilespmem:$0x100] =	vst v63  }
.LBB2_5:
0x19: {  	s15 =	sadd.s32 $0x800, s11  }
0x1a: {  	p2 =	sgt.s32 s15, $0xFFF  }
0x1b: {  	s15 =	smov.u32 @p2 s2;
	p2 =	sne.s32 s12, s9  }
.Ltmp1:
0x1c: {  	p1 =	slt.u32 s12, $0x2;
	(pc) =	sbr.rel @!p2 .LBB2_6-.Ltmp1, $4  }
0x1d: {  	s14 =	simm.s32 @!p1 $0x3  }
0x1e: {  	s16 =	sadd.s32 $0x1, s12;
	_ =	swait.ge @!p1 [sflag:s14], $0x40  }
0x1f: {  	s13 =	smov.u32 s11;
	p0 =	por !p0, !p0;
	[sflag:s14] =	ssyncset.done @!p1 $0x0  }
0x20: {  	s12 =	smov.u32 s16;
	s11 =	smov.u32 s15;
	[sflag:s14] =	ssyncadd.s32 @!p1 $0xFFFFFFC0  }
.LBB2_1:
0x21: {  	p1 =	sge.u32 s12, s8  }
0x22: {  	s14 =	sxor.u32 @!p1 $0xFFFFFFFF, s12  }
0x23: {  	s31 =	sadd.s32 $0xFFFFFFFF, s12;
	s15 =	sshrl.u32 @!p1 s11, $0x3;
	s14 =	sshll.u32 @!p1 s14, $0x6  }
0x24: {  	s16 =	sand.u32 @!p1 $0x7, s11;
	s15 =	sadd.s32 @!p1 s4, s15;
	s14 =	sand.u32 @!p1 $0x40, s14  }
0x25: {  	[tilespmem:s14], [sflag:$0x2] =	stream.linear.gather @!p1 [hbm4b:s15+s16], $0x40, $0x38;
	[tilespmem:$0x100] =	vst v63  }
0x26: {  	p1 =	sge.u32 s31, s8  }
.Ltmp2:
0x27: {  	_ = 	snop;
	(pc) =	sbr.rel @p1 .LBB2_5-.Ltmp2, $1  }
0x28: {  	_ =	sdelay $0x3  }
0x29: {  	s14 =	simm.s32 $0x1  }
0x2a: {  	_ =	swait.ge [sflag:s7], $0x40;
	s14 =	simm.s32 @!p0 $0x0  }
0x2b: {  	[sflag:s7] =	ssyncset.done $0x0;
	s14 =	sshll.u32 s14, $0x6  }
0x2c: {  	[sflag:s7] =	ssyncadd.s32 $0xFFFFFFC0;
	(ifvalue) =	ssetifvalue $0x7FFFFFFF;
	v0 =	vld.msk [tilespmem:s14+$0x0 ss:$0x1], $0xffff;
	_ =	sdelay $0x4  }
0x2d: {  	s15 =	sadd.s32 $0x10, s14;
	vm1 =	vgt.s32 v0, $0x0  }
0x2e: {  	v2 =	vld.msk [tilespmem:s15+$0x0 ss:$0x1], $0xffff;
	v1 =	vnsel vm1, $0x0, v0  }
0x2f: {  	v1 =	vmin.u32 v1, $0xFFF;
	_ =	sdelay $0x1  }
0x30: {  	s16 =	sshll.u32 s12, $0x6;
	s18 =	simm.s32 $0x20  }
0x31: {  	s16 =	sand.u32 $0x40, s16;
	s17 =	sadd.s32 $0x10, s15;
	s15 =	sor.u32 $0x80, s14  }
0x32: {  	s14 =	sor.u32 $0x80, s16;
	s16 =	sadd.s32 $0x10, s15;
	v0 =	vld.msk [tilespmem:s17+$0x0 ss:$0x1], $0xffff;
	vm1 =	vgt.s32 v2, $0x0;
	(ifvalue) =	ssetifvalue $0x7FFFFFFF  }
.LBB2_3:
0x33: {  	[tilespmem:s15], [sflag:$0x1] =	stream.indirect_vreg.gather [hbm4b:s3+s10], $0x1, v1, vm0, $0x4038;
	[tilespmem:$0x100] =	vst v63  }
0x34: {  	s18 =	sadd.s32 $0x10, s18  }
0x35: {  	v2 =	vnsel vm1, $0x0, v2;
	p1 =	slt.u32 s18, $0x30  }
.Ltmp3:
0x36: {  	s15 =	smov.u32 s16;
	v1 =	vmin.u32 v2, $0xFFF;
	(pc) =	sbr.rel @p1 .LBB2_3-.Ltmp3, $3  }
0x37: {  	_ =	sdelay $0x1  }
0x38: {  	s17 =	sadd.s32 $0x10, s17  }
0x39: {  	vm1 =	vgt.s32 v0, $0x0;
	s16 =	sadd.s32 $0x10, s16;
	v2 =	vmov v0;
	(ifvalue) =	ssetifvalue $0x7FFFFFFF;
	v0 =	vld.msk [tilespmem:s17+$0x0 ss:$0x1], $0xffff  }
.Ltmp4:
0x3a: {  	_ = 	snop;
	(pc) =	sbr.rel .LBB2_4-.Ltmp4, $1  }
0x3b: {  	_ =	sdelay $0x3  }
.LBB2_6:
0x3c: {  	_ =	sfence.sel $0x180000  }
0x3d: {  	s2 =	simm.s32 $0x2;
	[bflag:$0x0] =	sbarrier.arrive $0xFFFF  }
0x3e: {  	s30 =	simm.s32 $0x3;
	[sflag:s2] =	ssyncpa.u1 $0x1  }
0x3f: {  	s31 =	simm.s32 $0x1;
	[sflag:s30] =	ssyncpa.u1 $0x1  }
0x40: {  	[sflag:s31] =	ssyncpa.u1 $0x1  }
0x41: {  	p0 =	sne.s32 s1, $0x0;
	_ =	strace $0x90000047  }
0x42: {  	s0 =	sadd.s32 @!p0 $0x100000, s0;
	[bflag:$0x2] =	sbarrier.arrive $0xFFFF  }
0x43: {  	[sflag:s0] =	ssyncadd.tile.s32 @!p0 $0x1;
	_ =	shalt  }
.Lfunc_end2:
_tile_overlayer_lowered:
.L_overlay_start_2:
0x44: {  	(tag) =	ssettag $0x2  }
0x45: {  	s0 =	rddreg [dreg:$0x0];
	s2 =	stileid.u32  }
0x46: {  	s1 =	rddreg [dreg:$0x1];
	p0 =	sne.s32 s2, $0x0  }
0x47: {  	s3 =	rddreg [dreg:$0x2];
	[bflag:$0x3] =	sbarrier.arrive $0xFFFF;
	s2 =	simm.s32 @!p0 $0x1C01  }
0x48: {  	[timem:s3], [sflag:s2] =	dma.local @!p0 [hbm:s0], s1  }
0x49: {  	s0 =	simm.s32 @!p0 $0x1  }
0x4a: {  	_ =	swait.ge @!p0 [sflag:s0], s1  }
0x4b: {  	s1 =	ssub.s32 @!p0 $0x0, s1;
	[sflag:s0] =	ssyncset.done @!p0 $0x0  }
0x4c: {  	[sflag:s0] =	ssyncadd.s32 @!p0 s1  }
0x4d: {  	[bflag:$0x3] =	sbarrier.arrive $0xFFFF  }
0x4e: {  	_ =	shalt  }

// kernel: kernel.13.cloned.1.call-start
scs
__scs_entry_jumppad:
0x0: {  	(pc) =	sbr.rel $0x88, $3  }
0x1: {  	(tag) =	ssettag $0x0;
	lr =	simm.s32 $0x1  }
0x2: {  	[smem:$0x3F93] =	sst lr;
	_ =	strace $0xD0000000  }
0x3: {  	_ = 	snop  }
0x4: {  	_ = 	snop  }
0x5: {  	_ = 	snop  }
0x6: {  	_ = 	snop  }
0x7: {  	_ = 	snop  }
__scs_overlays_trampoline_lowered:
0x8: {  	[smem:$0x3FA2] =	sst s0  }
0x9: {  	[smem:$0x3FA3] =	sst s1  }
0xa: {  	[smem:$0x3FA4] =	sst s2  }
0xb: {  	[smem:$0x3FA5] =	sst s3  }
0xc: {  	[smem:$0x3FA6] =	sst s4  }
0xd: {  	[smem:$0x3FA7] =	sst s5  }
0xe: {  	[smem:$0x3FA8] =	sst s6  }
0xf: {  	[smem:$0x3FA9] =	sst s7  }
0x10: {  	[smem:$0x3FAA] =	sst s8  }
0x11: {  	[smem:$0x3FAB] =	sst s9;
	s0 =	simm.s32 @!p0 $0x0  }
0x12: {  	s1 =	sld [smem:$0x3F91];
	s0 =	simm.s32 @p0 $0x1  }
0x13: {  	[smem:$0x3FAC] =	sst s0;
	s0 =	simm.s32 @!p1 $0x0  }
0x14: {  	s2 =	sld [smem:$0x3F90];
	s0 =	simm.s32 @p1 $0x1  }
0x15: {  	[smem:$0x3FAD] =	sst s0;
	s0 =	simm.s32 @!p2 $0x0  }
0x16: {  	s3 =	sld [smem:$0x3FDB];
	s0 =	simm.s32 @p2 $0x1  }
0x17: {  	s4 =	simm.s32 $0x1BF5;
	[smem:$0x3FAF] =	sst s0  }
0x18: {  	s0 =	sld [smem:$0x3F92];
	_ =	swait.ge [sflag:s4], $0x0  }
0x19: {  	s7 =	sld [smem:$0x3F93]  }
0x1a: {  	s8 =	sadd.s32 $0xFFFFE003, lr  }
0x1b: {  	s9 =	sadd.s32 $0xFFFFFEF7, lr;
	s5 =	simm.s32 $0xFFFFFFFF;
	p2 =	slt.u32 s8, $0xFFFFF086  }
0x1c: {  	p1 =	slt.u32 s9, $0xF7A;
	s5 =	simm.s32 @!p2 $0x0  }
0x1d: {  	s5 =	simm.s32 @p1 $0x1;
	p0 =	seq.s32 s7, s2  }
0x1e: {  	s7 =	smul.u32 @!p0 $0xF7A, s2;
	p2 =	seq.s32 @!p0 s5, $0x0  }
0x1f: {  	s9 =	smul.u32 $0xF7A, s1;
	s8 =	simm.s32 @!p0 $0x1BF5;
	p2 =	por !p2, p0  }
0x20: {  	[sflag:s8] =	ssyncset.s32 @!p0 $0xFFFFF086;
	s6 =	sadd.s32 @!p0 s3, s7;
	s7 =	simm.s32 @!p0 $0x108  }
0x21: {  	s3 =	sadd.s32 s3, s9;
	s6 =	sadd.s32 @!p0 $0x88, s6;
	s7 =	simm.s32 @p2 $0x1082  }
0x22: {  	[simem:s7], [sflag:s8] =	dma.local @!p0 [hbm:s6], $0xF7A  }
0x23: {  	s9 =	sor.u32 $0xD0000000, s2;
	s6 =	simm.s32 $0x108;
	_ =	swait.ge @!p0 [sflag:s8], $0x0  }
0x24: {  	s3 =	sadd.s32 $0x88, s3;
	s6 =	simm.s32 @!p1 $0x1082;
	[sflag:s4] =	ssyncset.s32 $0xFFFFF086  }
0x25: {  	[simem:s6], [sflag:s4] =	dma.local [hbm:s3], $0xF7A  }
0x26: {  	[smem:$0x3F93] =	sst s1;
	(tag) =	ssettag s2;
	_ =	strace s9  }
0x27: {  	s1 =	sld [smem:$0x3FA3]  }
0x28: {  	s2 =	sld [smem:$0x3FA4]  }
0x29: {  	s4 =	sld [smem:$0x3FA6]  }
0x2a: {  	p0 =	seq.s32 s5, $0x0;
	s5 =	sld [smem:$0x3FA7]  }
0x2b: {  	s6 =	sld [smem:$0x3FA8]  }
0x2c: {  	s7 =	sld [smem:$0x3FA9]  }
0x2d: {  	s3 =	simm.s32 $0x108;
	s8 =	sld [smem:$0x3FAA]  }
0x2e: {  	s3 =	simm.s32 @!p0 $0x1082;
	s9 =	sld [smem:$0x3FAB]  }
0x2f: {  	lr =	sadd.s32 s0, s3;
	s0 =	sld [smem:$0x3FA2]  }
0x30: {  	s3 =	sld [smem:$0x3FA5]  }
0x31: {  	[smem:$0x3FAE] =	sst s10  }
0x32: {  	s10 =	sld [smem:$0x3FAC];
	_ =	sdelay $0x3  }
0x33: {  	p0 =	seq.s32 s10, $0x1;
	s10 =	sld [smem:$0x3FAE];
	_ =	sdelay $0x3  }
0x34: {  	[smem:$0x3FAE] =	sst s10  }
0x35: {  	s10 =	sld [smem:$0x3FAD];
	_ =	sdelay $0x3  }
0x36: {  	p1 =	seq.s32 s10, $0x1;
	s10 =	sld [smem:$0x3FAE];
	_ =	sdelay $0x3  }
0x37: {  	[smem:$0x3FAE] =	sst s10  }
0x38: {  	s10 =	sld [smem:$0x3FAF]  }
0x39: {  	_ = 	snop;
	(pc) =	sbr.ind lr, $3  }
0x3a: {  	_ = 	snop  }
0x3b: {  	_ = 	snop  }
0x3c: {  	p2 =	seq.s32 s10, $0x1;
	s10 =	sld [smem:$0x3FAE]  }
0x3d: {  	_ =	shalt  }
0x3e: {  	_ =	shalt  }
0x3f: {  	_ =	shalt  }
0x40: {  	_ =	shalt  }
0x41: {  	_ =	shalt  }
0x42: {  	_ =	shalt  }
0x43: {  	_ =	shalt  }
0x44: {  	_ =	shalt  }
0x45: {  	_ =	shalt  }
0x46: {  	_ =	shalt  }
0x47: {  	_ =	shalt  }
0x48: {  	_ =	shalt  }
0x49: {  	_ =	shalt  }
0x4a: {  	_ =	shalt  }
0x4b: {  	_ =	shalt  }
0x4c: {  	_ =	shalt  }
0x4d: {  	_ =	shalt  }
0x4e: {  	_ =	shalt  }
0x4f: {  	_ =	shalt  }
0x50: {  	_ =	shalt  }
0x51: {  	_ =	shalt  }
0x52: {  	_ =	shalt  }
0x53: {  	_ =	shalt  }
0x54: {  	_ =	shalt  }
0x55: {  	_ =	shalt  }
0x56: {  	_ =	shalt  }
0x57: {  	_ =	shalt  }
0x58: {  	_ =	shalt  }
0x59: {  	_ =	shalt  }
0x5a: {  	_ =	shalt  }
0x5b: {  	_ =	shalt  }
0x5c: {  	_ =	shalt  }
0x5d: {  	_ =	shalt  }
0x5e: {  	_ =	shalt  }
0x5f: {  	_ =	shalt  }
0x60: {  	_ =	shalt  }
0x61: {  	_ =	shalt  }
0x62: {  	_ =	shalt  }
0x63: {  	_ =	shalt  }
0x64: {  	_ =	shalt  }
0x65: {  	_ =	shalt  }
0x66: {  	_ =	shalt  }
0x67: {  	_ =	shalt  }
0x68: {  	_ =	shalt  }
0x69: {  	_ =	shalt  }
0x6a: {  	_ =	shalt  }
0x6b: {  	_ =	shalt  }
0x6c: {  	_ =	shalt  }
0x6d: {  	_ =	shalt  }
0x6e: {  	_ =	shalt  }
0x6f: {  	_ =	shalt  }
0x70: {  	_ =	shalt  }
0x71: {  	_ =	shalt  }
0x72: {  	_ =	shalt  }
0x73: {  	_ =	shalt  }
0x74: {  	_ =	shalt  }
0x75: {  	_ =	shalt  }
0x76: {  	_ =	shalt  }
0x77: {  	_ =	shalt  }
0x78: {  	_ =	shalt  }
0x79: {  	_ =	shalt  }
0x7a: {  	_ =	shalt  }
0x7b: {  	_ =	shalt  }
0x7c: {  	_ =	shalt  }
0x7d: {  	_ =	shalt  }
0x7e: {  	_ =	shalt  }
0x7f: {  	_ =	shalt  }
0x80: {  	_ =	shalt  }
0x81: {  	_ =	shalt  }
0x82: {  	_ =	shalt  }
0x83: {  	_ =	shalt  }
0x84: {  	_ =	shalt  }
0x85: {  	_ =	shalt  }
0x86: {  	_ =	shalt  }
0x87: {  	_ =	shalt  }
.Lfunc_end0:
.L_simem_size_0:
called_computation.1_lowered:
.L_overlay_start_0:
0x88: {  	s2 =	sld [smem:$0x3FD9]  }
0x89: {  	s3 =	sld [smem:$0x3FFE];
	_ =	sdelay $0x1  }
0x8a: {  	s1 =	srdreg.scid  }
0x8b: {  	s0 =	sand.u32 $0x1, s1  }
0x8c: {  	s16 =	sshll.u32 s0, $0xA;
	s2 =	sadd.s32 s3, s2  }
0x8d: {  	s2 =	sadd.s32 s2, s16  }
0x8e: {  	[smem:$0x3FBA] =	sst s2  }
0x8f: {  	_ = 	snop  }
0x90: {  	(tm) =	ssettm $0x1  }
0x91: {  	s17 =	sld [smem:$0x3FFB];
	_ =	sdelay $0x3  }
0x92: {  	_ =	strace s17  }
0x93: {  	s2 =	sld [smem:$0x3FFC];
	_ =	sdelay $0x3  }
0x94: {  	_ =	strace s2  }
0x95: {  	s2 =	sld [smem:$0x3FFD];
	_ =	sdelay $0x3  }
0x96: {  	_ =	strace s2  }
0x97: {  	_ =	strace $0x8FFFFFFF  }
0x98: {  	s18 =	sld [smem:$0x3FDB];
	_ =	sdelay $0x1  }
0x99: {  	s19 =	simm.s32 $_scs_section_size  }
0x9a: {  	s4 =	simm.s32 $_size__tile_overlayer_lowered;
	s5 =	simm.s32 $_tile_overlayer_lowered  }
0x9b: {  	s22 =	simm.s32 $0x1BFF;
	s21 =	sshll.u32 s5, $0x1;
	s2 =	sadd.s32 s19, s18  }
0x9c: {  	s6 =	simm.s32 $0x0;
	s20 =	sshll.u32 s4, $0x1;
	s4 =	sadd.s32 s21, s2  }
0x9d: {  	[timem:s6], [sflag:s22] =	dma.local [hbm:s4], s20  }
0x9e: {  	_ =	swait.ge [sflag:s22], s20  }
0x9f: {  	s3 =	ssub.s32 $0x0, s20;
	[sflag:s22] =	ssyncset.done $0x0  }
0xa0: {  	[sflag:s22] =	ssyncadd.s32 s3;
	_ =	sdelay $0x1  }
0xa1: {  	s23 =	simm.s32 $0x1B8B  }
0xa2: {  	_ =	swait.ge [sflag:s23], $0x1  }
0xa3: {  	[sflag:s23] =	ssyncset.done $0x0  }
0xa4: {  	s25 =	simm.s32 $0x1B8E;
	s24 =	sld [smem:$0x3FFE];
	[sflag:s23] =	ssyncadd.s32 $0xFFFFFFFF  }
0xa5: {  	s26 =	simm.s32 $execute0_lowered;
	[smem:$0x3FD2] =	sst s25  }
0xa6: {  	s4 =	sshll.u32 s26, $0x1;
	_ =	strace $0x80000049;
	[dreg:$0x1] =	wrdreg $0xFFFFFFFF  }
0xa7: {  	s28 =	simm.s32 $_size_execute0_lowered;
	s2 =	sadd.s32 s2, s4;
	[dreg:$0x0] =	wrdreg $0x0  }
0xa8: {  	s4 =	sshll.u32 s28, $0x1;
	[dreg:$0x2] =	wrdreg s2  }
0xa9: {  	[dreg:$0x3] =	wrdreg s4  }
0xaa: {  	[dreg:$0x4] =	wrdreg $0xC0  }
0xab: {  	_ =	task [dreg:s6], $0x5FFFF  }
0xac: {  	[dreg:$0x1] =	wrdreg $0xFFFFFFFF  }
0xad: {  	[dreg:$0x0] =	wrdreg $0x60  }
0xae: {  	[dreg:$0x2] =	wrdreg s24  }
0xaf: {  	[dreg:$0x3] =	wrdreg $0x9  }
0xb0: {  	_ =	task.clear_ibuf [dreg:s6], $0x4FFFF;
	_ =	strace $0x90000049  }
0xb1: {  	s29 =	simm.s32 $0x9;
	_ =	strace $0x80000052  }
0xb2: {  	_ =	swait.ge [sflag:s29], $0x1  }
0xb3: {  	[sflag:s29] =	ssyncadd.s32 $0xFFFFFFFF  }
0xb4: {  	_ =	strace $0x90000052  }
0xb5: {  	_ =	sfence  }
0xb6: {  	s30 =	sld [smem:$0x0];
	_ =	sdelay $0x2  }
0xb7: {  	s31 =	sshll.u32 s1, $0xD;
	s1 =	sshrl.u32 s1, $0x2  }
0xb8: {  	s3 =	sand.u32 $0x4000, s31;
	s1 =	sadd.s32 s1, s30  }
0xb9: {  	s0 =	sor.u32 s3, s0;
	s1 =	sshll.u32 s1, $0x11  }
0xba: {  	s0 =	sor.u32 s1, s0  }
0xbb: {  	s0 =	sadd.s32 $0x8F2B, s0  }
0xbc: {  	[sflag:s0] =	ssyncadd.remote.s32 $0x1  }
0xbd: {  	_ =	sfence.sel $0xFFFF  }
0xbe: {  	[dreg:$0x0] =	wrdreg $0xFFFFFFFF;
	(pc) =	sbr.abs _section_cstart, $3  }
0xbf: {  	[dreg:$0x1] =	wrdreg $0xFFFFFFFF  }
0xc0: {  	_ =	task.clear_ibuf [dreg:s6], $0x2FFFF;
	_ =	strace $0x9FFFFFFF  }
0xc1: {  	(tm) =	ssettm $0x7FFFFFFF  }
tec
execute0_lowered:
.L_overlay_start_1:
0x0: {  	(tag) =	ssettag $0x1  }
0x1: {  	s4 =	rddreg [dreg:$0x0]  }
0x2: {  	s0 =	rddreg [dreg:$0x1];
	s1 =	simm.s32 $0x0  }
0x3: {  	s2 =	srdreg.scid;
	s10 =	simm.s32 $0x0;
	[smem:$0x7FF] =	sst s1  }
0x4: {  	s5 =	sand.u32 $0x1, s2;
	s2 =	stileid.u32;
	s3 =	sadd.s32 $0x88A00, s4  }
0x5: {  	s7 =	sadd.s32 $0x10A200, s4;
	s4 =	sadd.s32 $0x108A00, s4;
	s6 =	sshll.u32 s5, $0x4  }
0x6: {  	_ =	strace $0x8000004A;
	s5 =	ssub.s32 $0x2, s5;
	s6 =	sor.u32 s2, s6  }
0x7: {  	v2 =	vlaneseq.u32;
	[dreg:$0x2] =	wrdreg s7;
	s8 =	sshrl.u32 s5, $0x1;
	s9 =	smul.u32 $0xC0, s6  }
0x8: {  	vm0 =	vmmov $0xffff;
	v1 =	vshrl.u32 v2, $0x3;
	s31 =	ssub.s32 s5, s8;
	s5 =	smul.u32 $0xC, s6;
	s8 =	simm.s32 $0x5  }
0x9: {  	v0 =	vand.u32 $0x7, v2;
	v2 =	vor.u32 $0x8, v2;
	v1 =	vmul.u32 $0x8, v1;
	s7 =	smax.u32 s31, $0x1;
	s6 =	sadd.s32 s4, s9;
	s9 =	simm.s32 $0x4  }
.LBB2_1:
0xa: {  	_ =	strace $0x8000004B;
	s11 =	simm.s32 $0xC  }
0xb: {  	s12 =	simm.s32 $0x0;
	s13 =	simm.s32 $0x0;
	s14 =	simm.s32 $0x0  }
0xc: {  	[tilespmem:s1], [sflag:$0x1] =	stream.linear.gather [hbm4b:s6+s1], $0x80, $0x200038;
	[tilespmem:$0x10100] =	vst v63  }
0xd: {  	s15 =	simm.s32 $0x0;
	s16 =	simm.s32 $0x1;
	_ =	strace $0x9000004B  }
.LBB2_2:
0xe: {  	s17 =	smov.u32 s12;
	s12 =	sadd.s32 $0x1, s12  }
0xf: {  	p0 =	seq.s32 s12, $0xC  }
0x10: {  	s12 =	simm.s32 @p0 $0x0  }
0x11: {  	p6 =	sne.s32 s11, $0x1;
	p1 =	sne.s32 s17, s12  }
0x12: {  	p0 =	por !p6, !p1  }
0x13: {  	p0 =	por !p0, !p0  }
0x14: {  	s18 =	sadd.s32 @p0 s5, s12  }
0x15: {  	s19 =	sand.u32 @p0 $0x1, s16;
	s18 =	sshll.u32 @p0 s18, $0x4  }
0x16: {  	_ =	strace @p0 $0x8000004C;
	s21 =	simm.s32 @p0 $0x0;
	s18 =	sand.u32 @p0 $0x1FFFFFF0, s18  }
0x17: {  	s20 =	sshll.u32 @p0 s19, $0x7;
	s19 =	sadd.s32 @p0 $0x1, s19;
	s18 =	sadd.s32 @p0 s4, s18  }
0x18: {  	[tilespmem:s20], [sflag:s19] =	stream.linear.gather @p0 [hbm4b:s18+s21], $0x80, $0x200038;
	[tilespmem:$0x10100] =	vst v63  }
0x19: {  	s24 =	sand.u32 $0x1, s15;
	_ =	strace @p0 $0x9000004C  }
0x1a: {  	s18 =	sadd.s32 $0x1, s24;
	_ =	strace $0x8000004D  }
0x1b: {  	_ =	swait.ge [sflag:s18], $0x80  }
0x1c: {  	[sflag:s18] =	ssyncset.done $0x0  }
0x1d: {  	[sflag:s18] =	ssyncadd.s32 $0xFFFFFF80  }
0x1e: {  	s25 =	sshll.u32 s15, $0x7;
	_ =	strace $0x9000004D  }
0x1f: {  	s21 =	sand.u32 $0x80, s25;
	_ =	strace $0x8000004E  }
0x20: {  	v3 =	vld [tilespmem:s21+$0x0];
	_ =	sdelay $0x4  }
0x21: {  	v4 =	vshll.u32 v3, $0x1  }
0x22: {  	v3 =	vand.u32 $0x7, v3;
	v4 =	vand.u32 $0xFFFFFFF0, v4  }
0x23: {  	v3 =	vor.u32 v3, v4  }
0x24: {  	v4 =	vperm.xlane v3, v0;
	_ =	sdelay $0x1  }
0x25: {  	v3 =	vperm.xlane v3, v2;
	v4 =	vadd.s32 v1, v4;
	_ =	sdelay $0x1  }
0x26: {  	s18 =	sand.u32 $0x1, s14;
	v3 =	vadd.s32 v1, v3  }
0x27: {  	s20 =	sshll.u32 s18, $0xF  }
0x28: {  	s19 =	sor.u32 $0x100, s20  }
0x29: {  	[tilespmem:s19], [sflag:$0x5] =	stream.indirect_vreg.gather [hbm4b:s3+s1], $0x80, v4, vm0, $0x2000b8;
	[tilespmem:$0x10100] =	vst v63  }
0x2a: {  	s22 =	sor.u32 $0x900, s20  }
0x2b: {  	[tilespmem:s22], [sflag:$0x5] =	stream.indirect_vreg.gather [hbm4b:s3+s1], $0x80, v3, vm0, $0x2000b8;
	[tilespmem:$0x10100] =	vst v63  }
0x2c: {  	v3 =	vld [tilespmem:s21+$0x10];
	_ =	sdelay $0x4  }
0x2d: {  	v57 =	vshll.u32 v3, $0x1  }
0x2e: {  	v3 =	vand.u32 $0x7, v3;
	v4 =	vand.u32 $0xFFFFFFF0, v57  }
0x2f: {  	v3 =	vor.u32 v3, v4  }
0x30: {  	v4 =	vperm.xlane v3, v0;
	_ =	sdelay $0x1  }
0x31: {  	v3 =	vperm.xlane v3, v2;
	v4 =	vadd.s32 v1, v4;
	_ =	sdelay $0x1  }
0x32: {  	v3 =	vadd.s32 v1, v3;
	_ =	sdelay $0x1  }
0x33: {  	s26 =	sor.u32 $0x1100, s20  }
0x34: {  	[tilespmem:s26], [sflag:$0x5] =	stream.indirect_vreg.gather [hbm4b:s3+s1], $0x80, v4, vm0, $0x2000b8;
	[tilespmem:$0x10100] =	vst v63  }
0x35: {  	s28 =	sor.u32 $0x1900, s20  }
0x36: {  	[tilespmem:s28], [sflag:$0x5] =	stream.indirect_vreg.gather [hbm4b:s3+s1], $0x80, v3, vm0, $0x2000b8;
	[tilespmem:$0x10100] =	vst v63  }
0x37: {  	v3 =	vld [tilespmem:s21+$0x20];
	_ =	sdelay $0x4  }
0x38: {  	v58 =	vshll.u32 v3, $0x1  }
0x39: {  	v3 =	vand.u32 $0x7, v3;
	v4 =	vand.u32 $0xFFFFFFF0, v58  }
0x3a: {  	v3 =	vor.u32 v3, v4  }
0x3b: {  	v4 =	vperm.xlane v3, v0;
	_ =	sdelay $0x1  }
0x3c: {  	v3 =	vperm.xlane v3, v2;
	v4 =	vadd.s32 v1, v4;
	_ =	sdelay $0x1  }
0x3d: {  	v3 =	vadd.s32 v1, v3;
	_ =	sdelay $0x1  }
0x3e: {  	s29 =	sor.u32 $0x2100, s20  }
0x3f: {  	[tilespmem:s29], [sflag:$0x5] =	stream.indirect_vreg.gather [hbm4b:s3+s1], $0x80, v4, vm0, $0x2000b8;
	[tilespmem:$0x10100] =	vst v63  }
0x40: {  	s30 =	sor.u32 $0x2900, s20  }
0x41: {  	[tilespmem:s30], [sflag:$0x5] =	stream.indirect_vreg.gather [hbm4b:s3+s1], $0x80, v3, vm0, $0x2000b8;
	[tilespmem:$0x10100] =	vst v63  }
0x42: {  	v3 =	vld [tilespmem:s21+$0x30];
	_ =	sdelay $0x4  }
0x43: {  	v59 =	vshll.u32 v3, $0x1  }
0x44: {  	v3 =	vand.u32 $0x7, v3;
	v4 =	vand.u32 $0xFFFFFFF0, v59  }
0x45: {  	v3 =	vor.u32 v3, v4  }
0x46: {  	v4 =	vperm.xlane v3, v0;
	_ =	sdelay $0x1  }
0x47: {  	v3 =	vperm.xlane v3, v2;
	v4 =	vadd.s32 v1, v4;
	_ =	sdelay $0x1  }
0x48: {  	v3 =	vadd.s32 v1, v3;
	_ =	sdelay $0x1  }
0x49: {  	s31 =	sor.u32 $0x3100, s20  }
0x4a: {  	[tilespmem:s31], [sflag:$0x5] =	stream.indirect_vreg.gather [hbm4b:s3+s1], $0x80, v4, vm0, $0x2000b8;
	[tilespmem:$0x10100] =	vst v63  }
0x4b: {  	s23 =	sor.u32 $0x3900, s20  }
0x4c: {  	[tilespmem:s23], [sflag:$0x5] =	stream.indirect_vreg.gather [hbm4b:s3+s1], $0x80, v3, vm0, $0x2000b8;
	[tilespmem:$0x10100] =	vst v63  }
0x4d: {  	v3 =	vld [tilespmem:s21+$0x40];
	_ =	sdelay $0x4  }
0x4e: {  	v60 =	vshll.u32 v3, $0x1  }
0x4f: {  	v3 =	vand.u32 $0x7, v3;
	v4 =	vand.u32 $0xFFFFFFF0, v60  }
0x50: {  	v3 =	vor.u32 v3, v4  }
0x51: {  	v4 =	vperm.xlane v3, v0;
	_ =	sdelay $0x1  }
0x52: {  	v3 =	vperm.xlane v3, v2;
	v4 =	vadd.s32 v1, v4;
	_ =	sdelay $0x1  }
0x53: {  	v3 =	vadd.s32 v1, v3;
	_ =	sdelay $0x1  }
0x54: {  	s24 =	sor.u32 $0x4100, s20  }
0x55: {  	[tilespmem:s24], [sflag:$0x5] =	stream.indirect_vreg.gather [hbm4b:s3+s1], $0x80, v4, vm0, $0x2000b8;
	[tilespmem:$0x10100] =	vst v63  }
0x56: {  	s25 =	sor.u32 $0x4900, s20  }
0x57: {  	[tilespmem:s25], [sflag:$0x5] =	stream.indirect_vreg.gather [hbm4b:s3+s1], $0x80, v3, vm0, $0x2000b8;
	[tilespmem:$0x10100] =	vst v63  }
0x58: {  	v3 =	vld [tilespmem:s21+$0x50];
	_ =	sdelay $0x4  }
0x59: {  	v61 =	vshll.u32 v3, $0x1  }
0x5a: {  	v3 =	vand.u32 $0x7, v3;
	v4 =	vand.u32 $0xFFFFFFF0, v61  }
0x5b: {  	v3 =	vor.u32 v3, v4  }
0x5c: {  	v4 =	vperm.xlane v3, v0;
	_ =	sdelay $0x1  }
0x5d: {  	v3 =	vperm.xlane v3, v2;
	v4 =	vadd.s32 v1, v4;
	_ =	sdelay $0x1  }
0x5e: {  	v3 =	vadd.s32 v1, v3;
	_ =	sdelay $0x1  }
0x5f: {  	s26 =	sor.u32 $0x5100, s20  }
0x60: {  	[tilespmem:s26], [sflag:$0x5] =	stream.indirect_vreg.gather [hbm4b:s3+s1], $0x80, v4, vm0, $0x2000b8;
	[tilespmem:$0x10100] =	vst v63  }
0x61: {  	s28 =	sor.u32 $0x5900, s20  }
0x62: {  	[tilespmem:s28], [sflag:$0x5] =	stream.indirect_vreg.gather [hbm4b:s3+s1], $0x80, v3, vm0, $0x2000b8;
	[tilespmem:$0x10100] =	vst v63  }
0x63: {  	v3 =	vld [tilespmem:s21+$0x60];
	_ =	sdelay $0x4  }
0x64: {  	v62 =	vshll.u32 v3, $0x1  }
0x65: {  	v3 =	vand.u32 $0x7, v3;
	v4 =	vand.u32 $0xFFFFFFF0, v62  }
0x66: {  	v3 =	vor.u32 v3, v4  }
0x67: {  	v4 =	vperm.xlane v3, v0;
	_ =	sdelay $0x1  }
0x68: {  	v3 =	vperm.xlane v3, v2;
	v4 =	vadd.s32 v1, v4;
	_ =	sdelay $0x1  }
0x69: {  	v3 =	vadd.s32 v1, v3;
	_ =	sdelay $0x1  }
0x6a: {  	s29 =	sor.u32 $0x6100, s20  }
0x6b: {  	[tilespmem:s29], [sflag:$0x5] =	stream.indirect_vreg.gather [hbm4b:s3+s1], $0x80, v4, vm0, $0x2000b8;
	[tilespmem:$0x10100] =	vst v63  }
0x6c: {  	s30 =	sor.u32 $0x6900, s20  }
0x6d: {  	[tilespmem:s30], [sflag:$0x5] =	stream.indirect_vreg.gather [hbm4b:s3+s1], $0x80, v3, vm0, $0x2000b8;
	[tilespmem:$0x10100] =	vst v63  }
0x6e: {  	v3 =	vld [tilespmem:s21+$0x70];
	_ =	sdelay $0x4  }
0x6f: {  	v63 =	vshll.u32 v3, $0x1  }
0x70: {  	v3 =	vand.u32 $0x7, v3;
	v4 =	vand.u32 $0xFFFFFFF0, v63  }
0x71: {  	v3 =	vor.u32 v3, v4  }
0x72: {  	v4 =	vperm.xlane v3, v0;
	_ =	sdelay $0x1  }
0x73: {  	v3 =	vperm.xlane v3, v2;
	v4 =	vadd.s32 v1, v4;
	_ =	sdelay $0x1  }
0x74: {  	v3 =	vadd.s32 v1, v3;
	_ =	sdelay $0x1  }
0x75: {  	s31 =	sor.u32 $0x7100, s20  }
0x76: {  	[tilespmem:s31], [sflag:$0x5] =	stream.indirect_vreg.gather [hbm4b:s3+s1], $0x80, v4, vm0, $0x2000b8;
	[tilespmem:$0x10100] =	vst v63  }
0x77: {  	s20 =	sor.u32 $0x7900, s20  }
0x78: {  	[tilespmem:s20], [sflag:$0x5] =	stream.indirect_vreg.gather [hbm4b:s3+s1], $0x80, v3, vm0, $0x2000b8;
	[tilespmem:$0x10100] =	vst v63  }
0x79: {  	_ =	swait.ge [sflag:s8], $0x8000  }
0x7a: {  	p2 =	seq.s32 s11, $0x1;
	[sflag:s8] =	ssyncset.done $0x0  }
0x7b: {  	s17 =	sadd.s32 s5, s17;
	p1 =	por p2, p1;
	[sflag:s8] =	ssyncadd.s32 $0xFFFF8000  }
0x7c: {  	s17 =	sshll.u32 @p1 s17, $0xC;
	_ =	strace $0x9000004E  }
0x7d: {  	s17 =	sand.u32 @p1 $0x1FFFF000, s17;
	s21 =	simm.s32 $0x1;
	_ =	strace @p1 $0x8000004F  }
0x7e: {  	s18 =	sadd.s32 @p1 $0x3, s18;
	s21 =	simm.s32 @!p0 $0x0;
	s20 =	rddreg [dreg:$0x2]  }
0x7f: {  	p0 =	seq.s32 s11, $0xC;
	s17 =	sadd.s32 @p1 s20, s17;
	s20 =	simm.s32 @p1 $0x0  }
0x80: {  	[hbm4b:s17+s20] =	stream.linear.scatter @p1 [tilespmem:s19], [sflag:s18], $0x8000, $0x200038;
	[tilespmem:$0x10100] =	vst v63  }
0x81: {  	s17 =	simm.s32 $0x1;
	s19 =	simm.s32 $0x1;
	_ =	strace @p1 $0x9000004F  }
0x82: {  	s17 =	simm.s32 @!p1 $0x0;
	p1 =	sne.s32 s11, $0xC;
	s11 =	sadd.s32 $0xFFFFFFFF, s11  }
0x83: {  	s18 =	sand.u32 @!p0 $0x1, s13;
	s19 =	simm.s32 @!p1 $0x0;
	p1 =	sne.s32 s11, $0x0  }
.Ltmp0:
0x84: {  	s18 =	sadd.s32 @!p0 $0x3, s18;
	_ =	strace @!p0 $0x80000050;
	(pc) =	sbr.rel @p1 .LBB2_2-.Ltmp0, $4  }
0x85: {  	_ =	swait.ge @!p0 [sflag:s18], $0x8000  }
0x86: {  	[sflag:s18] =	ssyncset.done @!p0 $0x0  }
0x87: {  	s16 =	sadd.s32 s21, s16;
	s14 =	sadd.s32 s17, s14;
	[sflag:s18] =	ssyncadd.s32 @!p0 $0xFFFF8000  }
0x88: {  	s15 =	sadd.s32 s17, s15;
	s13 =	sadd.s32 s19, s13;
	_ =	strace @!p0 $0x90000050  }
0x89: {  	s10 =	sadd.s32 $0x1, s10  }
0x8a: {  	p0 =	sne.s32 s10, s7  }
.Ltmp1:
0x8b: {  	_ =	strace $0x80000051;
	(pc) =	sbr.rel @p0 .LBB2_1-.Ltmp1, $4  }
0x8c: {  	_ =	swait.ge [sflag:s9], $0x8000  }
0x8d: {  	[sflag:s9] =	ssyncset.done $0x0  }
0x8e: {  	[sflag:s9] =	ssyncadd.s32 $0xFFFF8000  }
0x8f: {  	_ =	strace $0x90000051  }
0x90: {  	_ =	sfence.sel $0x180000  }
0x91: {  	[bflag:$0x0] =	sbarrier.arrive $0xFFFF  }
0x92: {  	p0 =	sne.s32 s2, $0x0;
	_ =	strace $0x9000004A  }
0x93: {  	s0 =	sadd.s32 @!p0 $0x100000, s0;
	[bflag:$0x2] =	sbarrier.arrive $0xFFFF  }
0x94: {  	[sflag:s0] =	ssyncadd.tile.s32 @!p0 $0x1;
	_ =	shalt  }
.Lfunc_end2:
_tile_overlayer_lowered:
.L_overlay_start_2:
0x95: {  	(tag) =	ssettag $0x2  }
0x96: {  	s0 =	rddreg [dreg:$0x0];
	s2 =	stileid.u32  }
0x97: {  	s1 =	rddreg [dreg:$0x1];
	p0 =	sne.s32 s2, $0x0  }
0x98: {  	s3 =	rddreg [dreg:$0x2];
	[bflag:$0x3] =	sbarrier.arrive $0xFFFF;
	s2 =	simm.s32 @!p0 $0x1C01  }
0x99: {  	[timem:s3], [sflag:s2] =	dma.local @!p0 [hbm:s0], s1  }
0x9a: {  	s0 =	simm.s32 @!p0 $0x1  }
0x9b: {  	_ =	swait.ge @!p0 [sflag:s0], s1  }
0x9c: {  	s1 =	ssub.s32 @!p0 $0x0, s1;
	[sflag:s0] =	ssyncset.done @!p0 $0x0  }
0x9d: {  	[sflag:s0] =	ssyncadd.s32 @!p0 s1  }
0x9e: {  	[bflag:$0x3] =	sbarrier.arrive $0xFFFF  }
0x9f: {  	_ =	shalt  }

// kernel: kernel.16.cloned.1.call-start
scs
__scs_entry_jumppad:
0x0: {  	(pc) =	sbr.rel $0x88, $3  }
0x1: {  	(tag) =	ssettag $0x0;
	lr =	simm.s32 $0x1  }
0x2: {  	[smem:$0x3F93] =	sst lr;
	_ =	strace $0xD0000000  }
0x3: {  	_ = 	snop  }
0x4: {  	_ = 	snop  }
0x5: {  	_ = 	snop  }
0x6: {  	_ = 	snop  }
0x7: {  	_ = 	snop  }
__scs_overlays_trampoline_lowered:
0x8: {  	[smem:$0x3FA2] =	sst s0  }
0x9: {  	[smem:$0x3FA3] =	sst s1  }
0xa: {  	[smem:$0x3FA4] =	sst s2  }
0xb: {  	[smem:$0x3FA5] =	sst s3  }
0xc: {  	[smem:$0x3FA6] =	sst s4  }
0xd: {  	[smem:$0x3FA7] =	sst s5  }
0xe: {  	[smem:$0x3FA8] =	sst s6  }
0xf: {  	[smem:$0x3FA9] =	sst s7  }
0x10: {  	[smem:$0x3FAA] =	sst s8  }
0x11: {  	[smem:$0x3FAB] =	sst s9;
	s0 =	simm.s32 @!p0 $0x0  }
0x12: {  	s1 =	sld [smem:$0x3F91];
	s0 =	simm.s32 @p0 $0x1  }
0x13: {  	[smem:$0x3FAC] =	sst s0;
	s0 =	simm.s32 @!p1 $0x0  }
0x14: {  	s2 =	sld [smem:$0x3F90];
	s0 =	simm.s32 @p1 $0x1  }
0x15: {  	[smem:$0x3FAD] =	sst s0;
	s0 =	simm.s32 @!p2 $0x0  }
0x16: {  	s3 =	sld [smem:$0x3FDB];
	s0 =	simm.s32 @p2 $0x1  }
0x17: {  	s4 =	simm.s32 $0x1BF5;
	[smem:$0x3FAF] =	sst s0  }
0x18: {  	s0 =	sld [smem:$0x3F92];
	_ =	swait.ge [sflag:s4], $0x0  }
0x19: {  	s7 =	sld [smem:$0x3F93]  }
0x1a: {  	s8 =	sadd.s32 $0xFFFFE003, lr  }
0x1b: {  	s9 =	sadd.s32 $0xFFFFFEF7, lr;
	s5 =	simm.s32 $0xFFFFFFFF;
	p2 =	slt.u32 s8, $0xFFFFF086  }
0x1c: {  	p1 =	slt.u32 s9, $0xF7A;
	s5 =	simm.s32 @!p2 $0x0  }
0x1d: {  	s5 =	simm.s32 @p1 $0x1;
	p0 =	seq.s32 s7, s2  }
0x1e: {  	s7 =	smul.u32 @!p0 $0xF7A, s2;
	p2 =	seq.s32 @!p0 s5, $0x0  }
0x1f: {  	s9 =	smul.u32 $0xF7A, s1;
	s8 =	simm.s32 @!p0 $0x1BF5;
	p2 =	por !p2, p0  }
0x20: {  	[sflag:s8] =	ssyncset.s32 @!p0 $0xFFFFF086;
	s6 =	sadd.s32 @!p0 s3, s7;
	s7 =	simm.s32 @!p0 $0x108  }
0x21: {  	s3 =	sadd.s32 s3, s9;
	s6 =	sadd.s32 @!p0 $0x88, s6;
	s7 =	simm.s32 @p2 $0x1082  }
0x22: {  	[simem:s7], [sflag:s8] =	dma.local @!p0 [hbm:s6], $0xF7A  }
0x23: {  	s9 =	sor.u32 $0xD0000000, s2;
	s6 =	simm.s32 $0x108;
	_ =	swait.ge @!p0 [sflag:s8], $0x0  }
0x24: {  	s3 =	sadd.s32 $0x88, s3;
	s6 =	simm.s32 @!p1 $0x1082;
	[sflag:s4] =	ssyncset.s32 $0xFFFFF086  }
0x25: {  	[simem:s6], [sflag:s4] =	dma.local [hbm:s3], $0xF7A  }
0x26: {  	[smem:$0x3F93] =	sst s1;
	(tag) =	ssettag s2;
	_ =	strace s9  }
0x27: {  	s1 =	sld [smem:$0x3FA3]  }
0x28: {  	s2 =	sld [smem:$0x3FA4]  }
0x29: {  	s4 =	sld [smem:$0x3FA6]  }
0x2a: {  	p0 =	seq.s32 s5, $0x0;
	s5 =	sld [smem:$0x3FA7]  }
0x2b: {  	s6 =	sld [smem:$0x3FA8]  }
0x2c: {  	s7 =	sld [smem:$0x3FA9]  }
0x2d: {  	s3 =	simm.s32 $0x108;
	s8 =	sld [smem:$0x3FAA]  }
0x2e: {  	s3 =	simm.s32 @!p0 $0x1082;
	s9 =	sld [smem:$0x3FAB]  }
0x2f: {  	lr =	sadd.s32 s0, s3;
	s0 =	sld [smem:$0x3FA2]  }
0x30: {  	s3 =	sld [smem:$0x3FA5]  }
0x31: {  	[smem:$0x3FAE] =	sst s10  }
0x32: {  	s10 =	sld [smem:$0x3FAC];
	_ =	sdelay $0x3  }
0x33: {  	p0 =	seq.s32 s10, $0x1;
	s10 =	sld [smem:$0x3FAE];
	_ =	sdelay $0x3  }
0x34: {  	[smem:$0x3FAE] =	sst s10  }
0x35: {  	s10 =	sld [smem:$0x3FAD];
	_ =	sdelay $0x3  }
0x36: {  	p1 =	seq.s32 s10, $0x1;
	s10 =	sld [smem:$0x3FAE];
	_ =	sdelay $0x3  }
0x37: {  	[smem:$0x3FAE] =	sst s10  }
0x38: {  	s10 =	sld [smem:$0x3FAF]  }
0x39: {  	_ = 	snop;
	(pc) =	sbr.ind lr, $3  }
0x3a: {  	_ = 	snop  }
0x3b: {  	_ = 	snop  }
0x3c: {  	p2 =	seq.s32 s10, $0x1;
	s10 =	sld [smem:$0x3FAE]  }
0x3d: {  	_ =	shalt  }
0x3e: {  	_ =	shalt  }
0x3f: {  	_ =	shalt  }
0x40: {  	_ =	shalt  }
0x41: {  	_ =	shalt  }
0x42: {  	_ =	shalt  }
0x43: {  	_ =	shalt  }
0x44: {  	_ =	shalt  }
0x45: {  	_ =	shalt  }
0x46: {  	_ =	shalt  }
0x47: {  	_ =	shalt  }
0x48: {  	_ =	shalt  }
0x49: {  	_ =	shalt  }
0x4a: {  	_ =	shalt  }
0x4b: {  	_ =	shalt  }
0x4c: {  	_ =	shalt  }
0x4d: {  	_ =	shalt  }
0x4e: {  	_ =	shalt  }
0x4f: {  	_ =	shalt  }
0x50: {  	_ =	shalt  }
0x51: {  	_ =	shalt  }
0x52: {  	_ =	shalt  }
0x53: {  	_ =	shalt  }
0x54: {  	_ =	shalt  }
0x55: {  	_ =	shalt  }
0x56: {  	_ =	shalt  }
0x57: {  	_ =	shalt  }
0x58: {  	_ =	shalt  }
0x59: {  	_ =	shalt  }
0x5a: {  	_ =	shalt  }
0x5b: {  	_ =	shalt  }
0x5c: {  	_ =	shalt  }
0x5d: {  	_ =	shalt  }
0x5e: {  	_ =	shalt  }
0x5f: {  	_ =	shalt  }
0x60: {  	_ =	shalt  }
0x61: {  	_ =	shalt  }
0x62: {  	_ =	shalt  }
0x63: {  	_ =	shalt  }
0x64: {  	_ =	shalt  }
0x65: {  	_ =	shalt  }
0x66: {  	_ =	shalt  }
0x67: {  	_ =	shalt  }
0x68: {  	_ =	shalt  }
0x69: {  	_ =	shalt  }
0x6a: {  	_ =	shalt  }
0x6b: {  	_ =	shalt  }
0x6c: {  	_ =	shalt  }
0x6d: {  	_ =	shalt  }
0x6e: {  	_ =	shalt  }
0x6f: {  	_ =	shalt  }
0x70: {  	_ =	shalt  }
0x71: {  	_ =	shalt  }
0x72: {  	_ =	shalt  }
0x73: {  	_ =	shalt  }
0x74: {  	_ =	shalt  }
0x75: {  	_ =	shalt  }
0x76: {  	_ =	shalt  }
0x77: {  	_ =	shalt  }
0x78: {  	_ =	shalt  }
0x79: {  	_ =	shalt  }
0x7a: {  	_ =	shalt  }
0x7b: {  	_ =	shalt  }
0x7c: {  	_ =	shalt  }
0x7d: {  	_ =	shalt  }
0x7e: {  	_ =	shalt  }
0x7f: {  	_ =	shalt  }
0x80: {  	_ =	shalt  }
0x81: {  	_ =	shalt  }
0x82: {  	_ =	shalt  }
0x83: {  	_ =	shalt  }
0x84: {  	_ =	shalt  }
0x85: {  	_ =	shalt  }
0x86: {  	_ =	shalt  }
0x87: {  	_ =	shalt  }
.Lfunc_end0:
.L_simem_size_0:
called_computation.2_lowered:
.L_overlay_start_0:
0x88: {  	s2 =	sld [smem:$0x3FD9]  }
0x89: {  	s3 =	sld [smem:$0x3FFE];
	_ =	sdelay $0x1  }
0x8a: {  	s1 =	srdreg.scid  }
0x8b: {  	s0 =	sand.u32 $0x1, s1  }
0x8c: {  	s16 =	sshll.u32 s0, $0xA;
	s2 =	sadd.s32 s3, s2  }
0x8d: {  	s2 =	sadd.s32 s2, s16  }
0x8e: {  	[smem:$0x3FBA] =	sst s2  }
0x8f: {  	_ = 	snop  }
0x90: {  	(tm) =	ssettm $0x1  }
0x91: {  	s17 =	sld [smem:$0x3FFB];
	_ =	sdelay $0x3  }
0x92: {  	_ =	strace s17  }
0x93: {  	s2 =	sld [smem:$0x3FFC];
	_ =	sdelay $0x3  }
0x94: {  	_ =	strace s2  }
0x95: {  	s2 =	sld [smem:$0x3FFD];
	_ =	sdelay $0x3  }
0x96: {  	_ =	strace s2  }
0x97: {  	_ =	strace $0x8FFFFFFF  }
0x98: {  	s18 =	sld [smem:$0x3FDB];
	_ =	sdelay $0x1  }
0x99: {  	s19 =	simm.s32 $_scs_section_size  }
0x9a: {  	s4 =	simm.s32 $_size__tile_overlayer_lowered;
	s5 =	simm.s32 $_tile_overlayer_lowered  }
0x9b: {  	s22 =	simm.s32 $0x1BFF;
	s21 =	sshll.u32 s5, $0x1;
	s2 =	sadd.s32 s19, s18  }
0x9c: {  	s6 =	simm.s32 $0x0;
	s20 =	sshll.u32 s4, $0x1;
	s4 =	sadd.s32 s21, s2  }
0x9d: {  	[timem:s6], [sflag:s22] =	dma.local [hbm:s4], s20  }
0x9e: {  	_ =	swait.ge [sflag:s22], s20  }
0x9f: {  	s3 =	ssub.s32 $0x0, s20;
	[sflag:s22] =	ssyncset.done $0x0  }
0xa0: {  	[sflag:s22] =	ssyncadd.s32 s3;
	_ =	sdelay $0x1  }
0xa1: {  	s23 =	simm.s32 $0x1B8B  }
0xa2: {  	_ =	swait.ge [sflag:s23], $0x1  }
0xa3: {  	[sflag:s23] =	ssyncset.done $0x0  }
0xa4: {  	s25 =	simm.s32 $0x1B8E;
	s24 =	sld [smem:$0x3FFE];
	[sflag:s23] =	ssyncadd.s32 $0xFFFFFFFF  }
0xa5: {  	s26 =	simm.s32 $execute0_lowered;
	[smem:$0x3FD2] =	sst s25  }
0xa6: {  	s4 =	sshll.u32 s26, $0x1;
	_ =	strace $0x80000053;
	[dreg:$0x1] =	wrdreg $0xFFFFFFFF  }
0xa7: {  	s28 =	simm.s32 $_size_execute0_lowered;
	s2 =	sadd.s32 s2, s4;
	[dreg:$0x0] =	wrdreg $0x0  }
0xa8: {  	s4 =	sshll.u32 s28, $0x1;
	[dreg:$0x2] =	wrdreg s2  }
0xa9: {  	[dreg:$0x3] =	wrdreg s4  }
0xaa: {  	[dreg:$0x4] =	wrdreg $0xC0  }
0xab: {  	_ =	task [dreg:s6], $0x5FFFF  }
0xac: {  	[dreg:$0x1] =	wrdreg $0xFFFFFFFF  }
0xad: {  	[dreg:$0x0] =	wrdreg $0x60  }
0xae: {  	[dreg:$0x2] =	wrdreg s24  }
0xaf: {  	[dreg:$0x3] =	wrdreg $0x9  }
0xb0: {  	_ =	task.clear_ibuf [dreg:s6], $0x4FFFF;
	_ =	strace $0x90000053  }
0xb1: {  	s29 =	simm.s32 $0x9;
	_ =	strace $0x8000005C  }
0xb2: {  	_ =	swait.ge [sflag:s29], $0x1  }
0xb3: {  	[sflag:s29] =	ssyncadd.s32 $0xFFFFFFFF  }
0xb4: {  	_ =	strace $0x9000005C  }
0xb5: {  	_ =	sfence  }
0xb6: {  	s30 =	sld [smem:$0x0];
	_ =	sdelay $0x2  }
0xb7: {  	s31 =	sshll.u32 s1, $0xD;
	s1 =	sshrl.u32 s1, $0x2  }
0xb8: {  	s3 =	sand.u32 $0x4000, s31;
	s1 =	sadd.s32 s1, s30  }
0xb9: {  	s0 =	sor.u32 s3, s0;
	s1 =	sshll.u32 s1, $0x11  }
0xba: {  	s0 =	sor.u32 s1, s0  }
0xbb: {  	s0 =	sadd.s32 $0x8F2B, s0  }
0xbc: {  	[sflag:s0] =	ssyncadd.remote.s32 $0x1  }
0xbd: {  	_ =	sfence.sel $0xFFFF  }
0xbe: {  	[dreg:$0x0] =	wrdreg $0xFFFFFFFF;
	(pc) =	sbr.abs _section_cstart, $3  }
0xbf: {  	[dreg:$0x1] =	wrdreg $0xFFFFFFFF  }
0xc0: {  	_ =	task.clear_ibuf [dreg:s6], $0x2FFFF;
	_ =	strace $0x9FFFFFFF  }
0xc1: {  	(tm) =	ssettm $0x7FFFFFFF  }
tec
execute0_lowered:
.L_overlay_start_1:
0x0: {  	(tag) =	ssettag $0x1  }
0x1: {  	s5 =	rddreg [dreg:$0x0]  }
0x2: {  	s0 =	rddreg [dreg:$0x1];
	s1 =	simm.s32 $0x0  }
0x3: {  	s2 =	srdreg.scid;
	s9 =	simm.s32 $0x4;
	s10 =	simm.s32 $0x0  }
0x4: {  	[smem:$0x7FF] =	sst s1;
	s3 =	sadd.s32 $0x88800, s5;
	s4 =	sadd.s32 $0x28A200, s5  }
0x5: {  	s6 =	sand.u32 $0x1, s2;
	s2 =	stileid.u32;
	s5 =	sadd.s32 $0x28B200, s5  }
0x6: {  	_ =	strace $0x80000054;
	s7 =	ssub.s32 $0x2, s6;
	s6 =	sshll.u32 s6, $0x4  }
0x7: {  	v2 =	vlaneseq.u32;
	[dreg:$0x2] =	wrdreg s5;
	s8 =	sshrl.u32 s7, $0x1;
	s6 =	sor.u32 s2, s6  }
0x8: {  	vm0 =	vmmov $0xffff;
	v1 =	vshrl.u32 v2, $0x3;
	s7 =	ssub.s32 s7, s8;
	s31 =	sshll.u32 s6, $0x7;
	s5 =	sshll.u32 s6, $0x3  }
0x9: {  	v0 =	vand.u32 $0x7, v2;
	v2 =	vor.u32 $0x8, v2;
	v1 =	vmul.u32 $0x8, v1;
	s8 =	simm.s32 $0x5;
	s6 =	sadd.s32 s4, s31;
	s7 =	smax.u32 s7, $0x1  }
.LBB2_1:
0xa: {  	_ =	strace $0x80000055;
	s11 =	simm.s32 $0x8  }
0xb: {  	s12 =	simm.s32 $0x0;
	s13 =	simm.s32 $0x0;
	s14 =	simm.s32 $0x0  }
0xc: {  	[tilespmem:s1], [sflag:$0x1] =	stream.linear.gather [hbm4b:s6+s1], $0x80, $0x200038;
	[tilespmem:$0x10100] =	vst v63  }
0xd: {  	s15 =	simm.s32 $0x0;
	s16 =	simm.s32 $0x1;
	_ =	strace $0x90000055  }
.LBB2_2:
0xe: {  	s17 =	smov.u32 s12;
	s12 =	sadd.s32 $0x1, s12  }
0xf: {  	p0 =	seq.s32 s12, $0x8  }
0x10: {  	s12 =	simm.s32 @p0 $0x0  }
0x11: {  	p6 =	sne.s32 s11, $0x1;
	p1 =	sne.s32 s17, s12  }
0x12: {  	p0 =	por !p6, !p1  }
0x13: {  	p0 =	por !p0, !p0  }
0x14: {  	s18 =	sadd.s32 @p0 s5, s12  }
0x15: {  	s19 =	sand.u32 @p0 $0x1, s16;
	s18 =	sshll.u32 @p0 s18, $0x4  }
0x16: {  	_ =	strace @p0 $0x80000056;
	s21 =	simm.s32 @p0 $0x0;
	s18 =	sand.u32 @p0 $0x1FFFFFF0, s18  }
0x17: {  	s20 =	sshll.u32 @p0 s19, $0x7;
	s19 =	sadd.s32 @p0 $0x1, s19;
	s18 =	sadd.s32 @p0 s4, s18  }
0x18: {  	[tilespmem:s20], [sflag:s19] =	stream.linear.gather @p0 [hbm4b:s18+s21], $0x80, $0x200038;
	[tilespmem:$0x10100] =	vst v63  }
0x19: {  	s24 =	sand.u32 $0x1, s15;
	_ =	strace @p0 $0x90000056  }
0x1a: {  	s18 =	sadd.s32 $0x1, s24;
	_ =	strace $0x80000057  }
0x1b: {  	_ =	swait.ge [sflag:s18], $0x80  }
0x1c: {  	[sflag:s18] =	ssyncset.done $0x0  }
0x1d: {  	[sflag:s18] =	ssyncadd.s32 $0xFFFFFF80  }
0x1e: {  	s25 =	sshll.u32 s15, $0x7;
	_ =	strace $0x90000057  }
0x1f: {  	s21 =	sand.u32 $0x80, s25;
	_ =	strace $0x80000058  }
0x20: {  	v3 =	vld [tilespmem:s21+$0x0];
	_ =	sdelay $0x4  }
0x21: {  	v4 =	vshll.u32 v3, $0x1  }
0x22: {  	v3 =	vand.u32 $0x7, v3;
	v4 =	vand.u32 $0xFFFFFFF0, v4  }
0x23: {  	v3 =	vor.u32 v3, v4  }
0x24: {  	v4 =	vperm.xlane v3, v0;
	_ =	sdelay $0x1  }
0x25: {  	v3 =	vperm.xlane v3, v2;
	v4 =	vadd.s32 v1, v4;
	_ =	sdelay $0x1  }
0x26: {  	s18 =	sand.u32 $0x1, s14;
	v3 =	vadd.s32 v1, v3  }
0x27: {  	s20 =	sshll.u32 s18, $0xF  }
0x28: {  	s19 =	sor.u32 $0x100, s20  }
0x29: {  	[tilespmem:s19], [sflag:$0x5] =	stream.indirect_vreg.gather [hbm4b:s3+s1], $0x80, v4, vm0, $0x2000b8;
	[tilespmem:$0x10100] =	vst v63  }
0x2a: {  	s22 =	sor.u32 $0x900, s20  }
0x2b: {  	[tilespmem:s22], [sflag:$0x5] =	stream.indirect_vreg.gather [hbm4b:s3+s1], $0x80, v3, vm0, $0x2000b8;
	[tilespmem:$0x10100] =	vst v63  }
0x2c: {  	v3 =	vld [tilespmem:s21+$0x10];
	_ =	sdelay $0x4  }
0x2d: {  	v57 =	vshll.u32 v3, $0x1  }
0x2e: {  	v3 =	vand.u32 $0x7, v3;
	v4 =	vand.u32 $0xFFFFFFF0, v57  }
0x2f: {  	v3 =	vor.u32 v3, v4  }
0x30: {  	v4 =	vperm.xlane v3, v0;
	_ =	sdelay $0x1  }
0x31: {  	v3 =	vperm.xlane v3, v2;
	v4 =	vadd.s32 v1, v4;
	_ =	sdelay $0x1  }
0x32: {  	v3 =	vadd.s32 v1, v3;
	_ =	sdelay $0x1  }
0x33: {  	s26 =	sor.u32 $0x1100, s20  }
0x34: {  	[tilespmem:s26], [sflag:$0x5] =	stream.indirect_vreg.gather [hbm4b:s3+s1], $0x80, v4, vm0, $0x2000b8;
	[tilespmem:$0x10100] =	vst v63  }
0x35: {  	s28 =	sor.u32 $0x1900, s20  }
0x36: {  	[tilespmem:s28], [sflag:$0x5] =	stream.indirect_vreg.gather [hbm4b:s3+s1], $0x80, v3, vm0, $0x2000b8;
	[tilespmem:$0x10100] =	vst v63  }
0x37: {  	v3 =	vld [tilespmem:s21+$0x20];
	_ =	sdelay $0x4  }
0x38: {  	v58 =	vshll.u32 v3, $0x1  }
0x39: {  	v3 =	vand.u32 $0x7, v3;
	v4 =	vand.u32 $0xFFFFFFF0, v58  }
0x3a: {  	v3 =	vor.u32 v3, v4  }
0x3b: {  	v4 =	vperm.xlane v3, v0;
	_ =	sdelay $0x1  }
0x3c: {  	v3 =	vperm.xlane v3, v2;
	v4 =	vadd.s32 v1, v4;
	_ =	sdelay $0x1  }
0x3d: {  	v3 =	vadd.s32 v1, v3;
	_ =	sdelay $0x1  }
0x3e: {  	s29 =	sor.u32 $0x2100, s20  }
0x3f: {  	[tilespmem:s29], [sflag:$0x5] =	stream.indirect_vreg.gather [hbm4b:s3+s1], $0x80, v4, vm0, $0x2000b8;
	[tilespmem:$0x10100] =	vst v63  }
0x40: {  	s30 =	sor.u32 $0x2900, s20  }
0x41: {  	[tilespmem:s30], [sflag:$0x5] =	stream.indirect_vreg.gather [hbm4b:s3+s1], $0x80, v3, vm0, $0x2000b8;
	[tilespmem:$0x10100] =	vst v63  }
0x42: {  	v3 =	vld [tilespmem:s21+$0x30];
	_ =	sdelay $0x4  }
0x43: {  	v59 =	vshll.u32 v3, $0x1  }
0x44: {  	v3 =	vand.u32 $0x7, v3;
	v4 =	vand.u32 $0xFFFFFFF0, v59  }
0x45: {  	v3 =	vor.u32 v3, v4  }
0x46: {  	v4 =	vperm.xlane v3, v0;
	_ =	sdelay $0x1  }
0x47: {  	v3 =	vperm.xlane v3, v2;
	v4 =	vadd.s32 v1, v4;
	_ =	sdelay $0x1  }
0x48: {  	v3 =	vadd.s32 v1, v3;
	_ =	sdelay $0x1  }
0x49: {  	s31 =	sor.u32 $0x3100, s20  }
0x4a: {  	[tilespmem:s31], [sflag:$0x5] =	stream.indirect_vreg.gather [hbm4b:s3+s1], $0x80, v4, vm0, $0x2000b8;
	[tilespmem:$0x10100] =	vst v63  }
0x4b: {  	s23 =	sor.u32 $0x3900, s20  }
0x4c: {  	[tilespmem:s23], [sflag:$0x5] =	stream.indirect_vreg.gather [hbm4b:s3+s1], $0x80, v3, vm0, $0x2000b8;
	[tilespmem:$0x10100] =	vst v63  }
0x4d: {  	v3 =	vld [tilespmem:s21+$0x40];
	_ =	sdelay $0x4  }
0x4e: {  	v60 =	vshll.u32 v3, $0x1  }
0x4f: {  	v3 =	vand.u32 $0x7, v3;
	v4 =	vand.u32 $0xFFFFFFF0, v60  }
0x50: {  	v3 =	vor.u32 v3, v4  }
0x51: {  	v4 =	vperm.xlane v3, v0;
	_ =	sdelay $0x1  }
0x52: {  	v3 =	vperm.xlane v3, v2;
	v4 =	vadd.s32 v1, v4;
	_ =	sdelay $0x1  }
0x53: {  	v3 =	vadd.s32 v1, v3;
	_ =	sdelay $0x1  }
0x54: {  	s24 =	sor.u32 $0x4100, s20  }
0x55: {  	[tilespmem:s24], [sflag:$0x5] =	stream.indirect_vreg.gather [hbm4b:s3+s1], $0x80, v4, vm0, $0x2000b8;
	[tilespmem:$0x10100] =	vst v63  }
0x56: {  	s25 =	sor.u32 $0x4900, s20  }
0x57: {  	[tilespmem:s25], [sflag:$0x5] =	stream.indirect_vreg.gather [hbm4b:s3+s1], $0x80, v3, vm0, $0x2000b8;
	[tilespmem:$0x10100] =	vst v63  }
0x58: {  	v3 =	vld [tilespmem:s21+$0x50];
	_ =	sdelay $0x4  }
0x59: {  	v61 =	vshll.u32 v3, $0x1  }
0x5a: {  	v3 =	vand.u32 $0x7, v3;
	v4 =	vand.u32 $0xFFFFFFF0, v61  }
0x5b: {  	v3 =	vor.u32 v3, v4  }
0x5c: {  	v4 =	vperm.xlane v3, v0;
	_ =	sdelay $0x1  }
0x5d: {  	v3 =	vperm.xlane v3, v2;
	v4 =	vadd.s32 v1, v4;
	_ =	sdelay $0x1  }
0x5e: {  	v3 =	vadd.s32 v1, v3;
	_ =	sdelay $0x1  }
0x5f: {  	s26 =	sor.u32 $0x5100, s20  }
0x60: {  	[tilespmem:s26], [sflag:$0x5] =	stream.indirect_vreg.gather [hbm4b:s3+s1], $0x80, v4, vm0, $0x2000b8;
	[tilespmem:$0x10100] =	vst v63  }
0x61: {  	s28 =	sor.u32 $0x5900, s20  }
0x62: {  	[tilespmem:s28], [sflag:$0x5] =	stream.indirect_vreg.gather [hbm4b:s3+s1], $0x80, v3, vm0, $0x2000b8;
	[tilespmem:$0x10100] =	vst v63  }
0x63: {  	v3 =	vld [tilespmem:s21+$0x60];
	_ =	sdelay $0x4  }
0x64: {  	v62 =	vshll.u32 v3, $0x1  }
0x65: {  	v3 =	vand.u32 $0x7, v3;
	v4 =	vand.u32 $0xFFFFFFF0, v62  }
0x66: {  	v3 =	vor.u32 v3, v4  }
0x67: {  	v4 =	vperm.xlane v3, v0;
	_ =	sdelay $0x1  }
0x68: {  	v3 =	vperm.xlane v3, v2;
	v4 =	vadd.s32 v1, v4;
	_ =	sdelay $0x1  }
0x69: {  	v3 =	vadd.s32 v1, v3;
	_ =	sdelay $0x1  }
0x6a: {  	s29 =	sor.u32 $0x6100, s20  }
0x6b: {  	[tilespmem:s29], [sflag:$0x5] =	stream.indirect_vreg.gather [hbm4b:s3+s1], $0x80, v4, vm0, $0x2000b8;
	[tilespmem:$0x10100] =	vst v63  }
0x6c: {  	s30 =	sor.u32 $0x6900, s20  }
0x6d: {  	[tilespmem:s30], [sflag:$0x5] =	stream.indirect_vreg.gather [hbm4b:s3+s1], $0x80, v3, vm0, $0x2000b8;
	[tilespmem:$0x10100] =	vst v63  }
0x6e: {  	v3 =	vld [tilespmem:s21+$0x70];
	_ =	sdelay $0x4  }
0x6f: {  	v63 =	vshll.u32 v3, $0x1  }
0x70: {  	v3 =	vand.u32 $0x7, v3;
	v4 =	vand.u32 $0xFFFFFFF0, v63  }
0x71: {  	v3 =	vor.u32 v3, v4  }
0x72: {  	v4 =	vperm.xlane v3, v0;
	_ =	sdelay $0x1  }
0x73: {  	v3 =	vperm.xlane v3, v2;
	v4 =	vadd.s32 v1, v4;
	_ =	sdelay $0x1  }
0x74: {  	v3 =	vadd.s32 v1, v3;
	_ =	sdelay $0x1  }
0x75: {  	s31 =	sor.u32 $0x7100, s20  }
0x76: {  	[tilespmem:s31], [sflag:$0x5] =	stream.indirect_vreg.gather [hbm4b:s3+s1], $0x80, v4, vm0, $0x2000b8;
	[tilespmem:$0x10100] =	vst v63  }
0x77: {  	s20 =	sor.u32 $0x7900, s20  }
0x78: {  	[tilespmem:s20], [sflag:$0x5] =	stream.indirect_vreg.gather [hbm4b:s3+s1], $0x80, v3, vm0, $0x2000b8;
	[tilespmem:$0x10100] =	vst v63  }
0x79: {  	_ =	swait.ge [sflag:s8], $0x8000  }
0x7a: {  	p2 =	seq.s32 s11, $0x1;
	[sflag:s8] =	ssyncset.done $0x0  }
0x7b: {  	s17 =	sadd.s32 s5, s17;
	p1 =	por p2, p1;
	[sflag:s8] =	ssyncadd.s32 $0xFFFF8000  }
0x7c: {  	s17 =	sshll.u32 @p1 s17, $0xC;
	_ =	strace $0x90000058  }
0x7d: {  	s17 =	sand.u32 @p1 $0x1FFFF000, s17;
	s21 =	simm.s32 $0x1;
	_ =	strace @p1 $0x80000059  }
0x7e: {  	s18 =	sadd.s32 @p1 $0x3, s18;
	s21 =	simm.s32 @!p0 $0x0;
	s20 =	rddreg [dreg:$0x2]  }
0x7f: {  	p0 =	seq.s32 s11, $0x8;
	s17 =	sadd.s32 @p1 s20, s17;
	s20 =	simm.s32 @p1 $0x0  }
0x80: {  	[hbm4b:s17+s20] =	stream.linear.scatter @p1 [tilespmem:s19], [sflag:s18], $0x8000, $0x200038;
	[tilespmem:$0x10100] =	vst v63  }
0x81: {  	s17 =	simm.s32 $0x1;
	s19 =	simm.s32 $0x1;
	_ =	strace @p1 $0x90000059  }
0x82: {  	s17 =	simm.s32 @!p1 $0x0;
	p1 =	sne.s32 s11, $0x8;
	s11 =	sadd.s32 $0xFFFFFFFF, s11  }
0x83: {  	s18 =	sand.u32 @!p0 $0x1, s13;
	s19 =	simm.s32 @!p1 $0x0;
	p1 =	sne.s32 s11, $0x0  }
.Ltmp0:
0x84: {  	s18 =	sadd.s32 @!p0 $0x3, s18;
	_ =	strace @!p0 $0x8000005A;
	(pc) =	sbr.rel @p1 .LBB2_2-.Ltmp0, $4  }
0x85: {  	_ =	swait.ge @!p0 [sflag:s18], $0x8000  }
0x86: {  	[sflag:s18] =	ssyncset.done @!p0 $0x0  }
0x87: {  	s16 =	sadd.s32 s21, s16;
	s14 =	sadd.s32 s17, s14;
	[sflag:s18] =	ssyncadd.s32 @!p0 $0xFFFF8000  }
0x88: {  	s15 =	sadd.s32 s17, s15;
	s13 =	sadd.s32 s19, s13;
	_ =	strace @!p0 $0x9000005A  }
0x89: {  	s10 =	sadd.s32 $0x1, s10  }
0x8a: {  	p0 =	sne.s32 s10, s7  }
.Ltmp1:
0x8b: {  	_ =	strace $0x8000005B;
	(pc) =	sbr.rel @p0 .LBB2_1-.Ltmp1, $4  }
0x8c: {  	_ =	swait.ge [sflag:s9], $0x8000  }
0x8d: {  	[sflag:s9] =	ssyncset.done $0x0  }
0x8e: {  	[sflag:s9] =	ssyncadd.s32 $0xFFFF8000  }
0x8f: {  	_ =	strace $0x9000005B  }
0x90: {  	_ =	sfence.sel $0x180000  }
0x91: {  	[bflag:$0x0] =	sbarrier.arrive $0xFFFF  }
0x92: {  	p0 =	sne.s32 s2, $0x0;
	_ =	strace $0x90000054  }
0x93: {  	s0 =	sadd.s32 @!p0 $0x100000, s0;
	[bflag:$0x2] =	sbarrier.arrive $0xFFFF  }
0x94: {  	[sflag:s0] =	ssyncadd.tile.s32 @!p0 $0x1;
	_ =	shalt  }
.Lfunc_end2:
_tile_overlayer_lowered:
.L_overlay_start_2:
0x95: {  	(tag) =	ssettag $0x2  }
0x96: {  	s0 =	rddreg [dreg:$0x0];
	s2 =	stileid.u32  }
0x97: {  	s1 =	rddreg [dreg:$0x1];
	p0 =	sne.s32 s2, $0x0  }
0x98: {  	s3 =	rddreg [dreg:$0x2];
	[bflag:$0x3] =	sbarrier.arrive $0xFFFF;
	s2 =	simm.s32 @!p0 $0x1C01  }
0x99: {  	[timem:s3], [sflag:s2] =	dma.local @!p0 [hbm:s0], s1  }
0x9a: {  	s0 =	simm.s32 @!p0 $0x1  }
0x9b: {  	_ =	swait.ge @!p0 [sflag:s0], s1  }
0x9c: {  	s1 =	ssub.s32 @!p0 $0x0, s1;
	[sflag:s0] =	ssyncset.done @!p0 $0x0  }
0x9d: {  	[sflag:s0] =	ssyncadd.s32 @!p0 s1  }
0x9e: {  	[bflag:$0x3] =	sbarrier.arrive $0xFFFF  }
0x9f: {  	_ =	shalt  }

</sc_bundles>
